<compile_context>
chip_gen: v7x
topology: tpu7x:2x2x1
jax: 0.10.2.dev20260603
libtpu: 0.0.44.dev20260713+nightly
codegen_flags: <defaults>
</compile_context>

<pallas_src>
import functools

import jax
import jax.numpy as jnp
from jax import lax
from jax.experimental import pallas as pl
from jax.experimental.pallas import tpu as pltpu
from jax.experimental.pallas import tpu_sc as plsc

_NC, _NS, _L = 2, 16, 16
_NW = _NC * _NS
_C = 256
_R = 4

_TB = 512


def _sc_gather(idx, table, n, d):
    n_chunks = n // (_NW * _C)
    mesh = plsc.VectorSubcoreMesh(core_axis_name="c", subcore_axis_name="s")

    @functools.partial(
        pl.kernel,
        out_type=jax.ShapeDtypeStruct((n, d), jnp.float32),
        mesh=mesh,
        compiler_params=pltpu.CompilerParams(use_tc_tiling_on_sc=False),
        scratch_types=[
            pltpu.VMEM((_R, _C), jnp.int32),
            pltpu.VMEM((_R, _C, 64), jnp.float32),
            pltpu.SemaphoreType.DMA((_R,)),
            pltpu.SemaphoreType.DMA((_R,)),
            pltpu.SemaphoreType.DMA((_R,)),
        ],
    )
    def run(table_hbm, idx_hbm, o_hbm, idx_v, g_v, s_i, s_g, s_o):
        wid = lax.axis_index("s") * _NC + lax.axis_index("c")
        base = wid * (n_chunks * _C)

        def start_idx(i, p):
            off = base + i * _C
            pltpu.async_copy(idx_hbm.at[pl.ds(off, _C)], idx_v.at[p], s_i.at[p])

        def fire_gather(i, p):
            pltpu.make_async_copy(idx_hbm.at[pl.ds(0, _C)], idx_v.at[p],
                                  s_i.at[p]).wait()
            for c in range(0, _C, _L):
                idx_v[p, pl.ds(c, _L)] = idx_v[p, pl.ds(c, _L)] + 1
            pltpu.async_copy(table_hbm.at[idx_v.at[p]], g_v.at[p], s_g.at[p])

        def drain_out(i, p):
            off = base + i * _C
            pltpu.make_async_copy(table_hbm.at[idx_v.at[p]], g_v.at[p],
                                  s_g.at[p]).wait()
            pltpu.async_copy(g_v.at[p], o_hbm.at[pl.ds(off, _C)], s_o.at[p])

        def wait_out(p):
            pltpu.make_async_copy(g_v.at[p], o_hbm.at[pl.ds(0, _C)],
                                  s_o.at[p]).wait()

        start_idx(0, 0)
        start_idx(1, 1)
        fire_gather(0, 0)

        @pl.loop(0, n_chunks, step=_R)
        def _(i0):
            for j in range(_R):
                i = i0 + j
                pa = (j + 2) % _R
                pb = (j + 1) % _R

                @pl.when(i + 2 < n_chunks)
                def _():
                    @pl.when(i + 2 >= _R)
                    def _():
                        wait_out(pa)
                    start_idx(i + 2, pa)

                @pl.when(i + 1 < n_chunks)
                def _():
                    fire_gather(i + 1, pb)

                drain_out(i, j)

        for p in range(_R):
            wait_out(p)

    return run(table, idx)


def _tc_add(g2d, ut, S, D, B):

    H = _TB // 2
    BB = 8192
    K = BB // _TB
    GR = _TB * D // 128

    def body(g_ref, u_ref, o_ref):
        for k in range(K):
            gt = g_ref[k * GR:(k + 1) * GR, :].T
            b0 = k * _TB
            o_ref[0, :, b0:b0 + H] = gt[0:D, :] + u_ref[0, :, b0:b0 + H]
            o_ref[0, :, b0 + H:b0 + _TB] = (
                gt[D:2 * D, :] + u_ref[0, :, b0 + H:b0 + _TB])

    grid = (S, B // BB)
    return pl.pallas_call(
        body,
        grid=grid,
        in_specs=[
            pl.BlockSpec((BB * D // 128, 128),
                         lambda l, bb, nb=B // BB: (l * nb + bb, 0)),
            pl.BlockSpec((1, D, BB), lambda l, bb: (l, 0, bb)),
        ],
        out_specs=pl.BlockSpec((1, D, BB), lambda l, bb: (l, 0, bb)),
        out_shape=jax.ShapeDtypeStruct((S, D, B), jnp.float32),
    )(g2d, ut)


def kernel(z, u, table):
    B, S = z.shape
    D = table.shape[1]
    N = B * S

    zt = z.T
    ut = jnp.transpose(u, (1, 2, 0))

    idx = (zt.astype(jnp.int32)
             .reshape(S, B // _TB, 2, _TB // 2)
             .swapaxes(2, 3)
             .reshape(N))
    g = _sc_gather(idx, table, N, D)
    g2d = g.reshape(N * D // 128, 128)

    vt = _tc_add(g2d, ut, S, D, B)
    v = jnp.transpose(vt, (2, 0, 1))
    return (z, v)

# --- scband reference (transcript-rebuilt; emitter-appended) ---
"""Pipeline reference for scband-label-embed-25786983645302 (READ-ONLY COPY).

The authoritative reference and input builder live on the scoring server;
editing this copy changes nothing except your own understanding.
"""

import jax, jax.numpy as jnp
import numpy as np

B, L, D, V = 16384, 50, 64, 1000000

def setup_inputs(seed: int = 0) -> dict:
    key = jax.random.key(seed)
    k1, k2, k3 = jax.random.split(key, 3)
    # indices in [0, V-2] so that z + 1 < V (module looks up z + 1)
    z = jax.random.randint(k1, (B, L), 0, V - 1, dtype=jnp.int64)
    u = jax.random.normal(k2, (B, L, D), dtype=jnp.float32)
    # learned embedding table (nn.Embedding default init ~ N(0,1))
    table = jax.random.normal(k3, (V, D), dtype=jnp.float32)
    return {"z": z, "u": u, "table": table}

def reference(z, u, table):
    # v = self.map(z + 1); operation == 'sum' -> v = v + u; return (z, v)
    v = jnp.take(table, z + 1, axis=0)
    v = v + u
    return (z, v)

if __name__ == "__main__":
    import jax
    _d = setup_inputs()
    print(jax.jit(kernel)(*tuple(_d.values())))

</pallas_src>

<mosaic_0001>
#map = affine_map<(d0, d1) -> (0, 0)>
#map1 = affine_map<(d0, d1) -> (0)>
module attributes {stable_mosaic.version = 14 : i64} {
  func.func @run(%arg0: i32, %arg1: i32, %arg2: memref<1000000x64xf32, #tpu.memory_space<hbm>>, %arg3: memref<819200xi32, #tpu.memory_space<hbm>>, %arg4: memref<819200x64xf32, #tpu.memory_space<hbm>>, %arg5: memref<4x256xi32, #tpu.memory_space<vmem>>, %arg6: memref<4x256x64xf32, #tpu.memory_space<vmem>>, %arg7: memref<4x!tpu.dma_semaphore, #tpu.memory_space<semaphore_mem>>, %arg8: memref<4x!tpu.dma_semaphore, #tpu.memory_space<semaphore_mem>>, %arg9: memref<4x!tpu.dma_semaphore, #tpu.memory_space<semaphore_mem>>) attributes {dimension_semantics = [#tpu.dimension_semantics<core_parallel>, #tpu.dimension_semantics<subcore_parallel>], iteration_bounds = array<i64: 2, 16>, scalar_prefetch = 0 : i64, scratch_operands = 5 : i64, tpu.core_type = #tpu.core_type<sc_vector_subcore>, window_params = [{transform_indices = #map}, {transform_indices = #map1}, {transform_indices = #map}]} {
    %mul3A = arith.constant 2 : i32
    %mul3A_0 = arith.muli %arg1, %mul3A : i32
    %add3A = arith.addi %mul3A_0, %arg0 : i32
    %mul3A_1 = arith.constant 25600 : i32
    %mul3A_2 = arith.muli %add3A, %mul3A_1 : i32
    %add3A_3 = arith.constant 0 : i32
    %add3A_4 = arith.addi %mul3A_2, %add3A_3 : i32
    %dma_start3A = arith.constant 0 : i32
    %dma_start3A_5 = arith.constant 0 : i32
    %dma_start3A_6 = arith.constant 0 : i32
    %dma_start3A_7 = tpu.memref_slice %arg5[%dma_start3A, %dma_start3A_6] : memref<4x256xi32, #tpu.memory_space<vmem>> -> memref<1x256xi32, #tpu.memory_space<vmem>>
    %dma_start3A_8 = tpu.memref_squeeze %dma_start3A_7 : memref<1x256xi32, #tpu.memory_space<vmem>> -> memref<256xi32, #tpu.memory_space<vmem>>
    %dma_start3A_9 = tpu.memref_slice %arg3[%add3A_4] : memref<819200xi32, #tpu.memory_space<hbm>> -> memref<256xi32, #tpu.memory_space<hbm>>
    %dma_start3A_10 = tpu.memref_slice %arg7[%dma_start3A_5] : memref<4x!tpu.dma_semaphore, #tpu.memory_space<semaphore_mem>> -> memref<1x!tpu.dma_semaphore, #tpu.memory_space<semaphore_mem>>
    %dma_start3A_11 = tpu.memref_squeeze %dma_start3A_10 : memref<1x!tpu.dma_semaphore, #tpu.memory_space<semaphore_mem>> -> memref<!tpu.dma_semaphore, #tpu.memory_space<semaphore_mem>>
    %dma_start3A_12 = arith.constant 0 : i32
    %dma_start3A_13 = tpu.memref_slice %arg5[%dma_start3A, %dma_start3A_12] : memref<4x256xi32, #tpu.memory_space<vmem>> -> memref<1x256xi32, #tpu.memory_space<vmem>>
    %dma_start3A_14 = tpu.memref_squeeze %dma_start3A_13 : memref<1x256xi32, #tpu.memory_space<vmem>> -> memref<256xi32, #tpu.memory_space<vmem>>
    %dma_start3A_15 = tpu.memref_slice %arg3[%add3A_4] : memref<819200xi32, #tpu.memory_space<hbm>> -> memref<256xi32, #tpu.memory_space<hbm>>
    tpu.enqueue_dma source(%dma_start3A_15 : memref<256xi32, #tpu.memory_space<hbm>>) target(%dma_start3A_14 : memref<256xi32, #tpu.memory_space<vmem>>) target_semaphore(%dma_start3A_11 : memref<!tpu.dma_semaphore, #tpu.memory_space<semaphore_mem>>)
    %add3A_16 = arith.constant 256 : i32
    %add3A_17 = arith.addi %mul3A_2, %add3A_16 : i32
    %dma_start3A_18 = arith.constant 1 : i32
    %dma_start3A_19 = arith.constant 1 : i32
    %dma_start3A_20 = arith.constant 0 : i32
    %dma_start3A_21 = tpu.memref_slice %arg5[%dma_start3A_18, %dma_start3A_20] : memref<4x256xi32, #tpu.memory_space<vmem>> -> memref<1x256xi32, #tpu.memory_space<vmem>>
    %dma_start3A_22 = tpu.memref_squeeze %dma_start3A_21 : memref<1x256xi32, #tpu.memory_space<vmem>> -> memref<256xi32, #tpu.memory_space<vmem>>
    %dma_start3A_23 = tpu.memref_slice %arg3[%add3A_17] : memref<819200xi32, #tpu.memory_space<hbm>> -> memref<256xi32, #tpu.memory_space<hbm>>
    %dma_start3A_24 = tpu.memref_slice %arg7[%dma_start3A_19] : memref<4x!tpu.dma_semaphore, #tpu.memory_space<semaphore_mem>> -> memref<1x!tpu.dma_semaphore, #tpu.memory_space<semaphore_mem>>
    %dma_start3A_25 = tpu.memref_squeeze %dma_start3A_24 : memref<1x!tpu.dma_semaphore, #tpu.memory_space<semaphore_mem>> -> memref<!tpu.dma_semaphore, #tpu.memory_space<semaphore_mem>>
    %dma_start3A_26 = arith.constant 0 : i32
    %dma_start3A_27 = tpu.memref_slice %arg5[%dma_start3A_18, %dma_start3A_26] : memref<4x256xi32, #tpu.memory_space<vmem>> -> memref<1x256xi32, #tpu.memory_space<vmem>>
    %dma_start3A_28 = tpu.memref_squeeze %dma_start3A_27 : memref<1x256xi32, #tpu.memory_space<vmem>> -> memref<256xi32, #tpu.memory_space<vmem>>
    %dma_start3A_29 = tpu.memref_slice %arg3[%add3A_17] : memref<819200xi32, #tpu.memory_space<hbm>> -> memref<256xi32, #tpu.memory_space<hbm>>
    tpu.enqueue_dma source(%dma_start3A_29 : memref<256xi32, #tpu.memory_space<hbm>>) target(%dma_start3A_28 : memref<256xi32, #tpu.memory_space<vmem>>) target_semaphore(%dma_start3A_25 : memref<!tpu.dma_semaphore, #tpu.memory_space<semaphore_mem>>)
    %dma_wait3A = arith.constant 0 : i32
    %dma_wait3A_30 = arith.constant 0 : i32
    %dma_wait3A_31 = arith.constant 0 : i32
    %dma_wait3A_32 = tpu.memref_slice %arg5[%dma_wait3A, %dma_wait3A_31] : memref<4x256xi32, #tpu.memory_space<vmem>> -> memref<1x256xi32, #tpu.memory_space<vmem>>
    %dma_wait3A_33 = tpu.memref_squeeze %dma_wait3A_32 : memref<1x256xi32, #tpu.memory_space<vmem>> -> memref<256xi32, #tpu.memory_space<vmem>>
    %dma_wait3A_34 = arith.constant 0 : i32
    %dma_wait3A_35 = tpu.memref_slice %arg3[%dma_wait3A_34] : memref<819200xi32, #tpu.memory_space<hbm>> -> memref<256xi32, #tpu.memory_space<hbm>>
    %dma_wait3A_36 = tpu.memref_slice %arg7[%dma_wait3A_30] : memref<4x!tpu.dma_semaphore, #tpu.memory_space<semaphore_mem>> -> memref<1x!tpu.dma_semaphore, #tpu.memory_space<semaphore_mem>>
    %dma_wait3A_37 = tpu.memref_squeeze %dma_wait3A_36 : memref<1x!tpu.dma_semaphore, #tpu.memory_space<semaphore_mem>> -> memref<!tpu.dma_semaphore, #tpu.memory_space<semaphore_mem>>
    %dma_wait3A_38 = arith.constant 0 : i32
    %dma_wait3A_39 = tpu.memref_slice %arg5[%dma_wait3A, %dma_wait3A_38] : memref<4x256xi32, #tpu.memory_space<vmem>> -> memref<1x256xi32, #tpu.memory_space<vmem>>
    %dma_wait3A_40 = tpu.memref_squeeze %dma_wait3A_39 : memref<1x256xi32, #tpu.memory_space<vmem>> -> memref<256xi32, #tpu.memory_space<vmem>>
    %dma_wait3A_41 = arith.constant 0 : i32
    %dma_wait3A_42 = tpu.memref_slice %arg3[%dma_wait3A_41] : memref<819200xi32, #tpu.memory_space<hbm>> -> memref<256xi32, #tpu.memory_space<hbm>>
    tpu.wait_dma2 semaphore(%dma_wait3A_37 : memref<!tpu.dma_semaphore, #tpu.memory_space<semaphore_mem>>) src(%dma_wait3A_42 : memref<256xi32, #tpu.memory_space<hbm>>) dst(%dma_wait3A_40 : memref<256xi32, #tpu.memory_space<vmem>>)
    %get3A = arith.constant 0 : i32
    %get3A_43 = arith.index_cast %get3A : i32 to index
    %get3A_44 = arith.constant 0 : index
    %get3A_45 = tpu.vector_load %arg5[%get3A_43, %get3A_44] {strides = array<i32>} : memref<4x256xi32, #tpu.memory_space<vmem>>, vector<1x16xi32>,
    %get3A_46 = vector.shape_cast %get3A_45 : vector<1x16xi32> to vector<16xi32>
    %add3A_47 = arith.constant 1 : i32
    %add3A_48 = vector.broadcast %add3A_47 : i32 to vector<16xi32>
    %add3A_49 = arith.addi %get3A_46, %add3A_48 : vector<16xi32>
    %swap3A = arith.constant 0 : i32
    %swap3A_50 = arith.index_cast %swap3A : i32 to index
    %swap3A_51 = arith.constant 0 : index
    %swap3A_52 = tpu.vector_load %arg5[%swap3A_50, %swap3A_51] {strides = array<i32>} : memref<4x256xi32, #tpu.memory_space<vmem>>, vector<1x16xi32>,
    %swap3A_53 = vector.shape_cast %swap3A_52 : vector<1x16xi32> to vector<16xi32>
    %swap3A_54 = vector.shape_cast %add3A_49 : vector<16xi32> to vector<1x16xi32>
    tpu.vector_store %arg5[%swap3A_50, %swap3A_51], %swap3A_54 {strides = array<i32>} : memref<4x256xi32, #tpu.memory_space<vmem>>, vector<1x16xi32>,
    %get3A_55 = arith.constant 0 : i32
    %get3A_56 = arith.index_cast %get3A_55 : i32 to index
    %get3A_57 = arith.constant 16 : index
    %get3A_58 = tpu.vector_load %arg5[%get3A_56, %get3A_57] {strides = array<i32>} : memref<4x256xi32, #tpu.memory_space<vmem>>, vector<1x16xi32>,
    %get3A_59 = vector.shape_cast %get3A_58 : vector<1x16xi32> to vector<16xi32>
    %add3A_60 = arith.constant 1 : i32
    %add3A_61 = vector.broadcast %add3A_60 : i32 to vector<16xi32>
    %add3A_62 = arith.addi %get3A_59, %add3A_61 : vector<16xi32>
    %swap3A_63 = arith.constant 0 : i32
    %swap3A_64 = arith.index_cast %swap3A_63 : i32 to index
    %swap3A_65 = arith.constant 16 : index
    %swap3A_66 = tpu.vector_load %arg5[%swap3A_64, %swap3A_65] {strides = array<i32>} : memref<4x256xi32, #tpu.memory_space<vmem>>, vector<1x16xi32>,
    %swap3A_67 = vector.shape_cast %swap3A_66 : vector<1x16xi32> to vector<16xi32>
    %swap3A_68 = vector.shape_cast %add3A_62 : vector<16xi32> to vector<1x16xi32>
    tpu.vector_store %arg5[%swap3A_64, %swap3A_65], %swap3A_68 {strides = array<i32>} : memref<4x256xi32, #tpu.memory_space<vmem>>, vector<1x16xi32>,
    %get3A_69 = arith.constant 0 : i32
    %get3A_70 = arith.index_cast %get3A_69 : i32 to index
    %get3A_71 = arith.constant 32 : index
    %get3A_72 = tpu.vector_load %arg5[%get3A_70, %get3A_71] {strides = array<i32>} : memref<4x256xi32, #tpu.memory_space<vmem>>, vector<1x16xi32>,
    %get3A_73 = vector.shape_cast %get3A_72 : vector<1x16xi32> to vector<16xi32>
    %add3A_74 = arith.constant 1 : i32
    %add3A_75 = vector.broadcast %add3A_74 : i32 to vector<16xi32>
    %add3A_76 = arith.addi %get3A_73, %add3A_75 : vector<16xi32>
    %swap3A_77 = arith.constant 0 : i32
    %swap3A_78 = arith.index_cast %swap3A_77 : i32 to index
    %swap3A_79 = arith.constant 32 : index
    %swap3A_80 = tpu.vector_load %arg5[%swap3A_78, %swap3A_79] {strides = array<i32>} : memref<4x256xi32, #tpu.memory_space<vmem>>, vector<1x16xi32>,
    %swap3A_81 = vector.shape_cast %swap3A_80 : vector<1x16xi32> to vector<16xi32>
    %swap3A_82 = vector.shape_cast %add3A_76 : vector<16xi32> to vector<1x16xi32>
    tpu.vector_store %arg5[%swap3A_78, %swap3A_79], %swap3A_82 {strides = array<i32>} : memref<4x256xi32, #tpu.memory_space<vmem>>, vector<1x16xi32>,
    %get3A_83 = arith.constant 0 : i32
    %get3A_84 = arith.index_cast %get3A_83 : i32 to index
    %get3A_85 = arith.constant 48 : index
    %get3A_86 = tpu.vector_load %arg5[%get3A_84, %get3A_85] {strides = array<i32>} : memref<4x256xi32, #tpu.memory_space<vmem>>, vector<1x16xi32>,
    %get3A_87 = vector.shape_cast %get3A_86 : vector<1x16xi32> to vector<16xi32>
    %add3A_88 = arith.constant 1 : i32
    %add3A_89 = vector.broadcast %add3A_88 : i32 to vector<16xi32>
    %add3A_90 = arith.addi %get3A_87, %add3A_89 : vector<16xi32>
    %swap3A_91 = arith.constant 0 : i32
    %swap3A_92 = arith.index_cast %swap3A_91 : i32 to index
    %swap3A_93 = arith.constant 48 : index
    %swap3A_94 = tpu.vector_load %arg5[%swap3A_92, %swap3A_93] {strides = array<i32>} : memref<4x256xi32, #tpu.memory_space<vmem>>, vector<1x16xi32>,
    %swap3A_95 = vector.shape_cast %swap3A_94 : vector<1x16xi32> to vector<16xi32>
    %swap3A_96 = vector.shape_cast %add3A_90 : vector<16xi32> to vector<1x16xi32>
    tpu.vector_store %arg5[%swap3A_92, %swap3A_93], %swap3A_96 {strides = array<i32>} : memref<4x256xi32, #tpu.memory_space<vmem>>, vector<1x16xi32>,
    %get3A_97 = arith.constant 0 : i32
    %get3A_98 = arith.index_cast %get3A_97 : i32 to index
    %get3A_99 = arith.constant 64 : index
    %get3A_100 = tpu.vector_load %arg5[%get3A_98, %get3A_99] {strides = array<i32>} : memref<4x256xi32, #tpu.memory_space<vmem>>, vector<1x16xi32>,
    %get3A_101 = vector.shape_cast %get3A_100 : vector<1x16xi32> to vector<16xi32>
    %add3A_102 = arith.constant 1 : i32
    %add3A_103 = vector.broadcast %add3A_102 : i32 to vector<16xi32>
    %add3A_104 = arith.addi %get3A_101, %add3A_103 : vector<16xi32>
    %swap3A_105 = arith.constant 0 : i32
    %swap3A_106 = arith.index_cast %swap3A_105 : i32 to index
    %swap3A_107 = arith.constant 64 : index
    %swap3A_108 = tpu.vector_load %arg5[%swap3A_106, %swap3A_107] {strides = array<i32>} : memref<4x256xi32, #tpu.memory_space<vmem>>, vector<1x16xi32>,
    %swap3A_109 = vector.shape_cast %swap3A_108 : vector<1x16xi32> to vector<16xi32>
    %swap3A_110 = vector.shape_cast %add3A_104 : vector<16xi32> to vector<1x16xi32>
    tpu.vector_store %arg5[%swap3A_106, %swap3A_107], %swap3A_110 {strides = array<i32>} : memref<4x256xi32, #tpu.memory_space<vmem>>, vector<1x16xi32>,
    %get3A_111 = arith.constant 0 : i32
    %get3A_112 = arith.index_cast %get3A_111 : i32 to index
    %get3A_113 = arith.constant 80 : index
    %get3A_114 = tpu.vector_load %arg5[%get3A_112, %get3A_113] {strides = array<i32>} : memref<4x256xi32, #tpu.memory_space<vmem>>, vector<1x16xi32>,
    %get3A_115 = vector.shape_cast %get3A_114 : vector<1x16xi32> to vector<16xi32>
    %add3A_116 = arith.constant 1 : i32
    %add3A_117 = vector.broadcast %add3A_116 : i32 to vector<16xi32>
    %add3A_118 = arith.addi %get3A_115, %add3A_117 : vector<16xi32>
    %swap3A_119 = arith.constant 0 : i32
    %swap3A_120 = arith.index_cast %swap3A_119 : i32 to index
    %swap3A_121 = arith.constant 80 : index
    %swap3A_122 = tpu.vector_load %arg5[%swap3A_120, %swap3A_121] {strides = array<i32>} : memref<4x256xi32, #tpu.memory_space<vmem>>, vector<1x16xi32>,
    %swap3A_123 = vector.shape_cast %swap3A_122 : vector<1x16xi32> to vector<16xi32>
    %swap3A_124 = vector.shape_cast %add3A_118 : vector<16xi32> to vector<1x16xi32>
    tpu.vector_store %arg5[%swap3A_120, %swap3A_121], %swap3A_124 {strides = array<i32>} : memref<4x256xi32, #tpu.memory_space<vmem>>, vector<1x16xi32>,
    %get3A_125 = arith.constant 0 : i32
    %get3A_126 = arith.index_cast %get3A_125 : i32 to index
    %get3A_127 = arith.constant 96 : index
    %get3A_128 = tpu.vector_load %arg5[%get3A_126, %get3A_127] {strides = array<i32>} : memref<4x256xi32, #tpu.memory_space<vmem>>, vector<1x16xi32>,
    %get3A_129 = vector.shape_cast %get3A_128 : vector<1x16xi32> to vector<16xi32>
    %add3A_130 = arith.constant 1 : i32
    %add3A_131 = vector.broadcast %add3A_130 : i32 to vector<16xi32>
    %add3A_132 = arith.addi %get3A_129, %add3A_131 : vector<16xi32>
    %swap3A_133 = arith.constant 0 : i32
    %swap3A_134 = arith.index_cast %swap3A_133 : i32 to index
    %swap3A_135 = arith.constant 96 : index
    %swap3A_136 = tpu.vector_load %arg5[%swap3A_134, %swap3A_135] {strides = array<i32>} : memref<4x256xi32, #tpu.memory_space<vmem>>, vector<1x16xi32>,
    %swap3A_137 = vector.shape_cast %swap3A_136 : vector<1x16xi32> to vector<16xi32>
    %swap3A_138 = vector.shape_cast %add3A_132 : vector<16xi32> to vector<1x16xi32>
    tpu.vector_store %arg5[%swap3A_134, %swap3A_135], %swap3A_138 {strides = array<i32>} : memref<4x256xi32, #tpu.memory_space<vmem>>, vector<1x16xi32>,
    %get3A_139 = arith.constant 0 : i32
    %get3A_140 = arith.index_cast %get3A_139 : i32 to index
    %get3A_141 = arith.constant 112 : index
    %get3A_142 = tpu.vector_load %arg5[%get3A_140, %get3A_141] {strides = array<i32>} : memref<4x256xi32, #tpu.memory_space<vmem>>, vector<1x16xi32>,
    %get3A_143 = vector.shape_cast %get3A_142 : vector<1x16xi32> to vector<16xi32>
    %add3A_144 = arith.constant 1 : i32
    %add3A_145 = vector.broadcast %add3A_144 : i32 to vector<16xi32>
    %add3A_146 = arith.addi %get3A_143, %add3A_145 : vector<16xi32>
    %swap3A_147 = arith.constant 0 : i32
    %swap3A_148 = arith.index_cast %swap3A_147 : i32 to index
    %swap3A_149 = arith.constant 112 : index
    %swap3A_150 = tpu.vector_load %arg5[%swap3A_148, %swap3A_149] {strides = array<i32>} : memref<4x256xi32, #tpu.memory_space<vmem>>, vector<1x16xi32>,
    %swap3A_151 = vector.shape_cast %swap3A_150 : vector<1x16xi32> to vector<16xi32>
    %swap3A_152 = vector.shape_cast %add3A_146 : vector<16xi32> to vector<1x16xi32>
    tpu.vector_store %arg5[%swap3A_148, %swap3A_149], %swap3A_152 {strides = array<i32>} : memref<4x256xi32, #tpu.memory_space<vmem>>, vector<1x16xi32>,
    %get3A_153 = arith.constant 0 : i32
    %get3A_154 = arith.index_cast %get3A_153 : i32 to index
    %get3A_155 = arith.constant 128 : index
    %get3A_156 = tpu.vector_load %arg5[%get3A_154, %get3A_155] {strides = array<i32>} : memref<4x256xi32, #tpu.memory_space<vmem>>, vector<1x16xi32>,
    %get3A_157 = vector.shape_cast %get3A_156 : vector<1x16xi32> to vector<16xi32>
    %add3A_158 = arith.constant 1 : i32
    %add3A_159 = vector.broadcast %add3A_158 : i32 to vector<16xi32>
    %add3A_160 = arith.addi %get3A_157, %add3A_159 : vector<16xi32>
    %swap3A_161 = arith.constant 0 : i32
    %swap3A_162 = arith.index_cast %swap3A_161 : i32 to index
    %swap3A_163 = arith.constant 128 : index
    %swap3A_164 = tpu.vector_load %arg5[%swap3A_162, %swap3A_163] {strides = array<i32>} : memref<4x256xi32, #tpu.memory_space<vmem>>, vector<1x16xi32>,
    %swap3A_165 = vector.shape_cast %swap3A_164 : vector<1x16xi32> to vector<16xi32>
    %swap3A_166 = vector.shape_cast %add3A_160 : vector<16xi32> to vector<1x16xi32>
    tpu.vector_store %arg5[%swap3A_162, %swap3A_163], %swap3A_166 {strides = array<i32>} : memref<4x256xi32, #tpu.memory_space<vmem>>, vector<1x16xi32>,
    %get3A_167 = arith.constant 0 : i32
    %get3A_168 = arith.index_cast %get3A_167 : i32 to index
    %get3A_169 = arith.constant 144 : index
    %get3A_170 = tpu.vector_load %arg5[%get3A_168, %get3A_169] {strides = array<i32>} : memref<4x256xi32, #tpu.memory_space<vmem>>, vector<1x16xi32>,
    %get3A_171 = vector.shape_cast %get3A_170 : vector<1x16xi32> to vector<16xi32>
    %add3A_172 = arith.constant 1 : i32
    %add3A_173 = vector.broadcast %add3A_172 : i32 to vector<16xi32>
    %add3A_174 = arith.addi %get3A_171, %add3A_173 : vector<16xi32>
    %swap3A_175 = arith.constant 0 : i32
    %swap3A_176 = arith.index_cast %swap3A_175 : i32 to index
    %swap3A_177 = arith.constant 144 : index
    %swap3A_178 = tpu.vector_load %arg5[%swap3A_176, %swap3A_177] {strides = array<i32>} : memref<4x256xi32, #tpu.memory_space<vmem>>, vector<1x16xi32>,
    %swap3A_179 = vector.shape_cast %swap3A_178 : vector<1x16xi32> to vector<16xi32>
    %swap3A_180 = vector.shape_cast %add3A_174 : vector<16xi32> to vector<1x16xi32>
    tpu.vector_store %arg5[%swap3A_176, %swap3A_177], %swap3A_180 {strides = array<i32>} : memref<4x256xi32, #tpu.memory_space<vmem>>, vector<1x16xi32>,
    %get3A_181 = arith.constant 0 : i32
    %get3A_182 = arith.index_cast %get3A_181 : i32 to index
    %get3A_183 = arith.constant 160 : index
    %get3A_184 = tpu.vector_load %arg5[%get3A_182, %get3A_183] {strides = array<i32>} : memref<4x256xi32, #tpu.memory_space<vmem>>, vector<1x16xi32>,
    %get3A_185 = vector.shape_cast %get3A_184 : vector<1x16xi32> to vector<16xi32>
    %add3A_186 = arith.constant 1 : i32
    %add3A_187 = vector.broadcast %add3A_186 : i32 to vector<16xi32>
    %add3A_188 = arith.addi %get3A_185, %add3A_187 : vector<16xi32>
    %swap3A_189 = arith.constant 0 : i32
    %swap3A_190 = arith.index_cast %swap3A_189 : i32 to index
    %swap3A_191 = arith.constant 160 : index
    %swap3A_192 = tpu.vector_load %arg5[%swap3A_190, %swap3A_191] {strides = array<i32>} : memref<4x256xi32, #tpu.memory_space<vmem>>, vector<1x16xi32>,
    %swap3A_193 = vector.shape_cast %swap3A_192 : vector<1x16xi32> to vector<16xi32>
    %swap3A_194 = vector.shape_cast %add3A_188 : vector<16xi32> to vector<1x16xi32>
    tpu.vector_store %arg5[%swap3A_190, %swap3A_191], %swap3A_194 {strides = array<i32>} : memref<4x256xi32, #tpu.memory_space<vmem>>, vector<1x16xi32>,
    %get3A_195 = arith.constant 0 : i32
    %get3A_196 = arith.index_cast %get3A_195 : i32 to index
    %get3A_197 = arith.constant 176 : index
    %get3A_198 = tpu.vector_load %arg5[%get3A_196, %get3A_197] {strides = array<i32>} : memref<4x256xi32, #tpu.memory_space<vmem>>, vector<1x16xi32>,
    %get3A_199 = vector.shape_cast %get3A_198 : vector<1x16xi32> to vector<16xi32>
    %add3A_200 = arith.constant 1 : i32
    %add3A_201 = vector.broadcast %add3A_200 : i32 to vector<16xi32>
    %add3A_202 = arith.addi %get3A_199, %add3A_201 : vector<16xi32>
    %swap3A_203 = arith.constant 0 : i32
    %swap3A_204 = arith.index_cast %swap3A_203 : i32 to index
    %swap3A_205 = arith.constant 176 : index
    %swap3A_206 = tpu.vector_load %arg5[%swap3A_204, %swap3A_205] {strides = array<i32>} : memref<4x256xi32, #tpu.memory_space<vmem>>, vector<1x16xi32>,
    %swap3A_207 = vector.shape_cast %swap3A_206 : vector<1x16xi32> to vector<16xi32>
    %swap3A_208 = vector.shape_cast %add3A_202 : vector<16xi32> to vector<1x16xi32>
    tpu.vector_store %arg5[%swap3A_204, %swap3A_205], %swap3A_208 {strides = array<i32>} : memref<4x256xi32, #tpu.memory_space<vmem>>, vector<1x16xi32>,
    %get3A_209 = arith.constant 0 : i32
    %get3A_210 = arith.index_cast %get3A_209 : i32 to index
    %get3A_211 = arith.constant 192 : index
    %get3A_212 = tpu.vector_load %arg5[%get3A_210, %get3A_211] {strides = array<i32>} : memref<4x256xi32, #tpu.memory_space<vmem>>, vector<1x16xi32>,
    %get3A_213 = vector.shape_cast %get3A_212 : vector<1x16xi32> to vector<16xi32>
    %add3A_214 = arith.constant 1 : i32
    %add3A_215 = vector.broadcast %add3A_214 : i32 to vector<16xi32>
    %add3A_216 = arith.addi %get3A_213, %add3A_215 : vector<16xi32>
    %swap3A_217 = arith.constant 0 : i32
    %swap3A_218 = arith.index_cast %swap3A_217 : i32 to index
    %swap3A_219 = arith.constant 192 : index
    %swap3A_220 = tpu.vector_load %arg5[%swap3A_218, %swap3A_219] {strides = array<i32>} : memref<4x256xi32, #tpu.memory_space<vmem>>, vector<1x16xi32>,
    %swap3A_221 = vector.shape_cast %swap3A_220 : vector<1x16xi32> to vector<16xi32>
    %swap3A_222 = vector.shape_cast %add3A_216 : vector<16xi32> to vector<1x16xi32>
    tpu.vector_store %arg5[%swap3A_218, %swap3A_219], %swap3A_222 {strides = array<i32>} : memref<4x256xi32, #tpu.memory_space<vmem>>, vector<1x16xi32>,
    %get3A_223 = arith.constant 0 : i32
    %get3A_224 = arith.index_cast %get3A_223 : i32 to index
    %get3A_225 = arith.constant 208 : index
    %get3A_226 = tpu.vector_load %arg5[%get3A_224, %get3A_225] {strides = array<i32>} : memref<4x256xi32, #tpu.memory_space<vmem>>, vector<1x16xi32>,
    %get3A_227 = vector.shape_cast %get3A_226 : vector<1x16xi32> to vector<16xi32>
    %add3A_228 = arith.constant 1 : i32
    %add3A_229 = vector.broadcast %add3A_228 : i32 to vector<16xi32>
    %add3A_230 = arith.addi %get3A_227, %add3A_229 : vector<16xi32>
    %swap3A_231 = arith.constant 0 : i32
    %swap3A_232 = arith.index_cast %swap3A_231 : i32 to index
    %swap3A_233 = arith.constant 208 : index
    %swap3A_234 = tpu.vector_load %arg5[%swap3A_232, %swap3A_233] {strides = array<i32>} : memref<4x256xi32, #tpu.memory_space<vmem>>, vector<1x16xi32>,
    %swap3A_235 = vector.shape_cast %swap3A_234 : vector<1x16xi32> to vector<16xi32>
    %swap3A_236 = vector.shape_cast %add3A_230 : vector<16xi32> to vector<1x16xi32>
    tpu.vector_store %arg5[%swap3A_232, %swap3A_233], %swap3A_236 {strides = array<i32>} : memref<4x256xi32, #tpu.memory_space<vmem>>, vector<1x16xi32>,
    %get3A_237 = arith.constant 0 : i32
    %get3A_238 = arith.index_cast %get3A_237 : i32 to index
    %get3A_239 = arith.constant 224 : index
    %get3A_240 = tpu.vector_load %arg5[%get3A_238, %get3A_239] {strides = array<i32>} : memref<4x256xi32, #tpu.memory_space<vmem>>, vector<1x16xi32>,
    %get3A_241 = vector.shape_cast %get3A_240 : vector<1x16xi32> to vector<16xi32>
    %add3A_242 = arith.constant 1 : i32
    %add3A_243 = vector.broadcast %add3A_242 : i32 to vector<16xi32>
    %add3A_244 = arith.addi %get3A_241, %add3A_243 : vector<16xi32>
    %swap3A_245 = arith.constant 0 : i32
    %swap3A_246 = arith.index_cast %swap3A_245 : i32 to index
    %swap3A_247 = arith.constant 224 : index
    %swap3A_248 = tpu.vector_load %arg5[%swap3A_246, %swap3A_247] {strides = array<i32>} : memref<4x256xi32, #tpu.memory_space<vmem>>, vector<1x16xi32>,
    %swap3A_249 = vector.shape_cast %swap3A_248 : vector<1x16xi32> to vector<16xi32>
    %swap3A_250 = vector.shape_cast %add3A_244 : vector<16xi32> to vector<1x16xi32>
    tpu.vector_store %arg5[%swap3A_246, %swap3A_247], %swap3A_250 {strides = array<i32>} : memref<4x256xi32, #tpu.memory_space<vmem>>, vector<1x16xi32>,
    %get3A_251 = arith.constant 0 : i32
    %get3A_252 = arith.index_cast %get3A_251 : i32 to index
    %get3A_253 = arith.constant 240 : index
    %get3A_254 = tpu.vector_load %arg5[%get3A_252, %get3A_253] {strides = array<i32>} : memref<4x256xi32, #tpu.memory_space<vmem>>, vector<1x16xi32>,
    %get3A_255 = vector.shape_cast %get3A_254 : vector<1x16xi32> to vector<16xi32>
    %add3A_256 = arith.constant 1 : i32
    %add3A_257 = vector.broadcast %add3A_256 : i32 to vector<16xi32>
    %add3A_258 = arith.addi %get3A_255, %add3A_257 : vector<16xi32>
    %swap3A_259 = arith.constant 0 : i32
    %swap3A_260 = arith.index_cast %swap3A_259 : i32 to index
    %swap3A_261 = arith.constant 240 : index
    %swap3A_262 = tpu.vector_load %arg5[%swap3A_260, %swap3A_261] {strides = array<i32>} : memref<4x256xi32, #tpu.memory_space<vmem>>, vector<1x16xi32>,
    %swap3A_263 = vector.shape_cast %swap3A_262 : vector<1x16xi32> to vector<16xi32>
    %swap3A_264 = vector.shape_cast %add3A_258 : vector<16xi32> to vector<1x16xi32>
    tpu.vector_store %arg5[%swap3A_260, %swap3A_261], %swap3A_264 {strides = array<i32>} : memref<4x256xi32, #tpu.memory_space<vmem>>, vector<1x16xi32>,
    %dma_start3A_265 = arith.constant 0 : i32
    %dma_start3A_266 = arith.constant 0 : i32
    %dma_start3A_267 = arith.constant 0 : i32
    %dma_start3A_268 = arith.constant 0 : i32
    %dma_start3A_269 = arith.constant 0 : i32
    %dma_start3A_270 = tpu.memref_slice %arg6[%dma_start3A_266, %dma_start3A_268, %dma_start3A_269] : memref<4x256x64xf32, #tpu.memory_space<vmem>> -> memref<1x256x64xf32, #tpu.memory_space<vmem>>
    %dma_start3A_271 = tpu.memref_squeeze %dma_start3A_270 : memref<1x256x64xf32, #tpu.memory_space<vmem>> -> memref<256x64xf32, #tpu.memory_space<vmem>>
    %dma_start3A_272 = arith.constant 0 : i32
    %dma_start3A_273 = tpu.memref_slice %arg5[%dma_start3A_265, %dma_start3A_272] : memref<4x256xi32, #tpu.memory_space<vmem>> -> memref<1x256xi32, #tpu.memory_space<vmem>>
    %dma_start3A_274 = tpu.memref_squeeze %dma_start3A_273 : memref<1x256xi32, #tpu.memory_space<vmem>> -> memref<256xi32, #tpu.memory_space<vmem>>
    %dma_start3A_275 = arith.constant 0 : i32
    %dma_start3A_276 = arith.constant 0 : i32
    %dma_start3A_277 = tpu.memref_slice %arg2[%dma_start3A_275, %dma_start3A_276] : memref<1000000x64xf32, #tpu.memory_space<hbm>> -> memref<1000000x64xf32, #tpu.memory_space<hbm>>
    %dma_start3A_278 = tpu.memref_slice %arg8[%dma_start3A_267] : memref<4x!tpu.dma_semaphore, #tpu.memory_space<semaphore_mem>> -> memref<1x!tpu.dma_semaphore, #tpu.memory_space<semaphore_mem>>
    %dma_start3A_279 = tpu.memref_squeeze %dma_start3A_278 : memref<1x!tpu.dma_semaphore, #tpu.memory_space<semaphore_mem>> -> memref<!tpu.dma_semaphore, #tpu.memory_space<semaphore_mem>>
    tpu.enqueue_indirect_dma source(%dma_start3A_277 : memref<1000000x64xf32, #tpu.memory_space<hbm>>) target(%dma_start3A_271 : memref<256x64xf32, #tpu.memory_space<vmem>>) offsets(%dma_start3A_274 : memref<256xi32, #tpu.memory_space<vmem>>) semaphore(%dma_start3A_279 : memref<!tpu.dma_semaphore, #tpu.memory_space<semaphore_mem>>)
    %scan3A = arith.constant 0 : i32
    %scan3A_280 = arith.constant 25 : i32
    %scan3A_281 = arith.addi %scan3A, %scan3A_280 : i32
    %scan3A_282 = arith.constant 1 : i32
    scf.for %scan3A_356 = %scan3A to %scan3A_281 step %scan3A_282  : i32 {
      %mul3A_357 = arith.constant 4 : i32
      %mul3A_358 = arith.muli %scan3A_356, %mul3A_357 : i32
      %add3A_359 = arith.constant 0 : i32
      %add3A_360 = arith.addi %add3A_359, %mul3A_358 : i32
      %add3A_361 = arith.constant 0 : i32
      %add3A_362 = arith.addi %add3A_360, %add3A_361 : i32
      %add3A_363 = arith.constant 2 : i32
      %add3A_364 = arith.addi %add3A_362, %add3A_363 : i32
      %lt3A = arith.constant 100 : i32
      %lt3A_365 = arith.cmpi slt, %add3A_364, %lt3A : i32
      %convert_element_type3A = arith.extui %lt3A_365 : i1 to i32
      %cond3A = arith.constant 0 : i32
      %cond3A_366 = arith.cmpi ne, %convert_element_type3A, %cond3A : i32
      scf.if %cond3A_366 {
        %add3A_558 = arith.constant 2 : i32
        %add3A_559 = arith.addi %add3A_362, %add3A_558 : i32
        %ge3A = arith.constant 4 : i32
        %ge3A_560 = arith.cmpi sge, %add3A_559, %ge3A : i32
        %convert_element_type3A_561 = arith.extui %ge3A_560 : i1 to i32
        %cond3A_562 = arith.constant 0 : i32
        %cond3A_563 = arith.cmpi ne, %convert_element_type3A_561, %cond3A_562 : i32
        scf.if %cond3A_563 {
          %dma_wait3A_581 = arith.constant 2 : i32
          %dma_wait3A_582 = arith.constant 2 : i32
          %dma_wait3A_583 = arith.constant 0 : i32
          %dma_wait3A_584 = arith.constant 0 : i32
          %dma_wait3A_585 = tpu.memref_slice %arg6[%dma_wait3A_581, %dma_wait3A_583, %dma_wait3A_584] : memref<4x256x64xf32, #tpu.memory_space<vmem>> -> memref<1x256x64xf32, #tpu.memory_space<vmem>>
          %dma_wait3A_586 = tpu.memref_squeeze %dma_wait3A_585 : memref<1x256x64xf32, #tpu.memory_space<vmem>> -> memref<256x64xf32, #tpu.memory_space<vmem>>
          %dma_wait3A_587 = arith.constant 0 : i32
          %dma_wait3A_588 = arith.constant 0 : i32
          %dma_wait3A_589 = tpu.memref_slice %arg4[%dma_wait3A_587, %dma_wait3A_588] : memref<819200x64xf32, #tpu.memory_space<hbm>> -> memref<256x64xf32, #tpu.memory_space<hbm>>
          %dma_wait3A_590 = tpu.memref_slice %arg9[%dma_wait3A_582] : memref<4x!tpu.dma_semaphore, #tpu.memory_space<semaphore_mem>> -> memref<1x!tpu.dma_semaphore, #tpu.memory_space<semaphore_mem>>
          %dma_wait3A_591 = tpu.memref_squeeze %dma_wait3A_590 : memref<1x!tpu.dma_semaphore, #tpu.memory_space<semaphore_mem>> -> memref<!tpu.dma_semaphore, #tpu.memory_space<semaphore_mem>>
          %dma_wait3A_592 = arith.constant 0 : i32
          %dma_wait3A_593 = arith.constant 0 : i32
          %dma_wait3A_594 = tpu.memref_slice %arg4[%dma_wait3A_592, %dma_wait3A_593] : memref<819200x64xf32, #tpu.memory_space<hbm>> -> memref<256x64xf32, #tpu.memory_space<hbm>>
          %dma_wait3A_595 = arith.constant 0 : i32
          %dma_wait3A_596 = arith.constant 0 : i32
          %dma_wait3A_597 = tpu.memref_slice %arg6[%dma_wait3A_581, %dma_wait3A_595, %dma_wait3A_596] : memref<4x256x64xf32, #tpu.memory_space<vmem>> -> memref<1x256x64xf32, #tpu.memory_space<vmem>>
          %dma_wait3A_598 = tpu.memref_squeeze %dma_wait3A_597 : memref<1x256x64xf32, #tpu.memory_space<vmem>> -> memref<256x64xf32, #tpu.memory_space<vmem>>
          tpu.wait_dma2 semaphore(%dma_wait3A_591 : memref<!tpu.dma_semaphore, #tpu.memory_space<semaphore_mem>>) src(%dma_wait3A_598 : memref<256x64xf32, #tpu.memory_space<vmem>>) dst(%dma_wait3A_594 : memref<256x64xf32, #tpu.memory_space<hbm>>)
        } else {
        }
        %add3A_564 = arith.constant 2 : i32
        %add3A_565 = arith.addi %add3A_362, %add3A_564 : i32
        %mul3A_566 = arith.constant 256 : i32
        %mul3A_567 = arith.muli %add3A_565, %mul3A_566 : i32
        %add3A_568 = arith.addi %mul3A_2, %mul3A_567 : i32
        %dma_start3A_569 = arith.constant 2 : i32
        %dma_start3A_570 = arith.constant 2 : i32
        %dma_start3A_571 = arith.constant 0 : i32
        %dma_start3A_572 = tpu.memref_slice %arg5[%dma_start3A_569, %dma_start3A_571] : memref<4x256xi32, #tpu.memory_space<vmem>> -> memref<1x256xi32, #tpu.memory_space<vmem>>
        %dma_start3A_573 = tpu.memref_squeeze %dma_start3A_572 : memref<1x256xi32, #tpu.memory_space<vmem>> -> memref<256xi32, #tpu.memory_space<vmem>>
        %dma_start3A_574 = tpu.memref_slice %arg3[%add3A_568] : memref<819200xi32, #tpu.memory_space<hbm>> -> memref<256xi32, #tpu.memory_space<hbm>>
        %dma_start3A_575 = tpu.memref_slice %arg7[%dma_start3A_570] : memref<4x!tpu.dma_semaphore, #tpu.memory_space<semaphore_mem>> -> memref<1x!tpu.dma_semaphore, #tpu.memory_space<semaphore_mem>>
        %dma_start3A_576 = tpu.memref_squeeze %dma_start3A_575 : memref<1x!tpu.dma_semaphore, #tpu.memory_space<semaphore_mem>> -> memref<!tpu.dma_semaphore, #tpu.memory_space<semaphore_mem>>
        %dma_start3A_577 = arith.constant 0 : i32
        %dma_start3A_578 = tpu.memref_slice %arg5[%dma_start3A_569, %dma_start3A_577] : memref<4x256xi32, #tpu.memory_space<vmem>> -> memref<1x256xi32, #tpu.memory_space<vmem>>
        %dma_start3A_579 = tpu.memref_squeeze %dma_start3A_578 : memref<1x256xi32, #tpu.memory_space<vmem>> -> memref<256xi32, #tpu.memory_space<vmem>>
        %dma_start3A_580 = tpu.memref_slice %arg3[%add3A_568] : memref<819200xi32, #tpu.memory_space<hbm>> -> memref<256xi32, #tpu.memory_space<hbm>>
        tpu.enqueue_dma source(%dma_start3A_580 : memref<256xi32, #tpu.memory_space<hbm>>) target(%dma_start3A_579 : memref<256xi32, #tpu.memory_space<vmem>>) target_semaphore(%dma_start3A_576 : memref<!tpu.dma_semaphore, #tpu.memory_space<semaphore_mem>>)
      } else {
      }
      %add3A_367 = arith.constant 1 : i32
      %add3A_368 = arith.addi %add3A_362, %add3A_367 : i32
      %lt3A_369 = arith.constant 100 : i32
      %lt3A_370 = arith.cmpi slt, %add3A_368, %lt3A_369 : i32
      %convert_element_type3A_371 = arith.extui %lt3A_370 : i1 to i32
      %cond3A_372 = arith.constant 0 : i32
      %cond3A_373 = arith.cmpi ne, %convert_element_type3A_371, %cond3A_372 : i32
      scf.if %cond3A_373 {
        %add3A_558 = arith.constant 1 : i32
        %add3A_559 = arith.addi %add3A_362, %add3A_558 : i32
        %dma_wait3A_560 = arith.constant 1 : i32
        %dma_wait3A_561 = arith.constant 1 : i32
        %dma_wait3A_562 = arith.constant 0 : i32
        %dma_wait3A_563 = tpu.memref_slice %arg5[%dma_wait3A_560, %dma_wait3A_562] : memref<4x256xi32, #tpu.memory_space<vmem>> -> memref<1x256xi32, #tpu.memory_space<vmem>>
        %dma_wait3A_564 = tpu.memref_squeeze %dma_wait3A_563 : memref<1x256xi32, #tpu.memory_space<vmem>> -> memref<256xi32, #tpu.memory_space<vmem>>
        %dma_wait3A_565 = arith.constant 0 : i32
        %dma_wait3A_566 = tpu.memref_slice %arg3[%dma_wait3A_565] : memref<819200xi32, #tpu.memory_space<hbm>> -> memref<256xi32, #tpu.memory_space<hbm>>
        %dma_wait3A_567 = tpu.memref_slice %arg7[%dma_wait3A_561] : memref<4x!tpu.dma_semaphore, #tpu.memory_space<semaphore_mem>> -> memref<1x!tpu.dma_semaphore, #tpu.memory_space<semaphore_mem>>
        %dma_wait3A_568 = tpu.memref_squeeze %dma_wait3A_567 : memref<1x!tpu.dma_semaphore, #tpu.memory_space<semaphore_mem>> -> memref<!tpu.dma_semaphore, #tpu.memory_space<semaphore_mem>>
        %dma_wait3A_569 = arith.constant 0 : i32
        %dma_wait3A_570 = tpu.memref_slice %arg5[%dma_wait3A_560, %dma_wait3A_569] : memref<4x256xi32, #tpu.memory_space<vmem>> -> memref<1x256xi32, #tpu.memory_space<vmem>>
        %dma_wait3A_571 = tpu.memref_squeeze %dma_wait3A_570 : memref<1x256xi32, #tpu.memory_space<vmem>> -> memref<256xi32, #tpu.memory_space<vmem>>
        %dma_wait3A_572 = arith.constant 0 : i32
        %dma_wait3A_573 = tpu.memref_slice %arg3[%dma_wait3A_572] : memref<819200xi32, #tpu.memory_space<hbm>> -> memref<256xi32, #tpu.memory_space<hbm>>
        tpu.wait_dma2 semaphore(%dma_wait3A_568 : memref<!tpu.dma_semaphore, #tpu.memory_space<semaphore_mem>>) src(%dma_wait3A_573 : memref<256xi32, #tpu.memory_space<hbm>>) dst(%dma_wait3A_571 : memref<256xi32, #tpu.memory_space<vmem>>)
        %get3A_574 = arith.constant 1 : i32
        %get3A_575 = arith.index_cast %get3A_574 : i32 to index
        %get3A_576 = arith.constant 0 : index
        %get3A_577 = tpu.vector_load %arg5[%get3A_575, %get3A_576] {strides = array<i32>} : memref<4x256xi32, #tpu.memory_space<vmem>>, vector<1x16xi32>,
        %get3A_578 = vector.shape_cast %get3A_577 : vector<1x16xi32> to vector<16xi32>
        %add3A_579 = arith.constant 1 : i32
        %add3A_580 = vector.broadcast %add3A_579 : i32 to vector<16xi32>
        %add3A_581 = arith.addi %get3A_578, %add3A_580 : vector<16xi32>
        %swap3A_582 = arith.constant 1 : i32
        %swap3A_583 = arith.index_cast %swap3A_582 : i32 to index
        %swap3A_584 = arith.constant 0 : index
        %swap3A_585 = tpu.vector_load %arg5[%swap3A_583, %swap3A_584] {strides = array<i32>} : memref<4x256xi32, #tpu.memory_space<vmem>>, vector<1x16xi32>,
        %swap3A_586 = vector.shape_cast %swap3A_585 : vector<1x16xi32> to vector<16xi32>
        %swap3A_587 = vector.shape_cast %add3A_581 : vector<16xi32> to vector<1x16xi32>
        tpu.vector_store %arg5[%swap3A_583, %swap3A_584], %swap3A_587 {strides = array<i32>} : memref<4x256xi32, #tpu.memory_space<vmem>>, vector<1x16xi32>,
        %get3A_588 = arith.constant 1 : i32
        %get3A_589 = arith.index_cast %get3A_588 : i32 to index
        %get3A_590 = arith.constant 16 : index
        %get3A_591 = tpu.vector_load %arg5[%get3A_589, %get3A_590] {strides = array<i32>} : memref<4x256xi32, #tpu.memory_space<vmem>>, vector<1x16xi32>,
        %get3A_592 = vector.shape_cast %get3A_591 : vector<1x16xi32> to vector<16xi32>
        %add3A_593 = arith.constant 1 : i32
        %add3A_594 = vector.broadcast %add3A_593 : i32 to vector<16xi32>
        %add3A_595 = arith.addi %get3A_592, %add3A_594 : vector<16xi32>
        %swap3A_596 = arith.constant 1 : i32
        %swap3A_597 = arith.index_cast %swap3A_596 : i32 to index
        %swap3A_598 = arith.constant 16 : index
        %swap3A_599 = tpu.vector_load %arg5[%swap3A_597, %swap3A_598] {strides = array<i32>} : memref<4x256xi32, #tpu.memory_space<vmem>>, vector<1x16xi32>,
        %swap3A_600 = vector.shape_cast %swap3A_599 : vector<1x16xi32> to vector<16xi32>
        %swap3A_601 = vector.shape_cast %add3A_595 : vector<16xi32> to vector<1x16xi32>
        tpu.vector_store %arg5[%swap3A_597, %swap3A_598], %swap3A_601 {strides = array<i32>} : memref<4x256xi32, #tpu.memory_space<vmem>>, vector<1x16xi32>,
        %get3A_602 = arith.constant 1 : i32
        %get3A_603 = arith.index_cast %get3A_602 : i32 to index
        %get3A_604 = arith.constant 32 : index
        %get3A_605 = tpu.vector_load %arg5[%get3A_603, %get3A_604] {strides = array<i32>} : memref<4x256xi32, #tpu.memory_space<vmem>>, vector<1x16xi32>,
        %get3A_606 = vector.shape_cast %get3A_605 : vector<1x16xi32> to vector<16xi32>
        %add3A_607 = arith.constant 1 : i32
        %add3A_608 = vector.broadcast %add3A_607 : i32 to vector<16xi32>
        %add3A_609 = arith.addi %get3A_606, %add3A_608 : vector<16xi32>
        %swap3A_610 = arith.constant 1 : i32
        %swap3A_611 = arith.index_cast %swap3A_610 : i32 to index
        %swap3A_612 = arith.constant 32 : index
        %swap3A_613 = tpu.vector_load %arg5[%swap3A_611, %swap3A_612] {strides = array<i32>} : memref<4x256xi32, #tpu.memory_space<vmem>>, vector<1x16xi32>,
        %swap3A_614 = vector.shape_cast %swap3A_613 : vector<1x16xi32> to vector<16xi32>
        %swap3A_615 = vector.shape_cast %add3A_609 : vector<16xi32> to vector<1x16xi32>
        tpu.vector_store %arg5[%swap3A_611, %swap3A_612], %swap3A_615 {strides = array<i32>} : memref<4x256xi32, #tpu.memory_space<vmem>>, vector<1x16xi32>,
        %get3A_616 = arith.constant 1 : i32
        %get3A_617 = arith.index_cast %get3A_616 : i32 to index
        %get3A_618 = arith.constant 48 : index
        %get3A_619 = tpu.vector_load %arg5[%get3A_617, %get3A_618] {strides = array<i32>} : memref<4x256xi32, #tpu.memory_space<vmem>>, vector<1x16xi32>,
        %get3A_620 = vector.shape_cast %get3A_619 : vector<1x16xi32> to vector<16xi32>
        %add3A_621 = arith.constant 1 : i32
        %add3A_622 = vector.broadcast %add3A_621 : i32 to vector<16xi32>
        %add3A_623 = arith.addi %get3A_620, %add3A_622 : vector<16xi32>
        %swap3A_624 = arith.constant 1 : i32
        %swap3A_625 = arith.index_cast %swap3A_624 : i32 to index
        %swap3A_626 = arith.constant 48 : index
        %swap3A_627 = tpu.vector_load %arg5[%swap3A_625, %swap3A_626] {strides = array<i32>} : memref<4x256xi32, #tpu.memory_space<vmem>>, vector<1x16xi32>,
        %swap3A_628 = vector.shape_cast %swap3A_627 : vector<1x16xi32> to vector<16xi32>
        %swap3A_629 = vector.shape_cast %add3A_623 : vector<16xi32> to vector<1x16xi32>
        tpu.vector_store %arg5[%swap3A_625, %swap3A_626], %swap3A_629 {strides = array<i32>} : memref<4x256xi32, #tpu.memory_space<vmem>>, vector<1x16xi32>,
        %get3A_630 = arith.constant 1 : i32
        %get3A_631 = arith.index_cast %get3A_630 : i32 to index
        %get3A_632 = arith.constant 64 : index
        %get3A_633 = tpu.vector_load %arg5[%get3A_631, %get3A_632] {strides = array<i32>} : memref<4x256xi32, #tpu.memory_space<vmem>>, vector<1x16xi32>,
        %get3A_634 = vector.shape_cast %get3A_633 : vector<1x16xi32> to vector<16xi32>
        %add3A_635 = arith.constant 1 : i32
        %add3A_636 = vector.broadcast %add3A_635 : i32 to vector<16xi32>
        %add3A_637 = arith.addi %get3A_634, %add3A_636 : vector<16xi32>
        %swap3A_638 = arith.constant 1 : i32
        %swap3A_639 = arith.index_cast %swap3A_638 : i32 to index
        %swap3A_640 = arith.constant 64 : index
        %swap3A_641 = tpu.vector_load %arg5[%swap3A_639, %swap3A_640] {strides = array<i32>} : memref<4x256xi32, #tpu.memory_space<vmem>>, vector<1x16xi32>,
        %swap3A_642 = vector.shape_cast %swap3A_641 : vector<1x16xi32> to vector<16xi32>
        %swap3A_643 = vector.shape_cast %add3A_637 : vector<16xi32> to vector<1x16xi32>
        tpu.vector_store %arg5[%swap3A_639, %swap3A_640], %swap3A_643 {strides = array<i32>} : memref<4x256xi32, #tpu.memory_space<vmem>>, vector<1x16xi32>,
        %get3A_644 = arith.constant 1 : i32
        %get3A_645 = arith.index_cast %get3A_644 : i32 to index
        %get3A_646 = arith.constant 80 : index
        %get3A_647 = tpu.vector_load %arg5[%get3A_645, %get3A_646] {strides = array<i32>} : memref<4x256xi32, #tpu.memory_space<vmem>>, vector<1x16xi32>,
        %get3A_648 = vector.shape_cast %get3A_647 : vector<1x16xi32> to vector<16xi32>
        %add3A_649 = arith.constant 1 : i32
        %add3A_650 = vector.broadcast %add3A_649 : i32 to vector<16xi32>
        %add3A_651 = arith.addi %get3A_648, %add3A_650 : vector<16xi32>
        %swap3A_652 = arith.constant 1 : i32
        %swap3A_653 = arith.index_cast %swap3A_652 : i32 to index
        %swap3A_654 = arith.constant 80 : index
        %swap3A_655 = tpu.vector_load %arg5[%swap3A_653, %swap3A_654] {strides = array<i32>} : memref<4x256xi32, #tpu.memory_space<vmem>>, vector<1x16xi32>,
        %swap3A_656 = vector.shape_cast %swap3A_655 : vector<1x16xi32> to vector<16xi32>
        %swap3A_657 = vector.shape_cast %add3A_651 : vector<16xi32> to vector<1x16xi32>
        tpu.vector_store %arg5[%swap3A_653, %swap3A_654], %swap3A_657 {strides = array<i32>} : memref<4x256xi32, #tpu.memory_space<vmem>>, vector<1x16xi32>,
        %get3A_658 = arith.constant 1 : i32
        %get3A_659 = arith.index_cast %get3A_658 : i32 to index
        %get3A_660 = arith.constant 96 : index
        %get3A_661 = tpu.vector_load %arg5[%get3A_659, %get3A_660] {strides = array<i32>} : memref<4x256xi32, #tpu.memory_space<vmem>>, vector<1x16xi32>,
        %get3A_662 = vector.shape_cast %get3A_661 : vector<1x16xi32> to vector<16xi32>
        %add3A_663 = arith.constant 1 : i32
        %add3A_664 = vector.broadcast %add3A_663 : i32 to vector<16xi32>
        %add3A_665 = arith.addi %get3A_662, %add3A_664 : vector<16xi32>
        %swap3A_666 = arith.constant 1 : i32
        %swap3A_667 = arith.index_cast %swap3A_666 : i32 to index
        %swap3A_668 = arith.constant 96 : index
        %swap3A_669 = tpu.vector_load %arg5[%swap3A_667, %swap3A_668] {strides = array<i32>} : memref<4x256xi32, #tpu.memory_space<vmem>>, vector<1x16xi32>,
        %swap3A_670 = vector.shape_cast %swap3A_669 : vector<1x16xi32> to vector<16xi32>
        %swap3A_671 = vector.shape_cast %add3A_665 : vector<16xi32> to vector<1x16xi32>
        tpu.vector_store %arg5[%swap3A_667, %swap3A_668], %swap3A_671 {strides = array<i32>} : memref<4x256xi32, #tpu.memory_space<vmem>>, vector<1x16xi32>,
        %get3A_672 = arith.constant 1 : i32
        %get3A_673 = arith.index_cast %get3A_672 : i32 to index
        %get3A_674 = arith.constant 112 : index
        %get3A_675 = tpu.vector_load %arg5[%get3A_673, %get3A_674] {strides = array<i32>} : memref<4x256xi32, #tpu.memory_space<vmem>>, vector<1x16xi32>,
        %get3A_676 = vector.shape_cast %get3A_675 : vector<1x16xi32> to vector<16xi32>
        %add3A_677 = arith.constant 1 : i32
        %add3A_678 = vector.broadcast %add3A_677 : i32 to vector<16xi32>
        %add3A_679 = arith.addi %get3A_676, %add3A_678 : vector<16xi32>
        %swap3A_680 = arith.constant 1 : i32
        %swap3A_681 = arith.index_cast %swap3A_680 : i32 to index
        %swap3A_682 = arith.constant 112 : index
        %swap3A_683 = tpu.vector_load %arg5[%swap3A_681, %swap3A_682] {strides = array<i32>} : memref<4x256xi32, #tpu.memory_space<vmem>>, vector<1x16xi32>,
        %swap3A_684 = vector.shape_cast %swap3A_683 : vector<1x16xi32> to vector<16xi32>
        %swap3A_685 = vector.shape_cast %add3A_679 : vector<16xi32> to vector<1x16xi32>
        tpu.vector_store %arg5[%swap3A_681, %swap3A_682], %swap3A_685 {strides = array<i32>} : memref<4x256xi32, #tpu.memory_space<vmem>>, vector<1x16xi32>,
        %get3A_686 = arith.constant 1 : i32
        %get3A_687 = arith.index_cast %get3A_686 : i32 to index
        %get3A_688 = arith.constant 128 : index
        %get3A_689 = tpu.vector_load %arg5[%get3A_687, %get3A_688] {strides = array<i32>} : memref<4x256xi32, #tpu.memory_space<vmem>>, vector<1x16xi32>,
        %get3A_690 = vector.shape_cast %get3A_689 : vector<1x16xi32> to vector<16xi32>
        %add3A_691 = arith.constant 1 : i32
        %add3A_692 = vector.broadcast %add3A_691 : i32 to vector<16xi32>
        %add3A_693 = arith.addi %get3A_690, %add3A_692 : vector<16xi32>
        %swap3A_694 = arith.constant 1 : i32
        %swap3A_695 = arith.index_cast %swap3A_694 : i32 to index
        %swap3A_696 = arith.constant 128 : index
        %swap3A_697 = tpu.vector_load %arg5[%swap3A_695, %swap3A_696] {strides = array<i32>} : memref<4x256xi32, #tpu.memory_space<vmem>>, vector<1x16xi32>,
        %swap3A_698 = vector.shape_cast %swap3A_697 : vector<1x16xi32> to vector<16xi32>
        %swap3A_699 = vector.shape_cast %add3A_693 : vector<16xi32> to vector<1x16xi32>
        tpu.vector_store %arg5[%swap3A_695, %swap3A_696], %swap3A_699 {strides = array<i32>} : memref<4x256xi32, #tpu.memory_space<vmem>>, vector<1x16xi32>,
        %get3A_700 = arith.constant 1 : i32
        %get3A_701 = arith.index_cast %get3A_700 : i32 to index
        %get3A_702 = arith.constant 144 : index
        %get3A_703 = tpu.vector_load %arg5[%get3A_701, %get3A_702] {strides = array<i32>} : memref<4x256xi32, #tpu.memory_space<vmem>>, vector<1x16xi32>,
        %get3A_704 = vector.shape_cast %get3A_703 : vector<1x16xi32> to vector<16xi32>
        %add3A_705 = arith.constant 1 : i32
        %add3A_706 = vector.broadcast %add3A_705 : i32 to vector<16xi32>
        %add3A_707 = arith.addi %get3A_704, %add3A_706 : vector<16xi32>
        %swap3A_708 = arith.constant 1 : i32
        %swap3A_709 = arith.index_cast %swap3A_708 : i32 to index
        %swap3A_710 = arith.constant 144 : index
        %swap3A_711 = tpu.vector_load %arg5[%swap3A_709, %swap3A_710] {strides = array<i32>} : memref<4x256xi32, #tpu.memory_space<vmem>>, vector<1x16xi32>,
        %swap3A_712 = vector.shape_cast %swap3A_711 : vector<1x16xi32> to vector<16xi32>
        %swap3A_713 = vector.shape_cast %add3A_707 : vector<16xi32> to vector<1x16xi32>
        tpu.vector_store %arg5[%swap3A_709, %swap3A_710], %swap3A_713 {strides = array<i32>} : memref<4x256xi32, #tpu.memory_space<vmem>>, vector<1x16xi32>,
        %get3A_714 = arith.constant 1 : i32
        %get3A_715 = arith.index_cast %get3A_714 : i32 to index
        %get3A_716 = arith.constant 160 : index
        %get3A_717 = tpu.vector_load %arg5[%get3A_715, %get3A_716] {strides = array<i32>} : memref<4x256xi32, #tpu.memory_space<vmem>>, vector<1x16xi32>,
        %get3A_718 = vector.shape_cast %get3A_717 : vector<1x16xi32> to vector<16xi32>
        %add3A_719 = arith.constant 1 : i32
        %add3A_720 = vector.broadcast %add3A_719 : i32 to vector<16xi32>
        %add3A_721 = arith.addi %get3A_718, %add3A_720 : vector<16xi32>
        %swap3A_722 = arith.constant 1 : i32
        %swap3A_723 = arith.index_cast %swap3A_722 : i32 to index
        %swap3A_724 = arith.constant 160 : index
        %swap3A_725 = tpu.vector_load %arg5[%swap3A_723, %swap3A_724] {strides = array<i32>} : memref<4x256xi32, #tpu.memory_space<vmem>>, vector<1x16xi32>,
        %swap3A_726 = vector.shape_cast %swap3A_725 : vector<1x16xi32> to vector<16xi32>
        %swap3A_727 = vector.shape_cast %add3A_721 : vector<16xi32> to vector<1x16xi32>
        tpu.vector_store %arg5[%swap3A_723, %swap3A_724], %swap3A_727 {strides = array<i32>} : memref<4x256xi32, #tpu.memory_space<vmem>>, vector<1x16xi32>,
        %get3A_728 = arith.constant 1 : i32
        %get3A_729 = arith.index_cast %get3A_728 : i32 to index
        %get3A_730 = arith.constant 176 : index
        %get3A_731 = tpu.vector_load %arg5[%get3A_729, %get3A_730] {strides = array<i32>} : memref<4x256xi32, #tpu.memory_space<vmem>>, vector<1x16xi32>,
        %get3A_732 = vector.shape_cast %get3A_731 : vector<1x16xi32> to vector<16xi32>
        %add3A_733 = arith.constant 1 : i32
        %add3A_734 = vector.broadcast %add3A_733 : i32 to vector<16xi32>
        %add3A_735 = arith.addi %get3A_732, %add3A_734 : vector<16xi32>
        %swap3A_736 = arith.constant 1 : i32
        %swap3A_737 = arith.index_cast %swap3A_736 : i32 to index
        %swap3A_738 = arith.constant 176 : index
        %swap3A_739 = tpu.vector_load %arg5[%swap3A_737, %swap3A_738] {strides = array<i32>} : memref<4x256xi32, #tpu.memory_space<vmem>>, vector<1x16xi32>,
        %swap3A_740 = vector.shape_cast %swap3A_739 : vector<1x16xi32> to vector<16xi32>
        %swap3A_741 = vector.shape_cast %add3A_735 : vector<16xi32> to vector<1x16xi32>
        tpu.vector_store %arg5[%swap3A_737, %swap3A_738], %swap3A_741 {strides = array<i32>} : memref<4x256xi32, #tpu.memory_space<vmem>>, vector<1x16xi32>,
        %get3A_742 = arith.constant 1 : i32
        %get3A_743 = arith.index_cast %get3A_742 : i32 to index
        %get3A_744 = arith.constant 192 : index
        %get3A_745 = tpu.vector_load %arg5[%get3A_743, %get3A_744] {strides = array<i32>} : memref<4x256xi32, #tpu.memory_space<vmem>>, vector<1x16xi32>,
        %get3A_746 = vector.shape_cast %get3A_745 : vector<1x16xi32> to vector<16xi32>
        %add3A_747 = arith.constant 1 : i32
        %add3A_748 = vector.broadcast %add3A_747 : i32 to vector<16xi32>
        %add3A_749 = arith.addi %get3A_746, %add3A_748 : vector<16xi32>
        %swap3A_750 = arith.constant 1 : i32
        %swap3A_751 = arith.index_cast %swap3A_750 : i32 to index
        %swap3A_752 = arith.constant 192 : index
        %swap3A_753 = tpu.vector_load %arg5[%swap3A_751, %swap3A_752] {strides = array<i32>} : memref<4x256xi32, #tpu.memory_space<vmem>>, vector<1x16xi32>,
        %swap3A_754 = vector.shape_cast %swap3A_753 : vector<1x16xi32> to vector<16xi32>
        %swap3A_755 = vector.shape_cast %add3A_749 : vector<16xi32> to vector<1x16xi32>
        tpu.vector_store %arg5[%swap3A_751, %swap3A_752], %swap3A_755 {strides = array<i32>} : memref<4x256xi32, #tpu.memory_space<vmem>>, vector<1x16xi32>,
        %get3A_756 = arith.constant 1 : i32
        %get3A_757 = arith.index_cast %get3A_756 : i32 to index
        %get3A_758 = arith.constant 208 : index
        %get3A_759 = tpu.vector_load %arg5[%get3A_757, %get3A_758] {strides = array<i32>} : memref<4x256xi32, #tpu.memory_space<vmem>>, vector<1x16xi32>,
        %get3A_760 = vector.shape_cast %get3A_759 : vector<1x16xi32> to vector<16xi32>
        %add3A_761 = arith.constant 1 : i32
        %add3A_762 = vector.broadcast %add3A_761 : i32 to vector<16xi32>
        %add3A_763 = arith.addi %get3A_760, %add3A_762 : vector<16xi32>
        %swap3A_764 = arith.constant 1 : i32
        %swap3A_765 = arith.index_cast %swap3A_764 : i32 to index
        %swap3A_766 = arith.constant 208 : index
        %swap3A_767 = tpu.vector_load %arg5[%swap3A_765, %swap3A_766] {strides = array<i32>} : memref<4x256xi32, #tpu.memory_space<vmem>>, vector<1x16xi32>,
        %swap3A_768 = vector.shape_cast %swap3A_767 : vector<1x16xi32> to vector<16xi32>
        %swap3A_769 = vector.shape_cast %add3A_763 : vector<16xi32> to vector<1x16xi32>
        tpu.vector_store %arg5[%swap3A_765, %swap3A_766], %swap3A_769 {strides = array<i32>} : memref<4x256xi32, #tpu.memory_space<vmem>>, vector<1x16xi32>,
        %get3A_770 = arith.constant 1 : i32
        %get3A_771 = arith.index_cast %get3A_770 : i32 to index
        %get3A_772 = arith.constant 224 : index
        %get3A_773 = tpu.vector_load %arg5[%get3A_771, %get3A_772] {strides = array<i32>} : memref<4x256xi32, #tpu.memory_space<vmem>>, vector<1x16xi32>,
        %get3A_774 = vector.shape_cast %get3A_773 : vector<1x16xi32> to vector<16xi32>
        %add3A_775 = arith.constant 1 : i32
        %add3A_776 = vector.broadcast %add3A_775 : i32 to vector<16xi32>
        %add3A_777 = arith.addi %get3A_774, %add3A_776 : vector<16xi32>
        %swap3A_778 = arith.constant 1 : i32
        %swap3A_779 = arith.index_cast %swap3A_778 : i32 to index
        %swap3A_780 = arith.constant 224 : index
        %swap3A_781 = tpu.vector_load %arg5[%swap3A_779, %swap3A_780] {strides = array<i32>} : memref<4x256xi32, #tpu.memory_space<vmem>>, vector<1x16xi32>,
        %swap3A_782 = vector.shape_cast %swap3A_781 : vector<1x16xi32> to vector<16xi32>
        %swap3A_783 = vector.shape_cast %add3A_777 : vector<16xi32> to vector<1x16xi32>
        tpu.vector_store %arg5[%swap3A_779, %swap3A_780], %swap3A_783 {strides = array<i32>} : memref<4x256xi32, #tpu.memory_space<vmem>>, vector<1x16xi32>,
        %get3A_784 = arith.constant 1 : i32
        %get3A_785 = arith.index_cast %get3A_784 : i32 to index
        %get3A_786 = arith.constant 240 : index
        %get3A_787 = tpu.vector_load %arg5[%get3A_785, %get3A_786] {strides = array<i32>} : memref<4x256xi32, #tpu.memory_space<vmem>>, vector<1x16xi32>,
        %get3A_788 = vector.shape_cast %get3A_787 : vector<1x16xi32> to vector<16xi32>
        %add3A_789 = arith.constant 1 : i32
        %add3A_790 = vector.broadcast %add3A_789 : i32 to vector<16xi32>
        %add3A_791 = arith.addi %get3A_788, %add3A_790 : vector<16xi32>
        %swap3A_792 = arith.constant 1 : i32
        %swap3A_793 = arith.index_cast %swap3A_792 : i32 to index
        %swap3A_794 = arith.constant 240 : index
        %swap3A_795 = tpu.vector_load %arg5[%swap3A_793, %swap3A_794] {strides = array<i32>} : memref<4x256xi32, #tpu.memory_space<vmem>>, vector<1x16xi32>,
        %swap3A_796 = vector.shape_cast %swap3A_795 : vector<1x16xi32> to vector<16xi32>
        %swap3A_797 = vector.shape_cast %add3A_791 : vector<16xi32> to vector<1x16xi32>
        tpu.vector_store %arg5[%swap3A_793, %swap3A_794], %swap3A_797 {strides = array<i32>} : memref<4x256xi32, #tpu.memory_space<vmem>>, vector<1x16xi32>,
        %dma_start3A_798 = arith.constant 1 : i32
        %dma_start3A_799 = arith.constant 1 : i32
        %dma_start3A_800 = arith.constant 1 : i32
        %dma_start3A_801 = arith.constant 0 : i32
        %dma_start3A_802 = arith.constant 0 : i32
        %dma_start3A_803 = tpu.memref_slice %arg6[%dma_start3A_799, %dma_start3A_801, %dma_start3A_802] : memref<4x256x64xf32, #tpu.memory_space<vmem>> -> memref<1x256x64xf32, #tpu.memory_space<vmem>>
        %dma_start3A_804 = tpu.memref_squeeze %dma_start3A_803 : memref<1x256x64xf32, #tpu.memory_space<vmem>> -> memref<256x64xf32, #tpu.memory_space<vmem>>
        %dma_start3A_805 = arith.constant 0 : i32
        %dma_start3A_806 = tpu.memref_slice %arg5[%dma_start3A_798, %dma_start3A_805] : memref<4x256xi32, #tpu.memory_space<vmem>> -> memref<1x256xi32, #tpu.memory_space<vmem>>
        %dma_start3A_807 = tpu.memref_squeeze %dma_start3A_806 : memref<1x256xi32, #tpu.memory_space<vmem>> -> memref<256xi32, #tpu.memory_space<vmem>>
        %dma_start3A_808 = arith.constant 0 : i32
        %dma_start3A_809 = arith.constant 0 : i32
        %dma_start3A_810 = tpu.memref_slice %arg2[%dma_start3A_808, %dma_start3A_809] : memref<1000000x64xf32, #tpu.memory_space<hbm>> -> memref<1000000x64xf32, #tpu.memory_space<hbm>>
        %dma_start3A_811 = tpu.memref_slice %arg8[%dma_start3A_800] : memref<4x!tpu.dma_semaphore, #tpu.memory_space<semaphore_mem>> -> memref<1x!tpu.dma_semaphore, #tpu.memory_space<semaphore_mem>>
        %dma_start3A_812 = tpu.memref_squeeze %dma_start3A_811 : memref<1x!tpu.dma_semaphore, #tpu.memory_space<semaphore_mem>> -> memref<!tpu.dma_semaphore, #tpu.memory_space<semaphore_mem>>
        tpu.enqueue_indirect_dma source(%dma_start3A_810 : memref<1000000x64xf32, #tpu.memory_space<hbm>>) target(%dma_start3A_804 : memref<256x64xf32, #tpu.memory_space<vmem>>) offsets(%dma_start3A_807 : memref<256xi32, #tpu.memory_space<vmem>>) semaphore(%dma_start3A_812 : memref<!tpu.dma_semaphore, #tpu.memory_space<semaphore_mem>>)
      } else {
      }
      %mul3A_374 = arith.constant 256 : i32
      %mul3A_375 = arith.muli %add3A_362, %mul3A_374 : i32
      %add3A_376 = arith.addi %mul3A_2, %mul3A_375 : i32
      %dma_wait3A_377 = arith.constant 0 : i32
      %dma_wait3A_378 = arith.constant 0 : i32
      %dma_wait3A_379 = arith.constant 0 : i32
      %dma_wait3A_380 = arith.constant 0 : i32
      %dma_wait3A_381 = arith.constant 0 : i32
      %dma_wait3A_382 = tpu.memref_slice %arg6[%dma_wait3A_378, %dma_wait3A_380, %dma_wait3A_381] : memref<4x256x64xf32, #tpu.memory_space<vmem>> -> memref<1x256x64xf32, #tpu.memory_space<vmem>>
      %dma_wait3A_383 = tpu.memref_squeeze %dma_wait3A_382 : memref<1x256x64xf32, #tpu.memory_space<vmem>> -> memref<256x64xf32, #tpu.memory_space<vmem>>
      %dma_wait3A_384 = arith.constant 0 : i32
      %dma_wait3A_385 = tpu.memref_slice %arg5[%dma_wait3A_377, %dma_wait3A_384] : memref<4x256xi32, #tpu.memory_space<vmem>> -> memref<1x256xi32, #tpu.memory_space<vmem>>
      %dma_wait3A_386 = tpu.memref_squeeze %dma_wait3A_385 : memref<1x256xi32, #tpu.memory_space<vmem>> -> memref<256xi32, #tpu.memory_space<vmem>>
      %dma_wait3A_387 = arith.constant 0 : i32
      %dma_wait3A_388 = arith.constant 0 : i32
      %dma_wait3A_389 = tpu.memref_slice %arg2[%dma_wait3A_387, %dma_wait3A_388] : memref<1000000x64xf32, #tpu.memory_space<hbm>> -> memref<1000000x64xf32, #tpu.memory_space<hbm>>
      %dma_wait3A_390 = tpu.memref_slice %arg8[%dma_wait3A_379] : memref<4x!tpu.dma_semaphore, #tpu.memory_space<semaphore_mem>> -> memref<1x!tpu.dma_semaphore, #tpu.memory_space<semaphore_mem>>
      %dma_wait3A_391 = tpu.memref_squeeze %dma_wait3A_390 : memref<1x!tpu.dma_semaphore, #tpu.memory_space<semaphore_mem>> -> memref<!tpu.dma_semaphore, #tpu.memory_space<semaphore_mem>>
      tpu.wait_indirect_dma semaphore(%dma_wait3A_391 : memref<!tpu.dma_semaphore, #tpu.memory_space<semaphore_mem>>) src(%dma_wait3A_389 : memref<1000000x64xf32, #tpu.memory_space<hbm>>) dst(%dma_wait3A_383 : memref<256x64xf32, #tpu.memory_space<vmem>>)
      %dma_start3A_392 = arith.constant 0 : i32
      %dma_start3A_393 = arith.constant 0 : i32
      %dma_start3A_394 = arith.constant 0 : i32
      %dma_start3A_395 = arith.constant 0 : i32
      %dma_start3A_396 = tpu.memref_slice %arg6[%dma_start3A_392, %dma_start3A_394, %dma_start3A_395] : memref<4x256x64xf32, #tpu.memory_space<vmem>> -> memref<1x256x64xf32, #tpu.memory_space<vmem>>
      %dma_start3A_397 = tpu.memref_squeeze %dma_start3A_396 : memref<1x256x64xf32, #tpu.memory_space<vmem>> -> memref<256x64xf32, #tpu.memory_space<vmem>>
      %dma_start3A_398 = arith.constant 0 : i32
      %dma_start3A_399 = tpu.memref_slice %arg4[%add3A_376, %dma_start3A_398] : memref<819200x64xf32, #tpu.memory_space<hbm>> -> memref<256x64xf32, #tpu.memory_space<hbm>>
      %dma_start3A_400 = tpu.memref_slice %arg9[%dma_start3A_393] : memref<4x!tpu.dma_semaphore, #tpu.memory_space<semaphore_mem>> -> memref<1x!tpu.dma_semaphore, #tpu.memory_space<semaphore_mem>>
      %dma_start3A_401 = tpu.memref_squeeze %dma_start3A_400 : memref<1x!tpu.dma_semaphore, #tpu.memory_space<semaphore_mem>> -> memref<!tpu.dma_semaphore, #tpu.memory_space<semaphore_mem>>
      %dma_start3A_402 = arith.constant 0 : i32
      %dma_start3A_403 = tpu.memref_slice %arg4[%add3A_376, %dma_start3A_402] : memref<819200x64xf32, #tpu.memory_space<hbm>> -> memref<256x64xf32, #tpu.memory_space<hbm>>
      %dma_start3A_404 = arith.constant 0 : i32
      %dma_start3A_405 = arith.constant 0 : i32
      %dma_start3A_406 = tpu.memref_slice %arg6[%dma_start3A_392, %dma_start3A_404, %dma_start3A_405] : memref<4x256x64xf32, #tpu.memory_space<vmem>> -> memref<1x256x64xf32, #tpu.memory_space<vmem>>
      %dma_start3A_407 = tpu.memref_squeeze %dma_start3A_406 : memref<1x256x64xf32, #tpu.memory_space<vmem>> -> memref<256x64xf32, #tpu.memory_space<vmem>>
      tpu.enqueue_dma source(%dma_start3A_407 : memref<256x64xf32, #tpu.memory_space<vmem>>) target(%dma_start3A_403 : memref<256x64xf32, #tpu.memory_space<hbm>>) target_semaphore(%dma_start3A_401 : memref<!tpu.dma_semaphore, #tpu.memory_space<semaphore_mem>>)
      %add3A_408 = arith.constant 1 : i32
      %add3A_409 = arith.addi %add3A_360, %add3A_408 : i32
      %add3A_410 = arith.constant 2 : i32
      %add3A_411 = arith.addi %add3A_409, %add3A_410 : i32
      %lt3A_412 = arith.constant 100 : i32
      %lt3A_413 = arith.cmpi slt, %add3A_411, %lt3A_412 : i32
      %convert_element_type3A_414 = arith.extui %lt3A_413 : i1 to i32
      %cond3A_415 = arith.constant 0 : i32
      %cond3A_416 = arith.cmpi ne, %convert_element_type3A_414, %cond3A_415 : i32
      scf.if %cond3A_416 {
        %add3A_558 = arith.constant 2 : i32
        %add3A_559 = arith.addi %add3A_409, %add3A_558 : i32
        %ge3A = arith.constant 4 : i32
        %ge3A_560 = arith.cmpi sge, %add3A_559, %ge3A : i32
        %convert_element_type3A_561 = arith.extui %ge3A_560 : i1 to i32
        %cond3A_562 = arith.constant 0 : i32
        %cond3A_563 = arith.cmpi ne, %convert_element_type3A_561, %cond3A_562 : i32
        scf.if %cond3A_563 {
          %dma_wait3A_581 = arith.constant 3 : i32
          %dma_wait3A_582 = arith.constant 3 : i32
          %dma_wait3A_583 = arith.constant 0 : i32
          %dma_wait3A_584 = arith.constant 0 : i32
          %dma_wait3A_585 = tpu.memref_slice %arg6[%dma_wait3A_581, %dma_wait3A_583, %dma_wait3A_584] : memref<4x256x64xf32, #tpu.memory_space<vmem>> -> memref<1x256x64xf32, #tpu.memory_space<vmem>>
          %dma_wait3A_586 = tpu.memref_squeeze %dma_wait3A_585 : memref<1x256x64xf32, #tpu.memory_space<vmem>> -> memref<256x64xf32, #tpu.memory_space<vmem>>
          %dma_wait3A_587 = arith.constant 0 : i32
          %dma_wait3A_588 = arith.constant 0 : i32
          %dma_wait3A_589 = tpu.memref_slice %arg4[%dma_wait3A_587, %dma_wait3A_588] : memref<819200x64xf32, #tpu.memory_space<hbm>> -> memref<256x64xf32, #tpu.memory_space<hbm>>
          %dma_wait3A_590 = tpu.memref_slice %arg9[%dma_wait3A_582] : memref<4x!tpu.dma_semaphore, #tpu.memory_space<semaphore_mem>> -> memref<1x!tpu.dma_semaphore, #tpu.memory_space<semaphore_mem>>
          %dma_wait3A_591 = tpu.memref_squeeze %dma_wait3A_590 : memref<1x!tpu.dma_semaphore, #tpu.memory_space<semaphore_mem>> -> memref<!tpu.dma_semaphore, #tpu.memory_space<semaphore_mem>>
          %dma_wait3A_592 = arith.constant 0 : i32
          %dma_wait3A_593 = arith.constant 0 : i32
          %dma_wait3A_594 = tpu.memref_slice %arg4[%dma_wait3A_592, %dma_wait3A_593] : memref<819200x64xf32, #tpu.memory_space<hbm>> -> memref<256x64xf32, #tpu.memory_space<hbm>>
          %dma_wait3A_595 = arith.constant 0 : i32
          %dma_wait3A_596 = arith.constant 0 : i32
          %dma_wait3A_597 = tpu.memref_slice %arg6[%dma_wait3A_581, %dma_wait3A_595, %dma_wait3A_596] : memref<4x256x64xf32, #tpu.memory_space<vmem>> -> memref<1x256x64xf32, #tpu.memory_space<vmem>>
          %dma_wait3A_598 = tpu.memref_squeeze %dma_wait3A_597 : memref<1x256x64xf32, #tpu.memory_space<vmem>> -> memref<256x64xf32, #tpu.memory_space<vmem>>
          tpu.wait_dma2 semaphore(%dma_wait3A_591 : memref<!tpu.dma_semaphore, #tpu.memory_space<semaphore_mem>>) src(%dma_wait3A_598 : memref<256x64xf32, #tpu.memory_space<vmem>>) dst(%dma_wait3A_594 : memref<256x64xf32, #tpu.memory_space<hbm>>)
        } else {
        }
        %add3A_564 = arith.constant 2 : i32
        %add3A_565 = arith.addi %add3A_409, %add3A_564 : i32
        %mul3A_566 = arith.constant 256 : i32
        %mul3A_567 = arith.muli %add3A_565, %mul3A_566 : i32
        %add3A_568 = arith.addi %mul3A_2, %mul3A_567 : i32
        %dma_start3A_569 = arith.constant 3 : i32
        %dma_start3A_570 = arith.constant 3 : i32
        %dma_start3A_571 = arith.constant 0 : i32
        %dma_start3A_572 = tpu.memref_slice %arg5[%dma_start3A_569, %dma_start3A_571] : memref<4x256xi32, #tpu.memory_space<vmem>> -> memref<1x256xi32, #tpu.memory_space<vmem>>
        %dma_start3A_573 = tpu.memref_squeeze %dma_start3A_572 : memref<1x256xi32, #tpu.memory_space<vmem>> -> memref<256xi32, #tpu.memory_space<vmem>>
        %dma_start3A_574 = tpu.memref_slice %arg3[%add3A_568] : memref<819200xi32, #tpu.memory_space<hbm>> -> memref<256xi32, #tpu.memory_space<hbm>>
        %dma_start3A_575 = tpu.memref_slice %arg7[%dma_start3A_570] : memref<4x!tpu.dma_semaphore, #tpu.memory_space<semaphore_mem>> -> memref<1x!tpu.dma_semaphore, #tpu.memory_space<semaphore_mem>>
        %dma_start3A_576 = tpu.memref_squeeze %dma_start3A_575 : memref<1x!tpu.dma_semaphore, #tpu.memory_space<semaphore_mem>> -> memref<!tpu.dma_semaphore, #tpu.memory_space<semaphore_mem>>
        %dma_start3A_577 = arith.constant 0 : i32
        %dma_start3A_578 = tpu.memref_slice %arg5[%dma_start3A_569, %dma_start3A_577] : memref<4x256xi32, #tpu.memory_space<vmem>> -> memref<1x256xi32, #tpu.memory_space<vmem>>
        %dma_start3A_579 = tpu.memref_squeeze %dma_start3A_578 : memref<1x256xi32, #tpu.memory_space<vmem>> -> memref<256xi32, #tpu.memory_space<vmem>>
        %dma_start3A_580 = tpu.memref_slice %arg3[%add3A_568] : memref<819200xi32, #tpu.memory_space<hbm>> -> memref<256xi32, #tpu.memory_space<hbm>>
        tpu.enqueue_dma source(%dma_start3A_580 : memref<256xi32, #tpu.memory_space<hbm>>) target(%dma_start3A_579 : memref<256xi32, #tpu.memory_space<vmem>>) target_semaphore(%dma_start3A_576 : memref<!tpu.dma_semaphore, #tpu.memory_space<semaphore_mem>>)
      } else {
      }
      %add3A_417 = arith.constant 1 : i32
      %add3A_418 = arith.addi %add3A_409, %add3A_417 : i32
      %lt3A_419 = arith.constant 100 : i32
      %lt3A_420 = arith.cmpi slt, %add3A_418, %lt3A_419 : i32
      %convert_element_type3A_421 = arith.extui %lt3A_420 : i1 to i32
      %cond3A_422 = arith.constant 0 : i32
      %cond3A_423 = arith.cmpi ne, %convert_element_type3A_421, %cond3A_422 : i32
      scf.if %cond3A_423 {
        %add3A_558 = arith.constant 1 : i32
        %add3A_559 = arith.addi %add3A_409, %add3A_558 : i32
        %dma_wait3A_560 = arith.constant 2 : i32
        %dma_wait3A_561 = arith.constant 2 : i32
        %dma_wait3A_562 = arith.constant 0 : i32
        %dma_wait3A_563 = tpu.memref_slice %arg5[%dma_wait3A_560, %dma_wait3A_562] : memref<4x256xi32, #tpu.memory_space<vmem>> -> memref<1x256xi32, #tpu.memory_space<vmem>>
        %dma_wait3A_564 = tpu.memref_squeeze %dma_wait3A_563 : memref<1x256xi32, #tpu.memory_space<vmem>> -> memref<256xi32, #tpu.memory_space<vmem>>
        %dma_wait3A_565 = arith.constant 0 : i32
        %dma_wait3A_566 = tpu.memref_slice %arg3[%dma_wait3A_565] : memref<819200xi32, #tpu.memory_space<hbm>> -> memref<256xi32, #tpu.memory_space<hbm>>
        %dma_wait3A_567 = tpu.memref_slice %arg7[%dma_wait3A_561] : memref<4x!tpu.dma_semaphore, #tpu.memory_space<semaphore_mem>> -> memref<1x!tpu.dma_semaphore, #tpu.memory_space<semaphore_mem>>
        %dma_wait3A_568 = tpu.memref_squeeze %dma_wait3A_567 : memref<1x!tpu.dma_semaphore, #tpu.memory_space<semaphore_mem>> -> memref<!tpu.dma_semaphore, #tpu.memory_space<semaphore_mem>>
        %dma_wait3A_569 = arith.constant 0 : i32
        %dma_wait3A_570 = tpu.memref_slice %arg5[%dma_wait3A_560, %dma_wait3A_569] : memref<4x256xi32, #tpu.memory_space<vmem>> -> memref<1x256xi32, #tpu.memory_space<vmem>>
        %dma_wait3A_571 = tpu.memref_squeeze %dma_wait3A_570 : memref<1x256xi32, #tpu.memory_space<vmem>> -> memref<256xi32, #tpu.memory_space<vmem>>
        %dma_wait3A_572 = arith.constant 0 : i32
        %dma_wait3A_573 = tpu.memref_slice %arg3[%dma_wait3A_572] : memref<819200xi32, #tpu.memory_space<hbm>> -> memref<256xi32, #tpu.memory_space<hbm>>
        tpu.wait_dma2 semaphore(%dma_wait3A_568 : memref<!tpu.dma_semaphore, #tpu.memory_space<semaphore_mem>>) src(%dma_wait3A_573 : memref<256xi32, #tpu.memory_space<hbm>>) dst(%dma_wait3A_571 : memref<256xi32, #tpu.memory_space<vmem>>)
        %get3A_574 = arith.constant 2 : i32
        %get3A_575 = arith.index_cast %get3A_574 : i32 to index
        %get3A_576 = arith.constant 0 : index
        %get3A_577 = tpu.vector_load %arg5[%get3A_575, %get3A_576] {strides = array<i32>} : memref<4x256xi32, #tpu.memory_space<vmem>>, vector<1x16xi32>,
        %get3A_578 = vector.shape_cast %get3A_577 : vector<1x16xi32> to vector<16xi32>
        %add3A_579 = arith.constant 1 : i32
        %add3A_580 = vector.broadcast %add3A_579 : i32 to vector<16xi32>
        %add3A_581 = arith.addi %get3A_578, %add3A_580 : vector<16xi32>
        %swap3A_582 = arith.constant 2 : i32
        %swap3A_583 = arith.index_cast %swap3A_582 : i32 to index
        %swap3A_584 = arith.constant 0 : index
        %swap3A_585 = tpu.vector_load %arg5[%swap3A_583, %swap3A_584] {strides = array<i32>} : memref<4x256xi32, #tpu.memory_space<vmem>>, vector<1x16xi32>,
        %swap3A_586 = vector.shape_cast %swap3A_585 : vector<1x16xi32> to vector<16xi32>
        %swap3A_587 = vector.shape_cast %add3A_581 : vector<16xi32> to vector<1x16xi32>
        tpu.vector_store %arg5[%swap3A_583, %swap3A_584], %swap3A_587 {strides = array<i32>} : memref<4x256xi32, #tpu.memory_space<vmem>>, vector<1x16xi32>,
        %get3A_588 = arith.constant 2 : i32
        %get3A_589 = arith.index_cast %get3A_588 : i32 to index
        %get3A_590 = arith.constant 16 : index
        %get3A_591 = tpu.vector_load %arg5[%get3A_589, %get3A_590] {strides = array<i32>} : memref<4x256xi32, #tpu.memory_space<vmem>>, vector<1x16xi32>,
        %get3A_592 = vector.shape_cast %get3A_591 : vector<1x16xi32> to vector<16xi32>
        %add3A_593 = arith.constant 1 : i32
        %add3A_594 = vector.broadcast %add3A_593 : i32 to vector<16xi32>
        %add3A_595 = arith.addi %get3A_592, %add3A_594 : vector<16xi32>
        %swap3A_596 = arith.constant 2 : i32
        %swap3A_597 = arith.index_cast %swap3A_596 : i32 to index
        %swap3A_598 = arith.constant 16 : index
        %swap3A_599 = tpu.vector_load %arg5[%swap3A_597, %swap3A_598] {strides = array<i32>} : memref<4x256xi32, #tpu.memory_space<vmem>>, vector<1x16xi32>,
        %swap3A_600 = vector.shape_cast %swap3A_599 : vector<1x16xi32> to vector<16xi32>
        %swap3A_601 = vector.shape_cast %add3A_595 : vector<16xi32> to vector<1x16xi32>
        tpu.vector_store %arg5[%swap3A_597, %swap3A_598], %swap3A_601 {strides = array<i32>} : memref<4x256xi32, #tpu.memory_space<vmem>>, vector<1x16xi32>,
        %get3A_602 = arith.constant 2 : i32
        %get3A_603 = arith.index_cast %get3A_602 : i32 to index
        %get3A_604 = arith.constant 32 : index
        %get3A_605 = tpu.vector_load %arg5[%get3A_603, %get3A_604] {strides = array<i32>} : memref<4x256xi32, #tpu.memory_space<vmem>>, vector<1x16xi32>,
        %get3A_606 = vector.shape_cast %get3A_605 : vector<1x16xi32> to vector<16xi32>
        %add3A_607 = arith.constant 1 : i32
        %add3A_608 = vector.broadcast %add3A_607 : i32 to vector<16xi32>
        %add3A_609 = arith.addi %get3A_606, %add3A_608 : vector<16xi32>
        %swap3A_610 = arith.constant 2 : i32
        %swap3A_611 = arith.index_cast %swap3A_610 : i32 to index
        %swap3A_612 = arith.constant 32 : index
        %swap3A_613 = tpu.vector_load %arg5[%swap3A_611, %swap3A_612] {strides = array<i32>} : memref<4x256xi32, #tpu.memory_space<vmem>>, vector<1x16xi32>,
        %swap3A_614 = vector.shape_cast %swap3A_613 : vector<1x16xi32> to vector<16xi32>
        %swap3A_615 = vector.shape_cast %add3A_609 : vector<16xi32> to vector<1x16xi32>
        tpu.vector_store %arg5[%swap3A_611, %swap3A_612], %swap3A_615 {strides = array<i32>} : memref<4x256xi32, #tpu.memory_space<vmem>>, vector<1x16xi32>,
        %get3A_616 = arith.constant 2 : i32
        %get3A_617 = arith.index_cast %get3A_616 : i32 to index
        %get3A_618 = arith.constant 48 : index
        %get3A_619 = tpu.vector_load %arg5[%get3A_617, %get3A_618] {strides = array<i32>} : memref<4x256xi32, #tpu.memory_space<vmem>>, vector<1x16xi32>,
        %get3A_620 = vector.shape_cast %get3A_619 : vector<1x16xi32> to vector<16xi32>
        %add3A_621 = arith.constant 1 : i32
        %add3A_622 = vector.broadcast %add3A_621 : i32 to vector<16xi32>
        %add3A_623 = arith.addi %get3A_620, %add3A_622 : vector<16xi32>
        %swap3A_624 = arith.constant 2 : i32
        %swap3A_625 = arith.index_cast %swap3A_624 : i32 to index
        %swap3A_626 = arith.constant 48 : index
        %swap3A_627 = tpu.vector_load %arg5[%swap3A_625, %swap3A_626] {strides = array<i32>} : memref<4x256xi32, #tpu.memory_space<vmem>>, vector<1x16xi32>,
        %swap3A_628 = vector.shape_cast %swap3A_627 : vector<1x16xi32> to vector<16xi32>
        %swap3A_629 = vector.shape_cast %add3A_623 : vector<16xi32> to vector<1x16xi32>
        tpu.vector_store %arg5[%swap3A_625, %swap3A_626], %swap3A_629 {strides = array<i32>} : memref<4x256xi32, #tpu.memory_space<vmem>>, vector<1x16xi32>,
        %get3A_630 = arith.constant 2 : i32
        %get3A_631 = arith.index_cast %get3A_630 : i32 to index
        %get3A_632 = arith.constant 64 : index
        %get3A_633 = tpu.vector_load %arg5[%get3A_631, %get3A_632] {strides = array<i32>} : memref<4x256xi32, #tpu.memory_space<vmem>>, vector<1x16xi32>,
        %get3A_634 = vector.shape_cast %get3A_633 : vector<1x16xi32> to vector<16xi32>
        %add3A_635 = arith.constant 1 : i32
        %add3A_636 = vector.broadcast %add3A_635 : i32 to vector<16xi32>
        %add3A_637 = arith.addi %get3A_634, %add3A_636 : vector<16xi32>
        %swap3A_638 = arith.constant 2 : i32
        %swap3A_639 = arith.index_cast %swap3A_638 : i32 to index
        %swap3A_640 = arith.constant 64 : index
        %swap3A_641 = tpu.vector_load %arg5[%swap3A_639, %swap3A_640] {strides = array<i32>} : memref<4x256xi32, #tpu.memory_space<vmem>>, vector<1x16xi32>,
        %swap3A_642 = vector.shape_cast %swap3A_641 : vector<1x16xi32> to vector<16xi32>
        %swap3A_643 = vector.shape_cast %add3A_637 : vector<16xi32> to vector<1x16xi32>
        tpu.vector_store %arg5[%swap3A_639, %swap3A_640], %swap3A_643 {strides = array<i32>} : memref<4x256xi32, #tpu.memory_space<vmem>>, vector<1x16xi32>,
        %get3A_644 = arith.constant 2 : i32
        %get3A_645 = arith.index_cast %get3A_644 : i32 to index
        %get3A_646 = arith.constant 80 : index
        %get3A_647 = tpu.vector_load %arg5[%get3A_645, %get3A_646] {strides = array<i32>} : memref<4x256xi32, #tpu.memory_space<vmem>>, vector<1x16xi32>,
        %get3A_648 = vector.shape_cast %get3A_647 : vector<1x16xi32> to vector<16xi32>
        %add3A_649 = arith.constant 1 : i32
        %add3A_650 = vector.broadcast %add3A_649 : i32 to vector<16xi32>
        %add3A_651 = arith.addi %get3A_648, %add3A_650 : vector<16xi32>
        %swap3A_652 = arith.constant 2 : i32
        %swap3A_653 = arith.index_cast %swap3A_652 : i32 to index
        %swap3A_654 = arith.constant 80 : index
        %swap3A_655 = tpu.vector_load %arg5[%swap3A_653, %swap3A_654] {strides = array<i32>} : memref<4x256xi32, #tpu.memory_space<vmem>>, vector<1x16xi32>,
        %swap3A_656 = vector.shape_cast %swap3A_655 : vector<1x16xi32> to vector<16xi32>
        %swap3A_657 = vector.shape_cast %add3A_651 : vector<16xi32> to vector<1x16xi32>
        tpu.vector_store %arg5[%swap3A_653, %swap3A_654], %swap3A_657 {strides = array<i32>} : memref<4x256xi32, #tpu.memory_space<vmem>>, vector<1x16xi32>,
        %get3A_658 = arith.constant 2 : i32
        %get3A_659 = arith.index_cast %get3A_658 : i32 to index
        %get3A_660 = arith.constant 96 : index
        %get3A_661 = tpu.vector_load %arg5[%get3A_659, %get3A_660] {strides = array<i32>} : memref<4x256xi32, #tpu.memory_space<vmem>>, vector<1x16xi32>,
        %get3A_662 = vector.shape_cast %get3A_661 : vector<1x16xi32> to vector<16xi32>
        %add3A_663 = arith.constant 1 : i32
        %add3A_664 = vector.broadcast %add3A_663 : i32 to vector<16xi32>
        %add3A_665 = arith.addi %get3A_662, %add3A_664 : vector<16xi32>
        %swap3A_666 = arith.constant 2 : i32
        %swap3A_667 = arith.index_cast %swap3A_666 : i32 to index
        %swap3A_668 = arith.constant 96 : index
        %swap3A_669 = tpu.vector_load %arg5[%swap3A_667, %swap3A_668] {strides = array<i32>} : memref<4x256xi32, #tpu.memory_space<vmem>>, vector<1x16xi32>,
        %swap3A_670 = vector.shape_cast %swap3A_669 : vector<1x16xi32> to vector<16xi32>
        %swap3A_671 = vector.shape_cast %add3A_665 : vector<16xi32> to vector<1x16xi32>
        tpu.vector_store %arg5[%swap3A_667, %swap3A_668], %swap3A_671 {strides = array<i32>} : memref<4x256xi32, #tpu.memory_space<vmem>>, vector<1x16xi32>,
        %get3A_672 = arith.constant 2 : i32
        %get3A_673 = arith.index_cast %get3A_672 : i32 to index
        %get3A_674 = arith.constant 112 : index
        %get3A_675 = tpu.vector_load %arg5[%get3A_673, %get3A_674] {strides = array<i32>} : memref<4x256xi32, #tpu.memory_space<vmem>>, vector<1x16xi32>,
        %get3A_676 = vector.shape_cast %get3A_675 : vector<1x16xi32> to vector<16xi32>
        %add3A_677 = arith.constant 1 : i32
        %add3A_678 = vector.broadcast %add3A_677 : i32 to vector<16xi32>
        %add3A_679 = arith.addi %get3A_676, %add3A_678 : vector<16xi32>
        %swap3A_680 = arith.constant 2 : i32
        %swap3A_681 = arith.index_cast %swap3A_680 : i32 to index
        %swap3A_682 = arith.constant 112 : index
        %swap3A_683 = tpu.vector_load %arg5[%swap3A_681, %swap3A_682] {strides = array<i32>} : memref<4x256xi32, #tpu.memory_space<vmem>>, vector<1x16xi32>,
        %swap3A_684 = vector.shape_cast %swap3A_683 : vector<1x16xi32> to vector<16xi32>
        %swap3A_685 = vector.shape_cast %add3A_679 : vector<16xi32> to vector<1x16xi32>
        tpu.vector_store %arg5[%swap3A_681, %swap3A_682], %swap3A_685 {strides = array<i32>} : memref<4x256xi32, #tpu.memory_space<vmem>>, vector<1x16xi32>,
        %get3A_686 = arith.constant 2 : i32
        %get3A_687 = arith.index_cast %get3A_686 : i32 to index
        %get3A_688 = arith.constant 128 : index
        %get3A_689 = tpu.vector_load %arg5[%get3A_687, %get3A_688] {strides = array<i32>} : memref<4x256xi32, #tpu.memory_space<vmem>>, vector<1x16xi32>,
        %get3A_690 = vector.shape_cast %get3A_689 : vector<1x16xi32> to vector<16xi32>
        %add3A_691 = arith.constant 1 : i32
        %add3A_692 = vector.broadcast %add3A_691 : i32 to vector<16xi32>
        %add3A_693 = arith.addi %get3A_690, %add3A_692 : vector<16xi32>
        %swap3A_694 = arith.constant 2 : i32
        %swap3A_695 = arith.index_cast %swap3A_694 : i32 to index
        %swap3A_696 = arith.constant 128 : index
        %swap3A_697 = tpu.vector_load %arg5[%swap3A_695, %swap3A_696] {strides = array<i32>} : memref<4x256xi32, #tpu.memory_space<vmem>>, vector<1x16xi32>,
        %swap3A_698 = vector.shape_cast %swap3A_697 : vector<1x16xi32> to vector<16xi32>
        %swap3A_699 = vector.shape_cast %add3A_693 : vector<16xi32> to vector<1x16xi32>
        tpu.vector_store %arg5[%swap3A_695, %swap3A_696], %swap3A_699 {strides = array<i32>} : memref<4x256xi32, #tpu.memory_space<vmem>>, vector<1x16xi32>,
        %get3A_700 = arith.constant 2 : i32
        %get3A_701 = arith.index_cast %get3A_700 : i32 to index
        %get3A_702 = arith.constant 144 : index
        %get3A_703 = tpu.vector_load %arg5[%get3A_701, %get3A_702] {strides = array<i32>} : memref<4x256xi32, #tpu.memory_space<vmem>>, vector<1x16xi32>,
        %get3A_704 = vector.shape_cast %get3A_703 : vector<1x16xi32> to vector<16xi32>
        %add3A_705 = arith.constant 1 : i32
        %add3A_706 = vector.broadcast %add3A_705 : i32 to vector<16xi32>
        %add3A_707 = arith.addi %get3A_704, %add3A_706 : vector<16xi32>
        %swap3A_708 = arith.constant 2 : i32
        %swap3A_709 = arith.index_cast %swap3A_708 : i32 to index
        %swap3A_710 = arith.constant 144 : index
        %swap3A_711 = tpu.vector_load %arg5[%swap3A_709, %swap3A_710] {strides = array<i32>} : memref<4x256xi32, #tpu.memory_space<vmem>>, vector<1x16xi32>,
        %swap3A_712 = vector.shape_cast %swap3A_711 : vector<1x16xi32> to vector<16xi32>
        %swap3A_713 = vector.shape_cast %add3A_707 : vector<16xi32> to vector<1x16xi32>
        tpu.vector_store %arg5[%swap3A_709, %swap3A_710], %swap3A_713 {strides = array<i32>} : memref<4x256xi32, #tpu.memory_space<vmem>>, vector<1x16xi32>,
        %get3A_714 = arith.constant 2 : i32
        %get3A_715 = arith.index_cast %get3A_714 : i32 to index
        %get3A_716 = arith.constant 160 : index
        %get3A_717 = tpu.vector_load %arg5[%get3A_715, %get3A_716] {strides = array<i32>} : memref<4x256xi32, #tpu.memory_space<vmem>>, vector<1x16xi32>,
        %get3A_718 = vector.shape_cast %get3A_717 : vector<1x16xi32> to vector<16xi32>
        %add3A_719 = arith.constant 1 : i32
        %add3A_720 = vector.broadcast %add3A_719 : i32 to vector<16xi32>
        %add3A_721 = arith.addi %get3A_718, %add3A_720 : vector<16xi32>
        %swap3A_722 = arith.constant 2 : i32
        %swap3A_723 = arith.index_cast %swap3A_722 : i32 to index
        %swap3A_724 = arith.constant 160 : index
        %swap3A_725 = tpu.vector_load %arg5[%swap3A_723, %swap3A_724] {strides = array<i32>} : memref<4x256xi32, #tpu.memory_space<vmem>>, vector<1x16xi32>,
        %swap3A_726 = vector.shape_cast %swap3A_725 : vector<1x16xi32> to vector<16xi32>
        %swap3A_727 = vector.shape_cast %add3A_721 : vector<16xi32> to vector<1x16xi32>
        tpu.vector_store %arg5[%swap3A_723, %swap3A_724], %swap3A_727 {strides = array<i32>} : memref<4x256xi32, #tpu.memory_space<vmem>>, vector<1x16xi32>,
        %get3A_728 = arith.constant 2 : i32
        %get3A_729 = arith.index_cast %get3A_728 : i32 to index
        %get3A_730 = arith.constant 176 : index
        %get3A_731 = tpu.vector_load %arg5[%get3A_729, %get3A_730] {strides = array<i32>} : memref<4x256xi32, #tpu.memory_space<vmem>>, vector<1x16xi32>,
        %get3A_732 = vector.shape_cast %get3A_731 : vector<1x16xi32> to vector<16xi32>
        %add3A_733 = arith.constant 1 : i32
        %add3A_734 = vector.broadcast %add3A_733 : i32 to vector<16xi32>
        %add3A_735 = arith.addi %get3A_732, %add3A_734 : vector<16xi32>
        %swap3A_736 = arith.constant 2 : i32
        %swap3A_737 = arith.index_cast %swap3A_736 : i32 to index
        %swap3A_738 = arith.constant 176 : index
        %swap3A_739 = tpu.vector_load %arg5[%swap3A_737, %swap3A_738] {strides = array<i32>} : memref<4x256xi32, #tpu.memory_space<vmem>>, vector<1x16xi32>,
        %swap3A_740 = vector.shape_cast %swap3A_739 : vector<1x16xi32> to vector<16xi32>
        %swap3A_741 = vector.shape_cast %add3A_735 : vector<16xi32> to vector<1x16xi32>
        tpu.vector_store %arg5[%swap3A_737, %swap3A_738], %swap3A_741 {strides = array<i32>} : memref<4x256xi32, #tpu.memory_space<vmem>>, vector<1x16xi32>,
        %get3A_742 = arith.constant 2 : i32
        %get3A_743 = arith.index_cast %get3A_742 : i32 to index
        %get3A_744 = arith.constant 192 : index
        %get3A_745 = tpu.vector_load %arg5[%get3A_743, %get3A_744] {strides = array<i32>} : memref<4x256xi32, #tpu.memory_space<vmem>>, vector<1x16xi32>,
        %get3A_746 = vector.shape_cast %get3A_745 : vector<1x16xi32> to vector<16xi32>
        %add3A_747 = arith.constant 1 : i32
        %add3A_748 = vector.broadcast %add3A_747 : i32 to vector<16xi32>
        %add3A_749 = arith.addi %get3A_746, %add3A_748 : vector<16xi32>
        %swap3A_750 = arith.constant 2 : i32
        %swap3A_751 = arith.index_cast %swap3A_750 : i32 to index
        %swap3A_752 = arith.constant 192 : index
        %swap3A_753 = tpu.vector_load %arg5[%swap3A_751, %swap3A_752] {strides = array<i32>} : memref<4x256xi32, #tpu.memory_space<vmem>>, vector<1x16xi32>,
        %swap3A_754 = vector.shape_cast %swap3A_753 : vector<1x16xi32> to vector<16xi32>
        %swap3A_755 = vector.shape_cast %add3A_749 : vector<16xi32> to vector<1x16xi32>
        tpu.vector_store %arg5[%swap3A_751, %swap3A_752], %swap3A_755 {strides = array<i32>} : memref<4x256xi32, #tpu.memory_space<vmem>>, vector<1x16xi32>,
        %get3A_756 = arith.constant 2 : i32
        %get3A_757 = arith.index_cast %get3A_756 : i32 to index
        %get3A_758 = arith.constant 208 : index
        %get3A_759 = tpu.vector_load %arg5[%get3A_757, %get3A_758] {strides = array<i32>} : memref<4x256xi32, #tpu.memory_space<vmem>>, vector<1x16xi32>,
        %get3A_760 = vector.shape_cast %get3A_759 : vector<1x16xi32> to vector<16xi32>
        %add3A_761 = arith.constant 1 : i32
        %add3A_762 = vector.broadcast %add3A_761 : i32 to vector<16xi32>
        %add3A_763 = arith.addi %get3A_760, %add3A_762 : vector<16xi32>
        %swap3A_764 = arith.constant 2 : i32
        %swap3A_765 = arith.index_cast %swap3A_764 : i32 to index
        %swap3A_766 = arith.constant 208 : index
        %swap3A_767 = tpu.vector_load %arg5[%swap3A_765, %swap3A_766] {strides = array<i32>} : memref<4x256xi32, #tpu.memory_space<vmem>>, vector<1x16xi32>,
        %swap3A_768 = vector.shape_cast %swap3A_767 : vector<1x16xi32> to vector<16xi32>
        %swap3A_769 = vector.shape_cast %add3A_763 : vector<16xi32> to vector<1x16xi32>
        tpu.vector_store %arg5[%swap3A_765, %swap3A_766], %swap3A_769 {strides = array<i32>} : memref<4x256xi32, #tpu.memory_space<vmem>>, vector<1x16xi32>,
        %get3A_770 = arith.constant 2 : i32
        %get3A_771 = arith.index_cast %get3A_770 : i32 to index
        %get3A_772 = arith.constant 224 : index
        %get3A_773 = tpu.vector_load %arg5[%get3A_771, %get3A_772] {strides = array<i32>} : memref<4x256xi32, #tpu.memory_space<vmem>>, vector<1x16xi32>,
        %get3A_774 = vector.shape_cast %get3A_773 : vector<1x16xi32> to vector<16xi32>
        %add3A_775 = arith.constant 1 : i32
        %add3A_776 = vector.broadcast %add3A_775 : i32 to vector<16xi32>
        %add3A_777 = arith.addi %get3A_774, %add3A_776 : vector<16xi32>
        %swap3A_778 = arith.constant 2 : i32
        %swap3A_779 = arith.index_cast %swap3A_778 : i32 to index
        %swap3A_780 = arith.constant 224 : index
        %swap3A_781 = tpu.vector_load %arg5[%swap3A_779, %swap3A_780] {strides = array<i32>} : memref<4x256xi32, #tpu.memory_space<vmem>>, vector<1x16xi32>,
        %swap3A_782 = vector.shape_cast %swap3A_781 : vector<1x16xi32> to vector<16xi32>
        %swap3A_783 = vector.shape_cast %add3A_777 : vector<16xi32> to vector<1x16xi32>
        tpu.vector_store %arg5[%swap3A_779, %swap3A_780], %swap3A_783 {strides = array<i32>} : memref<4x256xi32, #tpu.memory_space<vmem>>, vector<1x16xi32>,
        %get3A_784 = arith.constant 2 : i32
        %get3A_785 = arith.index_cast %get3A_784 : i32 to index
        %get3A_786 = arith.constant 240 : index
        %get3A_787 = tpu.vector_load %arg5[%get3A_785, %get3A_786] {strides = array<i32>} : memref<4x256xi32, #tpu.memory_space<vmem>>, vector<1x16xi32>,
        %get3A_788 = vector.shape_cast %get3A_787 : vector<1x16xi32> to vector<16xi32>
        %add3A_789 = arith.constant 1 : i32
        %add3A_790 = vector.broadcast %add3A_789 : i32 to vector<16xi32>
        %add3A_791 = arith.addi %get3A_788, %add3A_790 : vector<16xi32>
        %swap3A_792 = arith.constant 2 : i32
        %swap3A_793 = arith.index_cast %swap3A_792 : i32 to index
        %swap3A_794 = arith.constant 240 : index
        %swap3A_795 = tpu.vector_load %arg5[%swap3A_793, %swap3A_794] {strides = array<i32>} : memref<4x256xi32, #tpu.memory_space<vmem>>, vector<1x16xi32>,
        %swap3A_796 = vector.shape_cast %swap3A_795 : vector<1x16xi32> to vector<16xi32>
        %swap3A_797 = vector.shape_cast %add3A_791 : vector<16xi32> to vector<1x16xi32>
        tpu.vector_store %arg5[%swap3A_793, %swap3A_794], %swap3A_797 {strides = array<i32>} : memref<4x256xi32, #tpu.memory_space<vmem>>, vector<1x16xi32>,
        %dma_start3A_798 = arith.constant 2 : i32
        %dma_start3A_799 = arith.constant 2 : i32
        %dma_start3A_800 = arith.constant 2 : i32
        %dma_start3A_801 = arith.constant 0 : i32
        %dma_start3A_802 = arith.constant 0 : i32
        %dma_start3A_803 = tpu.memref_slice %arg6[%dma_start3A_799, %dma_start3A_801, %dma_start3A_802] : memref<4x256x64xf32, #tpu.memory_space<vmem>> -> memref<1x256x64xf32, #tpu.memory_space<vmem>>
        %dma_start3A_804 = tpu.memref_squeeze %dma_start3A_803 : memref<1x256x64xf32, #tpu.memory_space<vmem>> -> memref<256x64xf32, #tpu.memory_space<vmem>>
        %dma_start3A_805 = arith.constant 0 : i32
        %dma_start3A_806 = tpu.memref_slice %arg5[%dma_start3A_798, %dma_start3A_805] : memref<4x256xi32, #tpu.memory_space<vmem>> -> memref<1x256xi32, #tpu.memory_space<vmem>>
        %dma_start3A_807 = tpu.memref_squeeze %dma_start3A_806 : memref<1x256xi32, #tpu.memory_space<vmem>> -> memref<256xi32, #tpu.memory_space<vmem>>
        %dma_start3A_808 = arith.constant 0 : i32
        %dma_start3A_809 = arith.constant 0 : i32
        %dma_start3A_810 = tpu.memref_slice %arg2[%dma_start3A_808, %dma_start3A_809] : memref<1000000x64xf32, #tpu.memory_space<hbm>> -> memref<1000000x64xf32, #tpu.memory_space<hbm>>
        %dma_start3A_811 = tpu.memref_slice %arg8[%dma_start3A_800] : memref<4x!tpu.dma_semaphore, #tpu.memory_space<semaphore_mem>> -> memref<1x!tpu.dma_semaphore, #tpu.memory_space<semaphore_mem>>
        %dma_start3A_812 = tpu.memref_squeeze %dma_start3A_811 : memref<1x!tpu.dma_semaphore, #tpu.memory_space<semaphore_mem>> -> memref<!tpu.dma_semaphore, #tpu.memory_space<semaphore_mem>>
        tpu.enqueue_indirect_dma source(%dma_start3A_810 : memref<1000000x64xf32, #tpu.memory_space<hbm>>) target(%dma_start3A_804 : memref<256x64xf32, #tpu.memory_space<vmem>>) offsets(%dma_start3A_807 : memref<256xi32, #tpu.memory_space<vmem>>) semaphore(%dma_start3A_812 : memref<!tpu.dma_semaphore, #tpu.memory_space<semaphore_mem>>)
      } else {
      }
      %mul3A_424 = arith.constant 256 : i32
      %mul3A_425 = arith.muli %add3A_409, %mul3A_424 : i32
      %add3A_426 = arith.addi %mul3A_2, %mul3A_425 : i32
      %dma_wait3A_427 = arith.constant 1 : i32
      %dma_wait3A_428 = arith.constant 1 : i32
      %dma_wait3A_429 = arith.constant 1 : i32
      %dma_wait3A_430 = arith.constant 0 : i32
      %dma_wait3A_431 = arith.constant 0 : i32
      %dma_wait3A_432 = tpu.memref_slice %arg6[%dma_wait3A_428, %dma_wait3A_430, %dma_wait3A_431] : memref<4x256x64xf32, #tpu.memory_space<vmem>> -> memref<1x256x64xf32, #tpu.memory_space<vmem>>
      %dma_wait3A_433 = tpu.memref_squeeze %dma_wait3A_432 : memref<1x256x64xf32, #tpu.memory_space<vmem>> -> memref<256x64xf32, #tpu.memory_space<vmem>>
      %dma_wait3A_434 = arith.constant 0 : i32
      %dma_wait3A_435 = tpu.memref_slice %arg5[%dma_wait3A_427, %dma_wait3A_434] : memref<4x256xi32, #tpu.memory_space<vmem>> -> memref<1x256xi32, #tpu.memory_space<vmem>>
      %dma_wait3A_436 = tpu.memref_squeeze %dma_wait3A_435 : memref<1x256xi32, #tpu.memory_space<vmem>> -> memref<256xi32, #tpu.memory_space<vmem>>
      %dma_wait3A_437 = arith.constant 0 : i32
      %dma_wait3A_438 = arith.constant 0 : i32
      %dma_wait3A_439 = tpu.memref_slice %arg2[%dma_wait3A_437, %dma_wait3A_438] : memref<1000000x64xf32, #tpu.memory_space<hbm>> -> memref<1000000x64xf32, #tpu.memory_space<hbm>>
      %dma_wait3A_440 = tpu.memref_slice %arg8[%dma_wait3A_429] : memref<4x!tpu.dma_semaphore, #tpu.memory_space<semaphore_mem>> -> memref<1x!tpu.dma_semaphore, #tpu.memory_space<semaphore_mem>>
      %dma_wait3A_441 = tpu.memref_squeeze %dma_wait3A_440 : memref<1x!tpu.dma_semaphore, #tpu.memory_space<semaphore_mem>> -> memref<!tpu.dma_semaphore, #tpu.memory_space<semaphore_mem>>
      tpu.wait_indirect_dma semaphore(%dma_wait3A_441 : memref<!tpu.dma_semaphore, #tpu.memory_space<semaphore_mem>>) src(%dma_wait3A_439 : memref<1000000x64xf32, #tpu.memory_space<hbm>>) dst(%dma_wait3A_433 : memref<256x64xf32, #tpu.memory_space<vmem>>)
      %dma_start3A_442 = arith.constant 1 : i32
      %dma_start3A_443 = arith.constant 1 : i32
      %dma_start3A_444 = arith.constant 0 : i32
      %dma_start3A_445 = arith.constant 0 : i32
      %dma_start3A_446 = tpu.memref_slice %arg6[%dma_start3A_442, %dma_start3A_444, %dma_start3A_445] : memref<4x256x64xf32, #tpu.memory_space<vmem>> -> memref<1x256x64xf32, #tpu.memory_space<vmem>>
      %dma_start3A_447 = tpu.memref_squeeze %dma_start3A_446 : memref<1x256x64xf32, #tpu.memory_space<vmem>> -> memref<256x64xf32, #tpu.memory_space<vmem>>
      %dma_start3A_448 = arith.constant 0 : i32
      %dma_start3A_449 = tpu.memref_slice %arg4[%add3A_426, %dma_start3A_448] : memref<819200x64xf32, #tpu.memory_space<hbm>> -> memref<256x64xf32, #tpu.memory_space<hbm>>
      %dma_start3A_450 = tpu.memref_slice %arg9[%dma_start3A_443] : memref<4x!tpu.dma_semaphore, #tpu.memory_space<semaphore_mem>> -> memref<1x!tpu.dma_semaphore, #tpu.memory_space<semaphore_mem>>
      %dma_start3A_451 = tpu.memref_squeeze %dma_start3A_450 : memref<1x!tpu.dma_semaphore, #tpu.memory_space<semaphore_mem>> -> memref<!tpu.dma_semaphore, #tpu.memory_space<semaphore_mem>>
      %dma_start3A_452 = arith.constant 0 : i32
      %dma_start3A_453 = tpu.memref_slice %arg4[%add3A_426, %dma_start3A_452] : memref<819200x64xf32, #tpu.memory_space<hbm>> -> memref<256x64xf32, #tpu.memory_space<hbm>>
      %dma_start3A_454 = arith.constant 0 : i32
      %dma_start3A_455 = arith.constant 0 : i32
      %dma_start3A_456 = tpu.memref_slice %arg6[%dma_start3A_442, %dma_start3A_454, %dma_start3A_455] : memref<4x256x64xf32, #tpu.memory_space<vmem>> -> memref<1x256x64xf32, #tpu.memory_space<vmem>>
      %dma_start3A_457 = tpu.memref_squeeze %dma_start3A_456 : memref<1x256x64xf32, #tpu.memory_space<vmem>> -> memref<256x64xf32, #tpu.memory_space<vmem>>
      tpu.enqueue_dma source(%dma_start3A_457 : memref<256x64xf32, #tpu.memory_space<vmem>>) target(%dma_start3A_453 : memref<256x64xf32, #tpu.memory_space<hbm>>) target_semaphore(%dma_start3A_451 : memref<!tpu.dma_semaphore, #tpu.memory_space<semaphore_mem>>)
      %add3A_458 = arith.constant 2 : i32
      %add3A_459 = arith.addi %add3A_360, %add3A_458 : i32
      %add3A_460 = arith.constant 2 : i32
      %add3A_461 = arith.addi %add3A_459, %add3A_460 : i32
      %lt3A_462 = arith.constant 100 : i32
      %lt3A_463 = arith.cmpi slt, %add3A_461, %lt3A_462 : i32
      %convert_element_type3A_464 = arith.extui %lt3A_463 : i1 to i32
      %cond3A_465 = arith.constant 0 : i32
      %cond3A_466 = arith.cmpi ne, %convert_element_type3A_464, %cond3A_465 : i32
      scf.if %cond3A_466 {
        %add3A_558 = arith.constant 2 : i32
        %add3A_559 = arith.addi %add3A_459, %add3A_558 : i32
        %ge3A = arith.constant 4 : i32
        %ge3A_560 = arith.cmpi sge, %add3A_559, %ge3A : i32
        %convert_element_type3A_561 = arith.extui %ge3A_560 : i1 to i32
        %cond3A_562 = arith.constant 0 : i32
        %cond3A_563 = arith.cmpi ne, %convert_element_type3A_561, %cond3A_562 : i32
        scf.if %cond3A_563 {
          %dma_wait3A_581 = arith.constant 0 : i32
          %dma_wait3A_582 = arith.constant 0 : i32
          %dma_wait3A_583 = arith.constant 0 : i32
          %dma_wait3A_584 = arith.constant 0 : i32
          %dma_wait3A_585 = tpu.memref_slice %arg6[%dma_wait3A_581, %dma_wait3A_583, %dma_wait3A_584] : memref<4x256x64xf32, #tpu.memory_space<vmem>> -> memref<1x256x64xf32, #tpu.memory_space<vmem>>
          %dma_wait3A_586 = tpu.memref_squeeze %dma_wait3A_585 : memref<1x256x64xf32, #tpu.memory_space<vmem>> -> memref<256x64xf32, #tpu.memory_space<vmem>>
          %dma_wait3A_587 = arith.constant 0 : i32
          %dma_wait3A_588 = arith.constant 0 : i32
          %dma_wait3A_589 = tpu.memref_slice %arg4[%dma_wait3A_587, %dma_wait3A_588] : memref<819200x64xf32, #tpu.memory_space<hbm>> -> memref<256x64xf32, #tpu.memory_space<hbm>>
          %dma_wait3A_590 = tpu.memref_slice %arg9[%dma_wait3A_582] : memref<4x!tpu.dma_semaphore, #tpu.memory_space<semaphore_mem>> -> memref<1x!tpu.dma_semaphore, #tpu.memory_space<semaphore_mem>>
          %dma_wait3A_591 = tpu.memref_squeeze %dma_wait3A_590 : memref<1x!tpu.dma_semaphore, #tpu.memory_space<semaphore_mem>> -> memref<!tpu.dma_semaphore, #tpu.memory_space<semaphore_mem>>
          %dma_wait3A_592 = arith.constant 0 : i32
          %dma_wait3A_593 = arith.constant 0 : i32
          %dma_wait3A_594 = tpu.memref_slice %arg4[%dma_wait3A_592, %dma_wait3A_593] : memref<819200x64xf32, #tpu.memory_space<hbm>> -> memref<256x64xf32, #tpu.memory_space<hbm>>
          %dma_wait3A_595 = arith.constant 0 : i32
          %dma_wait3A_596 = arith.constant 0 : i32
          %dma_wait3A_597 = tpu.memref_slice %arg6[%dma_wait3A_581, %dma_wait3A_595, %dma_wait3A_596] : memref<4x256x64xf32, #tpu.memory_space<vmem>> -> memref<1x256x64xf32, #tpu.memory_space<vmem>>
          %dma_wait3A_598 = tpu.memref_squeeze %dma_wait3A_597 : memref<1x256x64xf32, #tpu.memory_space<vmem>> -> memref<256x64xf32, #tpu.memory_space<vmem>>
          tpu.wait_dma2 semaphore(%dma_wait3A_591 : memref<!tpu.dma_semaphore, #tpu.memory_space<semaphore_mem>>) src(%dma_wait3A_598 : memref<256x64xf32, #tpu.memory_space<vmem>>) dst(%dma_wait3A_594 : memref<256x64xf32, #tpu.memory_space<hbm>>)
        } else {
        }
        %add3A_564 = arith.constant 2 : i32
        %add3A_565 = arith.addi %add3A_459, %add3A_564 : i32
        %mul3A_566 = arith.constant 256 : i32
        %mul3A_567 = arith.muli %add3A_565, %mul3A_566 : i32
        %add3A_568 = arith.addi %mul3A_2, %mul3A_567 : i32
        %dma_start3A_569 = arith.constant 0 : i32
        %dma_start3A_570 = arith.constant 0 : i32
        %dma_start3A_571 = arith.constant 0 : i32
        %dma_start3A_572 = tpu.memref_slice %arg5[%dma_start3A_569, %dma_start3A_571] : memref<4x256xi32, #tpu.memory_space<vmem>> -> memref<1x256xi32, #tpu.memory_space<vmem>>
        %dma_start3A_573 = tpu.memref_squeeze %dma_start3A_572 : memref<1x256xi32, #tpu.memory_space<vmem>> -> memref<256xi32, #tpu.memory_space<vmem>>
        %dma_start3A_574 = tpu.memref_slice %arg3[%add3A_568] : memref<819200xi32, #tpu.memory_space<hbm>> -> memref<256xi32, #tpu.memory_space<hbm>>
        %dma_start3A_575 = tpu.memref_slice %arg7[%dma_start3A_570] : memref<4x!tpu.dma_semaphore, #tpu.memory_space<semaphore_mem>> -> memref<1x!tpu.dma_semaphore, #tpu.memory_space<semaphore_mem>>
        %dma_start3A_576 = tpu.memref_squeeze %dma_start3A_575 : memref<1x!tpu.dma_semaphore, #tpu.memory_space<semaphore_mem>> -> memref<!tpu.dma_semaphore, #tpu.memory_space<semaphore_mem>>
        %dma_start3A_577 = arith.constant 0 : i32
        %dma_start3A_578 = tpu.memref_slice %arg5[%dma_start3A_569, %dma_start3A_577] : memref<4x256xi32, #tpu.memory_space<vmem>> -> memref<1x256xi32, #tpu.memory_space<vmem>>
        %dma_start3A_579 = tpu.memref_squeeze %dma_start3A_578 : memref<1x256xi32, #tpu.memory_space<vmem>> -> memref<256xi32, #tpu.memory_space<vmem>>
        %dma_start3A_580 = tpu.memref_slice %arg3[%add3A_568] : memref<819200xi32, #tpu.memory_space<hbm>> -> memref<256xi32, #tpu.memory_space<hbm>>
        tpu.enqueue_dma source(%dma_start3A_580 : memref<256xi32, #tpu.memory_space<hbm>>) target(%dma_start3A_579 : memref<256xi32, #tpu.memory_space<vmem>>) target_semaphore(%dma_start3A_576 : memref<!tpu.dma_semaphore, #tpu.memory_space<semaphore_mem>>)
      } else {
      }
      %add3A_467 = arith.constant 1 : i32
      %add3A_468 = arith.addi %add3A_459, %add3A_467 : i32
      %lt3A_469 = arith.constant 100 : i32
      %lt3A_470 = arith.cmpi slt, %add3A_468, %lt3A_469 : i32
      %convert_element_type3A_471 = arith.extui %lt3A_470 : i1 to i32
      %cond3A_472 = arith.constant 0 : i32
      %cond3A_473 = arith.cmpi ne, %convert_element_type3A_471, %cond3A_472 : i32
      scf.if %cond3A_473 {
        %add3A_558 = arith.constant 1 : i32
        %add3A_559 = arith.addi %add3A_459, %add3A_558 : i32
        %dma_wait3A_560 = arith.constant 3 : i32
        %dma_wait3A_561 = arith.constant 3 : i32
        %dma_wait3A_562 = arith.constant 0 : i32
        %dma_wait3A_563 = tpu.memref_slice %arg5[%dma_wait3A_560, %dma_wait3A_562] : memref<4x256xi32, #tpu.memory_space<vmem>> -> memref<1x256xi32, #tpu.memory_space<vmem>>
        %dma_wait3A_564 = tpu.memref_squeeze %dma_wait3A_563 : memref<1x256xi32, #tpu.memory_space<vmem>> -> memref<256xi32, #tpu.memory_space<vmem>>
        %dma_wait3A_565 = arith.constant 0 : i32
        %dma_wait3A_566 = tpu.memref_slice %arg3[%dma_wait3A_565] : memref<819200xi32, #tpu.memory_space<hbm>> -> memref<256xi32, #tpu.memory_space<hbm>>
        %dma_wait3A_567 = tpu.memref_slice %arg7[%dma_wait3A_561] : memref<4x!tpu.dma_semaphore, #tpu.memory_space<semaphore_mem>> -> memref<1x!tpu.dma_semaphore, #tpu.memory_space<semaphore_mem>>
        %dma_wait3A_568 = tpu.memref_squeeze %dma_wait3A_567 : memref<1x!tpu.dma_semaphore, #tpu.memory_space<semaphore_mem>> -> memref<!tpu.dma_semaphore, #tpu.memory_space<semaphore_mem>>
        %dma_wait3A_569 = arith.constant 0 : i32
        %dma_wait3A_570 = tpu.memref_slice %arg5[%dma_wait3A_560, %dma_wait3A_569] : memref<4x256xi32, #tpu.memory_space<vmem>> -> memref<1x256xi32, #tpu.memory_space<vmem>>
        %dma_wait3A_571 = tpu.memref_squeeze %dma_wait3A_570 : memref<1x256xi32, #tpu.memory_space<vmem>> -> memref<256xi32, #tpu.memory_space<vmem>>
        %dma_wait3A_572 = arith.constant 0 : i32
        %dma_wait3A_573 = tpu.memref_slice %arg3[%dma_wait3A_572] : memref<819200xi32, #tpu.memory_space<hbm>> -> memref<256xi32, #tpu.memory_space<hbm>>
        tpu.wait_dma2 semaphore(%dma_wait3A_568 : memref<!tpu.dma_semaphore, #tpu.memory_space<semaphore_mem>>) src(%dma_wait3A_573 : memref<256xi32, #tpu.memory_space<hbm>>) dst(%dma_wait3A_571 : memref<256xi32, #tpu.memory_space<vmem>>)
        %get3A_574 = arith.constant 3 : i32
        %get3A_575 = arith.index_cast %get3A_574 : i32 to index
        %get3A_576 = arith.constant 0 : index
        %get3A_577 = tpu.vector_load %arg5[%get3A_575, %get3A_576] {strides = array<i32>} : memref<4x256xi32, #tpu.memory_space<vmem>>, vector<1x16xi32>,
        %get3A_578 = vector.shape_cast %get3A_577 : vector<1x16xi32> to vector<16xi32>
        %add3A_579 = arith.constant 1 : i32
        %add3A_580 = vector.broadcast %add3A_579 : i32 to vector<16xi32>
        %add3A_581 = arith.addi %get3A_578, %add3A_580 : vector<16xi32>
        %swap3A_582 = arith.constant 3 : i32
        %swap3A_583 = arith.index_cast %swap3A_582 : i32 to index
        %swap3A_584 = arith.constant 0 : index
        %swap3A_585 = tpu.vector_load %arg5[%swap3A_583, %swap3A_584] {strides = array<i32>} : memref<4x256xi32, #tpu.memory_space<vmem>>, vector<1x16xi32>,
        %swap3A_586 = vector.shape_cast %swap3A_585 : vector<1x16xi32> to vector<16xi32>
        %swap3A_587 = vector.shape_cast %add3A_581 : vector<16xi32> to vector<1x16xi32>
        tpu.vector_store %arg5[%swap3A_583, %swap3A_584], %swap3A_587 {strides = array<i32>} : memref<4x256xi32, #tpu.memory_space<vmem>>, vector<1x16xi32>,
        %get3A_588 = arith.constant 3 : i32
        %get3A_589 = arith.index_cast %get3A_588 : i32 to index
        %get3A_590 = arith.constant 16 : index
        %get3A_591 = tpu.vector_load %arg5[%get3A_589, %get3A_590] {strides = array<i32>} : memref<4x256xi32, #tpu.memory_space<vmem>>, vector<1x16xi32>,
        %get3A_592 = vector.shape_cast %get3A_591 : vector<1x16xi32> to vector<16xi32>
        %add3A_593 = arith.constant 1 : i32
        %add3A_594 = vector.broadcast %add3A_593 : i32 to vector<16xi32>
        %add3A_595 = arith.addi %get3A_592, %add3A_594 : vector<16xi32>
        %swap3A_596 = arith.constant 3 : i32
        %swap3A_597 = arith.index_cast %swap3A_596 : i32 to index
        %swap3A_598 = arith.constant 16 : index
        %swap3A_599 = tpu.vector_load %arg5[%swap3A_597, %swap3A_598] {strides = array<i32>} : memref<4x256xi32, #tpu.memory_space<vmem>>, vector<1x16xi32>,
        %swap3A_600 = vector.shape_cast %swap3A_599 : vector<1x16xi32> to vector<16xi32>
        %swap3A_601 = vector.shape_cast %add3A_595 : vector<16xi32> to vector<1x16xi32>
        tpu.vector_store %arg5[%swap3A_597, %swap3A_598], %swap3A_601 {strides = array<i32>} : memref<4x256xi32, #tpu.memory_space<vmem>>, vector<1x16xi32>,
        %get3A_602 = arith.constant 3 : i32
        %get3A_603 = arith.index_cast %get3A_602 : i32 to index
        %get3A_604 = arith.constant 32 : index
        %get3A_605 = tpu.vector_load %arg5[%get3A_603, %get3A_604] {strides = array<i32>} : memref<4x256xi32, #tpu.memory_space<vmem>>, vector<1x16xi32>,
        %get3A_606 = vector.shape_cast %get3A_605 : vector<1x16xi32> to vector<16xi32>
        %add3A_607 = arith.constant 1 : i32
        %add3A_608 = vector.broadcast %add3A_607 : i32 to vector<16xi32>
        %add3A_609 = arith.addi %get3A_606, %add3A_608 : vector<16xi32>
        %swap3A_610 = arith.constant 3 : i32
        %swap3A_611 = arith.index_cast %swap3A_610 : i32 to index
        %swap3A_612 = arith.constant 32 : index
        %swap3A_613 = tpu.vector_load %arg5[%swap3A_611, %swap3A_612] {strides = array<i32>} : memref<4x256xi32, #tpu.memory_space<vmem>>, vector<1x16xi32>,
        %swap3A_614 = vector.shape_cast %swap3A_613 : vector<1x16xi32> to vector<16xi32>
        %swap3A_615 = vector.shape_cast %add3A_609 : vector<16xi32> to vector<1x16xi32>
        tpu.vector_store %arg5[%swap3A_611, %swap3A_612], %swap3A_615 {strides = array<i32>} : memref<4x256xi32, #tpu.memory_space<vmem>>, vector<1x16xi32>,
        %get3A_616 = arith.constant 3 : i32
        %get3A_617 = arith.index_cast %get3A_616 : i32 to index
        %get3A_618 = arith.constant 48 : index
        %get3A_619 = tpu.vector_load %arg5[%get3A_617, %get3A_618] {strides = array<i32>} : memref<4x256xi32, #tpu.memory_space<vmem>>, vector<1x16xi32>,
        %get3A_620 = vector.shape_cast %get3A_619 : vector<1x16xi32> to vector<16xi32>
        %add3A_621 = arith.constant 1 : i32
        %add3A_622 = vector.broadcast %add3A_621 : i32 to vector<16xi32>
        %add3A_623 = arith.addi %get3A_620, %add3A_622 : vector<16xi32>
        %swap3A_624 = arith.constant 3 : i32
        %swap3A_625 = arith.index_cast %swap3A_624 : i32 to index
        %swap3A_626 = arith.constant 48 : index
        %swap3A_627 = tpu.vector_load %arg5[%swap3A_625, %swap3A_626] {strides = array<i32>} : memref<4x256xi32, #tpu.memory_space<vmem>>, vector<1x16xi32>,
        %swap3A_628 = vector.shape_cast %swap3A_627 : vector<1x16xi32> to vector<16xi32>
        %swap3A_629 = vector.shape_cast %add3A_623 : vector<16xi32> to vector<1x16xi32>
        tpu.vector_store %arg5[%swap3A_625, %swap3A_626], %swap3A_629 {strides = array<i32>} : memref<4x256xi32, #tpu.memory_space<vmem>>, vector<1x16xi32>,
        %get3A_630 = arith.constant 3 : i32
        %get3A_631 = arith.index_cast %get3A_630 : i32 to index
        %get3A_632 = arith.constant 64 : index
        %get3A_633 = tpu.vector_load %arg5[%get3A_631, %get3A_632] {strides = array<i32>} : memref<4x256xi32, #tpu.memory_space<vmem>>, vector<1x16xi32>,
        %get3A_634 = vector.shape_cast %get3A_633 : vector<1x16xi32> to vector<16xi32>
        %add3A_635 = arith.constant 1 : i32
        %add3A_636 = vector.broadcast %add3A_635 : i32 to vector<16xi32>
        %add3A_637 = arith.addi %get3A_634, %add3A_636 : vector<16xi32>
        %swap3A_638 = arith.constant 3 : i32
        %swap3A_639 = arith.index_cast %swap3A_638 : i32 to index
        %swap3A_640 = arith.constant 64 : index
        %swap3A_641 = tpu.vector_load %arg5[%swap3A_639, %swap3A_640] {strides = array<i32>} : memref<4x256xi32, #tpu.memory_space<vmem>>, vector<1x16xi32>,
        %swap3A_642 = vector.shape_cast %swap3A_641 : vector<1x16xi32> to vector<16xi32>
        %swap3A_643 = vector.shape_cast %add3A_637 : vector<16xi32> to vector<1x16xi32>
        tpu.vector_store %arg5[%swap3A_639, %swap3A_640], %swap3A_643 {strides = array<i32>} : memref<4x256xi32, #tpu.memory_space<vmem>>, vector<1x16xi32>,
        %get3A_644 = arith.constant 3 : i32
        %get3A_645 = arith.index_cast %get3A_644 : i32 to index
        %get3A_646 = arith.constant 80 : index
        %get3A_647 = tpu.vector_load %arg5[%get3A_645, %get3A_646] {strides = array<i32>} : memref<4x256xi32, #tpu.memory_space<vmem>>, vector<1x16xi32>,
        %get3A_648 = vector.shape_cast %get3A_647 : vector<1x16xi32> to vector<16xi32>
        %add3A_649 = arith.constant 1 : i32
        %add3A_650 = vector.broadcast %add3A_649 : i32 to vector<16xi32>
        %add3A_651 = arith.addi %get3A_648, %add3A_650 : vector<16xi32>
        %swap3A_652 = arith.constant 3 : i32
        %swap3A_653 = arith.index_cast %swap3A_652 : i32 to index
        %swap3A_654 = arith.constant 80 : index
        %swap3A_655 = tpu.vector_load %arg5[%swap3A_653, %swap3A_654] {strides = array<i32>} : memref<4x256xi32, #tpu.memory_space<vmem>>, vector<1x16xi32>,
        %swap3A_656 = vector.shape_cast %swap3A_655 : vector<1x16xi32> to vector<16xi32>
        %swap3A_657 = vector.shape_cast %add3A_651 : vector<16xi32> to vector<1x16xi32>
        tpu.vector_store %arg5[%swap3A_653, %swap3A_654], %swap3A_657 {strides = array<i32>} : memref<4x256xi32, #tpu.memory_space<vmem>>, vector<1x16xi32>,
        %get3A_658 = arith.constant 3 : i32
        %get3A_659 = arith.index_cast %get3A_658 : i32 to index
        %get3A_660 = arith.constant 96 : index
        %get3A_661 = tpu.vector_load %arg5[%get3A_659, %get3A_660] {strides = array<i32>} : memref<4x256xi32, #tpu.memory_space<vmem>>, vector<1x16xi32>,
        %get3A_662 = vector.shape_cast %get3A_661 : vector<1x16xi32> to vector<16xi32>
        %add3A_663 = arith.constant 1 : i32
        %add3A_664 = vector.broadcast %add3A_663 : i32 to vector<16xi32>
        %add3A_665 = arith.addi %get3A_662, %add3A_664 : vector<16xi32>
        %swap3A_666 = arith.constant 3 : i32
        %swap3A_667 = arith.index_cast %swap3A_666 : i32 to index
        %swap3A_668 = arith.constant 96 : index
        %swap3A_669 = tpu.vector_load %arg5[%swap3A_667, %swap3A_668] {strides = array<i32>} : memref<4x256xi32, #tpu.memory_space<vmem>>, vector<1x16xi32>,
        %swap3A_670 = vector.shape_cast %swap3A_669 : vector<1x16xi32> to vector<16xi32>
        %swap3A_671 = vector.shape_cast %add3A_665 : vector<16xi32> to vector<1x16xi32>
        tpu.vector_store %arg5[%swap3A_667, %swap3A_668], %swap3A_671 {strides = array<i32>} : memref<4x256xi32, #tpu.memory_space<vmem>>, vector<1x16xi32>,
        %get3A_672 = arith.constant 3 : i32
        %get3A_673 = arith.index_cast %get3A_672 : i32 to index
        %get3A_674 = arith.constant 112 : index
        %get3A_675 = tpu.vector_load %arg5[%get3A_673, %get3A_674] {strides = array<i32>} : memref<4x256xi32, #tpu.memory_space<vmem>>, vector<1x16xi32>,
        %get3A_676 = vector.shape_cast %get3A_675 : vector<1x16xi32> to vector<16xi32>
        %add3A_677 = arith.constant 1 : i32
        %add3A_678 = vector.broadcast %add3A_677 : i32 to vector<16xi32>
        %add3A_679 = arith.addi %get3A_676, %add3A_678 : vector<16xi32>
        %swap3A_680 = arith.constant 3 : i32
        %swap3A_681 = arith.index_cast %swap3A_680 : i32 to index
        %swap3A_682 = arith.constant 112 : index
        %swap3A_683 = tpu.vector_load %arg5[%swap3A_681, %swap3A_682] {strides = array<i32>} : memref<4x256xi32, #tpu.memory_space<vmem>>, vector<1x16xi32>,
        %swap3A_684 = vector.shape_cast %swap3A_683 : vector<1x16xi32> to vector<16xi32>
        %swap3A_685 = vector.shape_cast %add3A_679 : vector<16xi32> to vector<1x16xi32>
        tpu.vector_store %arg5[%swap3A_681, %swap3A_682], %swap3A_685 {strides = array<i32>} : memref<4x256xi32, #tpu.memory_space<vmem>>, vector<1x16xi32>,
        %get3A_686 = arith.constant 3 : i32
        %get3A_687 = arith.index_cast %get3A_686 : i32 to index
        %get3A_688 = arith.constant 128 : index
        %get3A_689 = tpu.vector_load %arg5[%get3A_687, %get3A_688] {strides = array<i32>} : memref<4x256xi32, #tpu.memory_space<vmem>>, vector<1x16xi32>,
        %get3A_690 = vector.shape_cast %get3A_689 : vector<1x16xi32> to vector<16xi32>
        %add3A_691 = arith.constant 1 : i32
        %add3A_692 = vector.broadcast %add3A_691 : i32 to vector<16xi32>
        %add3A_693 = arith.addi %get3A_690, %add3A_692 : vector<16xi32>
        %swap3A_694 = arith.constant 3 : i32
        %swap3A_695 = arith.index_cast %swap3A_694 : i32 to index
        %swap3A_696 = arith.constant 128 : index
        %swap3A_697 = tpu.vector_load %arg5[%swap3A_695, %swap3A_696] {strides = array<i32>} : memref<4x256xi32, #tpu.memory_space<vmem>>, vector<1x16xi32>,
        %swap3A_698 = vector.shape_cast %swap3A_697 : vector<1x16xi32> to vector<16xi32>
        %swap3A_699 = vector.shape_cast %add3A_693 : vector<16xi32> to vector<1x16xi32>
        tpu.vector_store %arg5[%swap3A_695, %swap3A_696], %swap3A_699 {strides = array<i32>} : memref<4x256xi32, #tpu.memory_space<vmem>>, vector<1x16xi32>,
        %get3A_700 = arith.constant 3 : i32
        %get3A_701 = arith.index_cast %get3A_700 : i32 to index
        %get3A_702 = arith.constant 144 : index
        %get3A_703 = tpu.vector_load %arg5[%get3A_701, %get3A_702] {strides = array<i32>} : memref<4x256xi32, #tpu.memory_space<vmem>>, vector<1x16xi32>,
        %get3A_704 = vector.shape_cast %get3A_703 : vector<1x16xi32> to vector<16xi32>
        %add3A_705 = arith.constant 1 : i32
        %add3A_706 = vector.broadcast %add3A_705 : i32 to vector<16xi32>
        %add3A_707 = arith.addi %get3A_704, %add3A_706 : vector<16xi32>
        %swap3A_708 = arith.constant 3 : i32
        %swap3A_709 = arith.index_cast %swap3A_708 : i32 to index
        %swap3A_710 = arith.constant 144 : index
        %swap3A_711 = tpu.vector_load %arg5[%swap3A_709, %swap3A_710] {strides = array<i32>} : memref<4x256xi32, #tpu.memory_space<vmem>>, vector<1x16xi32>,
        %swap3A_712 = vector.shape_cast %swap3A_711 : vector<1x16xi32> to vector<16xi32>
        %swap3A_713 = vector.shape_cast %add3A_707 : vector<16xi32> to vector<1x16xi32>
        tpu.vector_store %arg5[%swap3A_709, %swap3A_710], %swap3A_713 {strides = array<i32>} : memref<4x256xi32, #tpu.memory_space<vmem>>, vector<1x16xi32>,
        %get3A_714 = arith.constant 3 : i32
        %get3A_715 = arith.index_cast %get3A_714 : i32 to index
        %get3A_716 = arith.constant 160 : index
        %get3A_717 = tpu.vector_load %arg5[%get3A_715, %get3A_716] {strides = array<i32>} : memref<4x256xi32, #tpu.memory_space<vmem>>, vector<1x16xi32>,
        %get3A_718 = vector.shape_cast %get3A_717 : vector<1x16xi32> to vector<16xi32>
        %add3A_719 = arith.constant 1 : i32
        %add3A_720 = vector.broadcast %add3A_719 : i32 to vector<16xi32>
        %add3A_721 = arith.addi %get3A_718, %add3A_720 : vector<16xi32>
        %swap3A_722 = arith.constant 3 : i32
        %swap3A_723 = arith.index_cast %swap3A_722 : i32 to index
        %swap3A_724 = arith.constant 160 : index
        %swap3A_725 = tpu.vector_load %arg5[%swap3A_723, %swap3A_724] {strides = array<i32>} : memref<4x256xi32, #tpu.memory_space<vmem>>, vector<1x16xi32>,
        %swap3A_726 = vector.shape_cast %swap3A_725 : vector<1x16xi32> to vector<16xi32>
        %swap3A_727 = vector.shape_cast %add3A_721 : vector<16xi32> to vector<1x16xi32>
        tpu.vector_store %arg5[%swap3A_723, %swap3A_724], %swap3A_727 {strides = array<i32>} : memref<4x256xi32, #tpu.memory_space<vmem>>, vector<1x16xi32>,
        %get3A_728 = arith.constant 3 : i32
        %get3A_729 = arith.index_cast %get3A_728 : i32 to index
        %get3A_730 = arith.constant 176 : index
        %get3A_731 = tpu.vector_load %arg5[%get3A_729, %get3A_730] {strides = array<i32>} : memref<4x256xi32, #tpu.memory_space<vmem>>, vector<1x16xi32>,
        %get3A_732 = vector.shape_cast %get3A_731 : vector<1x16xi32> to vector<16xi32>
        %add3A_733 = arith.constant 1 : i32
        %add3A_734 = vector.broadcast %add3A_733 : i32 to vector<16xi32>
        %add3A_735 = arith.addi %get3A_732, %add3A_734 : vector<16xi32>
        %swap3A_736 = arith.constant 3 : i32
        %swap3A_737 = arith.index_cast %swap3A_736 : i32 to index
        %swap3A_738 = arith.constant 176 : index
        %swap3A_739 = tpu.vector_load %arg5[%swap3A_737, %swap3A_738] {strides = array<i32>} : memref<4x256xi32, #tpu.memory_space<vmem>>, vector<1x16xi32>,
        %swap3A_740 = vector.shape_cast %swap3A_739 : vector<1x16xi32> to vector<16xi32>
        %swap3A_741 = vector.shape_cast %add3A_735 : vector<16xi32> to vector<1x16xi32>
        tpu.vector_store %arg5[%swap3A_737, %swap3A_738], %swap3A_741 {strides = array<i32>} : memref<4x256xi32, #tpu.memory_space<vmem>>, vector<1x16xi32>,
        %get3A_742 = arith.constant 3 : i32
        %get3A_743 = arith.index_cast %get3A_742 : i32 to index
        %get3A_744 = arith.constant 192 : index
        %get3A_745 = tpu.vector_load %arg5[%get3A_743, %get3A_744] {strides = array<i32>} : memref<4x256xi32, #tpu.memory_space<vmem>>, vector<1x16xi32>,
        %get3A_746 = vector.shape_cast %get3A_745 : vector<1x16xi32> to vector<16xi32>
        %add3A_747 = arith.constant 1 : i32
        %add3A_748 = vector.broadcast %add3A_747 : i32 to vector<16xi32>
        %add3A_749 = arith.addi %get3A_746, %add3A_748 : vector<16xi32>
        %swap3A_750 = arith.constant 3 : i32
        %swap3A_751 = arith.index_cast %swap3A_750 : i32 to index
        %swap3A_752 = arith.constant 192 : index
        %swap3A_753 = tpu.vector_load %arg5[%swap3A_751, %swap3A_752] {strides = array<i32>} : memref<4x256xi32, #tpu.memory_space<vmem>>, vector<1x16xi32>,
        %swap3A_754 = vector.shape_cast %swap3A_753 : vector<1x16xi32> to vector<16xi32>
        %swap3A_755 = vector.shape_cast %add3A_749 : vector<16xi32> to vector<1x16xi32>
        tpu.vector_store %arg5[%swap3A_751, %swap3A_752], %swap3A_755 {strides = array<i32>} : memref<4x256xi32, #tpu.memory_space<vmem>>, vector<1x16xi32>,
        %get3A_756 = arith.constant 3 : i32
        %get3A_757 = arith.index_cast %get3A_756 : i32 to index
        %get3A_758 = arith.constant 208 : index
        %get3A_759 = tpu.vector_load %arg5[%get3A_757, %get3A_758] {strides = array<i32>} : memref<4x256xi32, #tpu.memory_space<vmem>>, vector<1x16xi32>,
        %get3A_760 = vector.shape_cast %get3A_759 : vector<1x16xi32> to vector<16xi32>
        %add3A_761 = arith.constant 1 : i32
        %add3A_762 = vector.broadcast %add3A_761 : i32 to vector<16xi32>
        %add3A_763 = arith.addi %get3A_760, %add3A_762 : vector<16xi32>
        %swap3A_764 = arith.constant 3 : i32
        %swap3A_765 = arith.index_cast %swap3A_764 : i32 to index
        %swap3A_766 = arith.constant 208 : index
        %swap3A_767 = tpu.vector_load %arg5[%swap3A_765, %swap3A_766] {strides = array<i32>} : memref<4x256xi32, #tpu.memory_space<vmem>>, vector<1x16xi32>,
        %swap3A_768 = vector.shape_cast %swap3A_767 : vector<1x16xi32> to vector<16xi32>
        %swap3A_769 = vector.shape_cast %add3A_763 : vector<16xi32> to vector<1x16xi32>
        tpu.vector_store %arg5[%swap3A_765, %swap3A_766], %swap3A_769 {strides = array<i32>} : memref<4x256xi32, #tpu.memory_space<vmem>>, vector<1x16xi32>,
        %get3A_770 = arith.constant 3 : i32
        %get3A_771 = arith.index_cast %get3A_770 : i32 to index
        %get3A_772 = arith.constant 224 : index
        %get3A_773 = tpu.vector_load %arg5[%get3A_771, %get3A_772] {strides = array<i32>} : memref<4x256xi32, #tpu.memory_space<vmem>>, vector<1x16xi32>,
        %get3A_774 = vector.shape_cast %get3A_773 : vector<1x16xi32> to vector<16xi32>
        %add3A_775 = arith.constant 1 : i32
        %add3A_776 = vector.broadcast %add3A_775 : i32 to vector<16xi32>
        %add3A_777 = arith.addi %get3A_774, %add3A_776 : vector<16xi32>
        %swap3A_778 = arith.constant 3 : i32
        %swap3A_779 = arith.index_cast %swap3A_778 : i32 to index
        %swap3A_780 = arith.constant 224 : index
        %swap3A_781 = tpu.vector_load %arg5[%swap3A_779, %swap3A_780] {strides = array<i32>} : memref<4x256xi32, #tpu.memory_space<vmem>>, vector<1x16xi32>,
        %swap3A_782 = vector.shape_cast %swap3A_781 : vector<1x16xi32> to vector<16xi32>
        %swap3A_783 = vector.shape_cast %add3A_777 : vector<16xi32> to vector<1x16xi32>
        tpu.vector_store %arg5[%swap3A_779, %swap3A_780], %swap3A_783 {strides = array<i32>} : memref<4x256xi32, #tpu.memory_space<vmem>>, vector<1x16xi32>,
        %get3A_784 = arith.constant 3 : i32
        %get3A_785 = arith.index_cast %get3A_784 : i32 to index
        %get3A_786 = arith.constant 240 : index
        %get3A_787 = tpu.vector_load %arg5[%get3A_785, %get3A_786] {strides = array<i32>} : memref<4x256xi32, #tpu.memory_space<vmem>>, vector<1x16xi32>,
        %get3A_788 = vector.shape_cast %get3A_787 : vector<1x16xi32> to vector<16xi32>
        %add3A_789 = arith.constant 1 : i32
        %add3A_790 = vector.broadcast %add3A_789 : i32 to vector<16xi32>
        %add3A_791 = arith.addi %get3A_788, %add3A_790 : vector<16xi32>
        %swap3A_792 = arith.constant 3 : i32
        %swap3A_793 = arith.index_cast %swap3A_792 : i32 to index
        %swap3A_794 = arith.constant 240 : index
        %swap3A_795 = tpu.vector_load %arg5[%swap3A_793, %swap3A_794] {strides = array<i32>} : memref<4x256xi32, #tpu.memory_space<vmem>>, vector<1x16xi32>,
        %swap3A_796 = vector.shape_cast %swap3A_795 : vector<1x16xi32> to vector<16xi32>
        %swap3A_797 = vector.shape_cast %add3A_791 : vector<16xi32> to vector<1x16xi32>
        tpu.vector_store %arg5[%swap3A_793, %swap3A_794], %swap3A_797 {strides = array<i32>} : memref<4x256xi32, #tpu.memory_space<vmem>>, vector<1x16xi32>,
        %dma_start3A_798 = arith.constant 3 : i32
        %dma_start3A_799 = arith.constant 3 : i32
        %dma_start3A_800 = arith.constant 3 : i32
        %dma_start3A_801 = arith.constant 0 : i32
        %dma_start3A_802 = arith.constant 0 : i32
        %dma_start3A_803 = tpu.memref_slice %arg6[%dma_start3A_799, %dma_start3A_801, %dma_start3A_802] : memref<4x256x64xf32, #tpu.memory_space<vmem>> -> memref<1x256x64xf32, #tpu.memory_space<vmem>>
        %dma_start3A_804 = tpu.memref_squeeze %dma_start3A_803 : memref<1x256x64xf32, #tpu.memory_space<vmem>> -> memref<256x64xf32, #tpu.memory_space<vmem>>
        %dma_start3A_805 = arith.constant 0 : i32
        %dma_start3A_806 = tpu.memref_slice %arg5[%dma_start3A_798, %dma_start3A_805] : memref<4x256xi32, #tpu.memory_space<vmem>> -> memref<1x256xi32, #tpu.memory_space<vmem>>
        %dma_start3A_807 = tpu.memref_squeeze %dma_start3A_806 : memref<1x256xi32, #tpu.memory_space<vmem>> -> memref<256xi32, #tpu.memory_space<vmem>>
        %dma_start3A_808 = arith.constant 0 : i32
        %dma_start3A_809 = arith.constant 0 : i32
        %dma_start3A_810 = tpu.memref_slice %arg2[%dma_start3A_808, %dma_start3A_809] : memref<1000000x64xf32, #tpu.memory_space<hbm>> -> memref<1000000x64xf32, #tpu.memory_space<hbm>>
        %dma_start3A_811 = tpu.memref_slice %arg8[%dma_start3A_800] : memref<4x!tpu.dma_semaphore, #tpu.memory_space<semaphore_mem>> -> memref<1x!tpu.dma_semaphore, #tpu.memory_space<semaphore_mem>>
        %dma_start3A_812 = tpu.memref_squeeze %dma_start3A_811 : memref<1x!tpu.dma_semaphore, #tpu.memory_space<semaphore_mem>> -> memref<!tpu.dma_semaphore, #tpu.memory_space<semaphore_mem>>
        tpu.enqueue_indirect_dma source(%dma_start3A_810 : memref<1000000x64xf32, #tpu.memory_space<hbm>>) target(%dma_start3A_804 : memref<256x64xf32, #tpu.memory_space<vmem>>) offsets(%dma_start3A_807 : memref<256xi32, #tpu.memory_space<vmem>>) semaphore(%dma_start3A_812 : memref<!tpu.dma_semaphore, #tpu.memory_space<semaphore_mem>>)
      } else {
      }
      %mul3A_474 = arith.constant 256 : i32
      %mul3A_475 = arith.muli %add3A_459, %mul3A_474 : i32
      %add3A_476 = arith.addi %mul3A_2, %mul3A_475 : i32
      %dma_wait3A_477 = arith.constant 2 : i32
      %dma_wait3A_478 = arith.constant 2 : i32
      %dma_wait3A_479 = arith.constant 2 : i32
      %dma_wait3A_480 = arith.constant 0 : i32
      %dma_wait3A_481 = arith.constant 0 : i32
      %dma_wait3A_482 = tpu.memref_slice %arg6[%dma_wait3A_478, %dma_wait3A_480, %dma_wait3A_481] : memref<4x256x64xf32, #tpu.memory_space<vmem>> -> memref<1x256x64xf32, #tpu.memory_space<vmem>>
      %dma_wait3A_483 = tpu.memref_squeeze %dma_wait3A_482 : memref<1x256x64xf32, #tpu.memory_space<vmem>> -> memref<256x64xf32, #tpu.memory_space<vmem>>
      %dma_wait3A_484 = arith.constant 0 : i32
      %dma_wait3A_485 = tpu.memref_slice %arg5[%dma_wait3A_477, %dma_wait3A_484] : memref<4x256xi32, #tpu.memory_space<vmem>> -> memref<1x256xi32, #tpu.memory_space<vmem>>
      %dma_wait3A_486 = tpu.memref_squeeze %dma_wait3A_485 : memref<1x256xi32, #tpu.memory_space<vmem>> -> memref<256xi32, #tpu.memory_space<vmem>>
      %dma_wait3A_487 = arith.constant 0 : i32
      %dma_wait3A_488 = arith.constant 0 : i32
      %dma_wait3A_489 = tpu.memref_slice %arg2[%dma_wait3A_487, %dma_wait3A_488] : memref<1000000x64xf32, #tpu.memory_space<hbm>> -> memref<1000000x64xf32, #tpu.memory_space<hbm>>
      %dma_wait3A_490 = tpu.memref_slice %arg8[%dma_wait3A_479] : memref<4x!tpu.dma_semaphore, #tpu.memory_space<semaphore_mem>> -> memref<1x!tpu.dma_semaphore, #tpu.memory_space<semaphore_mem>>
      %dma_wait3A_491 = tpu.memref_squeeze %dma_wait3A_490 : memref<1x!tpu.dma_semaphore, #tpu.memory_space<semaphore_mem>> -> memref<!tpu.dma_semaphore, #tpu.memory_space<semaphore_mem>>
      tpu.wait_indirect_dma semaphore(%dma_wait3A_491 : memref<!tpu.dma_semaphore, #tpu.memory_space<semaphore_mem>>) src(%dma_wait3A_489 : memref<1000000x64xf32, #tpu.memory_space<hbm>>) dst(%dma_wait3A_483 : memref<256x64xf32, #tpu.memory_space<vmem>>)
      %dma_start3A_492 = arith.constant 2 : i32
      %dma_start3A_493 = arith.constant 2 : i32
      %dma_start3A_494 = arith.constant 0 : i32
      %dma_start3A_495 = arith.constant 0 : i32
      %dma_start3A_496 = tpu.memref_slice %arg6[%dma_start3A_492, %dma_start3A_494, %dma_start3A_495] : memref<4x256x64xf32, #tpu.memory_space<vmem>> -> memref<1x256x64xf32, #tpu.memory_space<vmem>>
      %dma_start3A_497 = tpu.memref_squeeze %dma_start3A_496 : memref<1x256x64xf32, #tpu.memory_space<vmem>> -> memref<256x64xf32, #tpu.memory_space<vmem>>
      %dma_start3A_498 = arith.constant 0 : i32
      %dma_start3A_499 = tpu.memref_slice %arg4[%add3A_476, %dma_start3A_498] : memref<819200x64xf32, #tpu.memory_space<hbm>> -> memref<256x64xf32, #tpu.memory_space<hbm>>
      %dma_start3A_500 = tpu.memref_slice %arg9[%dma_start3A_493] : memref<4x!tpu.dma_semaphore, #tpu.memory_space<semaphore_mem>> -> memref<1x!tpu.dma_semaphore, #tpu.memory_space<semaphore_mem>>
      %dma_start3A_501 = tpu.memref_squeeze %dma_start3A_500 : memref<1x!tpu.dma_semaphore, #tpu.memory_space<semaphore_mem>> -> memref<!tpu.dma_semaphore, #tpu.memory_space<semaphore_mem>>
      %dma_start3A_502 = arith.constant 0 : i32
      %dma_start3A_503 = tpu.memref_slice %arg4[%add3A_476, %dma_start3A_502] : memref<819200x64xf32, #tpu.memory_space<hbm>> -> memref<256x64xf32, #tpu.memory_space<hbm>>
      %dma_start3A_504 = arith.constant 0 : i32
      %dma_start3A_505 = arith.constant 0 : i32
      %dma_start3A_506 = tpu.memref_slice %arg6[%dma_start3A_492, %dma_start3A_504, %dma_start3A_505] : memref<4x256x64xf32, #tpu.memory_space<vmem>> -> memref<1x256x64xf32, #tpu.memory_space<vmem>>
      %dma_start3A_507 = tpu.memref_squeeze %dma_start3A_506 : memref<1x256x64xf32, #tpu.memory_space<vmem>> -> memref<256x64xf32, #tpu.memory_space<vmem>>
      tpu.enqueue_dma source(%dma_start3A_507 : memref<256x64xf32, #tpu.memory_space<vmem>>) target(%dma_start3A_503 : memref<256x64xf32, #tpu.memory_space<hbm>>) target_semaphore(%dma_start3A_501 : memref<!tpu.dma_semaphore, #tpu.memory_space<semaphore_mem>>)
      %add3A_508 = arith.constant 3 : i32
      %add3A_509 = arith.addi %add3A_360, %add3A_508 : i32
      %add3A_510 = arith.constant 2 : i32
      %add3A_511 = arith.addi %add3A_509, %add3A_510 : i32
      %lt3A_512 = arith.constant 100 : i32
      %lt3A_513 = arith.cmpi slt, %add3A_511, %lt3A_512 : i32
      %convert_element_type3A_514 = arith.extui %lt3A_513 : i1 to i32
      %cond3A_515 = arith.constant 0 : i32
      %cond3A_516 = arith.cmpi ne, %convert_element_type3A_514, %cond3A_515 : i32
      scf.if %cond3A_516 {
        %add3A_558 = arith.constant 2 : i32
        %add3A_559 = arith.addi %add3A_509, %add3A_558 : i32
        %ge3A = arith.constant 4 : i32
        %ge3A_560 = arith.cmpi sge, %add3A_559, %ge3A : i32
        %convert_element_type3A_561 = arith.extui %ge3A_560 : i1 to i32
        %cond3A_562 = arith.constant 0 : i32
        %cond3A_563 = arith.cmpi ne, %convert_element_type3A_561, %cond3A_562 : i32
        scf.if %cond3A_563 {
          %dma_wait3A_581 = arith.constant 1 : i32
          %dma_wait3A_582 = arith.constant 1 : i32
          %dma_wait3A_583 = arith.constant 0 : i32
          %dma_wait3A_584 = arith.constant 0 : i32
          %dma_wait3A_585 = tpu.memref_slice %arg6[%dma_wait3A_581, %dma_wait3A_583, %dma_wait3A_584] : memref<4x256x64xf32, #tpu.memory_space<vmem>> -> memref<1x256x64xf32, #tpu.memory_space<vmem>>
          %dma_wait3A_586 = tpu.memref_squeeze %dma_wait3A_585 : memref<1x256x64xf32, #tpu.memory_space<vmem>> -> memref<256x64xf32, #tpu.memory_space<vmem>>
          %dma_wait3A_587 = arith.constant 0 : i32
          %dma_wait3A_588 = arith.constant 0 : i32
          %dma_wait3A_589 = tpu.memref_slice %arg4[%dma_wait3A_587, %dma_wait3A_588] : memref<819200x64xf32, #tpu.memory_space<hbm>> -> memref<256x64xf32, #tpu.memory_space<hbm>>
          %dma_wait3A_590 = tpu.memref_slice %arg9[%dma_wait3A_582] : memref<4x!tpu.dma_semaphore, #tpu.memory_space<semaphore_mem>> -> memref<1x!tpu.dma_semaphore, #tpu.memory_space<semaphore_mem>>
          %dma_wait3A_591 = tpu.memref_squeeze %dma_wait3A_590 : memref<1x!tpu.dma_semaphore, #tpu.memory_space<semaphore_mem>> -> memref<!tpu.dma_semaphore, #tpu.memory_space<semaphore_mem>>
          %dma_wait3A_592 = arith.constant 0 : i32
          %dma_wait3A_593 = arith.constant 0 : i32
          %dma_wait3A_594 = tpu.memref_slice %arg4[%dma_wait3A_592, %dma_wait3A_593] : memref<819200x64xf32, #tpu.memory_space<hbm>> -> memref<256x64xf32, #tpu.memory_space<hbm>>
          %dma_wait3A_595 = arith.constant 0 : i32
          %dma_wait3A_596 = arith.constant 0 : i32
          %dma_wait3A_597 = tpu.memref_slice %arg6[%dma_wait3A_581, %dma_wait3A_595, %dma_wait3A_596] : memref<4x256x64xf32, #tpu.memory_space<vmem>> -> memref<1x256x64xf32, #tpu.memory_space<vmem>>
          %dma_wait3A_598 = tpu.memref_squeeze %dma_wait3A_597 : memref<1x256x64xf32, #tpu.memory_space<vmem>> -> memref<256x64xf32, #tpu.memory_space<vmem>>
          tpu.wait_dma2 semaphore(%dma_wait3A_591 : memref<!tpu.dma_semaphore, #tpu.memory_space<semaphore_mem>>) src(%dma_wait3A_598 : memref<256x64xf32, #tpu.memory_space<vmem>>) dst(%dma_wait3A_594 : memref<256x64xf32, #tpu.memory_space<hbm>>)
        } else {
        }
        %add3A_564 = arith.constant 2 : i32
        %add3A_565 = arith.addi %add3A_509, %add3A_564 : i32
        %mul3A_566 = arith.constant 256 : i32
        %mul3A_567 = arith.muli %add3A_565, %mul3A_566 : i32
        %add3A_568 = arith.addi %mul3A_2, %mul3A_567 : i32
        %dma_start3A_569 = arith.constant 1 : i32
        %dma_start3A_570 = arith.constant 1 : i32
        %dma_start3A_571 = arith.constant 0 : i32
        %dma_start3A_572 = tpu.memref_slice %arg5[%dma_start3A_569, %dma_start3A_571] : memref<4x256xi32, #tpu.memory_space<vmem>> -> memref<1x256xi32, #tpu.memory_space<vmem>>
        %dma_start3A_573 = tpu.memref_squeeze %dma_start3A_572 : memref<1x256xi32, #tpu.memory_space<vmem>> -> memref<256xi32, #tpu.memory_space<vmem>>
        %dma_start3A_574 = tpu.memref_slice %arg3[%add3A_568] : memref<819200xi32, #tpu.memory_space<hbm>> -> memref<256xi32, #tpu.memory_space<hbm>>
        %dma_start3A_575 = tpu.memref_slice %arg7[%dma_start3A_570] : memref<4x!tpu.dma_semaphore, #tpu.memory_space<semaphore_mem>> -> memref<1x!tpu.dma_semaphore, #tpu.memory_space<semaphore_mem>>
        %dma_start3A_576 = tpu.memref_squeeze %dma_start3A_575 : memref<1x!tpu.dma_semaphore, #tpu.memory_space<semaphore_mem>> -> memref<!tpu.dma_semaphore, #tpu.memory_space<semaphore_mem>>
        %dma_start3A_577 = arith.constant 0 : i32
        %dma_start3A_578 = tpu.memref_slice %arg5[%dma_start3A_569, %dma_start3A_577] : memref<4x256xi32, #tpu.memory_space<vmem>> -> memref<1x256xi32, #tpu.memory_space<vmem>>
        %dma_start3A_579 = tpu.memref_squeeze %dma_start3A_578 : memref<1x256xi32, #tpu.memory_space<vmem>> -> memref<256xi32, #tpu.memory_space<vmem>>
        %dma_start3A_580 = tpu.memref_slice %arg3[%add3A_568] : memref<819200xi32, #tpu.memory_space<hbm>> -> memref<256xi32, #tpu.memory_space<hbm>>
        tpu.enqueue_dma source(%dma_start3A_580 : memref<256xi32, #tpu.memory_space<hbm>>) target(%dma_start3A_579 : memref<256xi32, #tpu.memory_space<vmem>>) target_semaphore(%dma_start3A_576 : memref<!tpu.dma_semaphore, #tpu.memory_space<semaphore_mem>>)
      } else {
      }
      %add3A_517 = arith.constant 1 : i32
      %add3A_518 = arith.addi %add3A_509, %add3A_517 : i32
      %lt3A_519 = arith.constant 100 : i32
      %lt3A_520 = arith.cmpi slt, %add3A_518, %lt3A_519 : i32
      %convert_element_type3A_521 = arith.extui %lt3A_520 : i1 to i32
      %cond3A_522 = arith.constant 0 : i32
      %cond3A_523 = arith.cmpi ne, %convert_element_type3A_521, %cond3A_522 : i32
      scf.if %cond3A_523 {
        %add3A_558 = arith.constant 1 : i32
        %add3A_559 = arith.addi %add3A_509, %add3A_558 : i32
        %dma_wait3A_560 = arith.constant 0 : i32
        %dma_wait3A_561 = arith.constant 0 : i32
        %dma_wait3A_562 = arith.constant 0 : i32
        %dma_wait3A_563 = tpu.memref_slice %arg5[%dma_wait3A_560, %dma_wait3A_562] : memref<4x256xi32, #tpu.memory_space<vmem>> -> memref<1x256xi32, #tpu.memory_space<vmem>>
        %dma_wait3A_564 = tpu.memref_squeeze %dma_wait3A_563 : memref<1x256xi32, #tpu.memory_space<vmem>> -> memref<256xi32, #tpu.memory_space<vmem>>
        %dma_wait3A_565 = arith.constant 0 : i32
        %dma_wait3A_566 = tpu.memref_slice %arg3[%dma_wait3A_565] : memref<819200xi32, #tpu.memory_space<hbm>> -> memref<256xi32, #tpu.memory_space<hbm>>
        %dma_wait3A_567 = tpu.memref_slice %arg7[%dma_wait3A_561] : memref<4x!tpu.dma_semaphore, #tpu.memory_space<semaphore_mem>> -> memref<1x!tpu.dma_semaphore, #tpu.memory_space<semaphore_mem>>
        %dma_wait3A_568 = tpu.memref_squeeze %dma_wait3A_567 : memref<1x!tpu.dma_semaphore, #tpu.memory_space<semaphore_mem>> -> memref<!tpu.dma_semaphore, #tpu.memory_space<semaphore_mem>>
        %dma_wait3A_569 = arith.constant 0 : i32
        %dma_wait3A_570 = tpu.memref_slice %arg5[%dma_wait3A_560, %dma_wait3A_569] : memref<4x256xi32, #tpu.memory_space<vmem>> -> memref<1x256xi32, #tpu.memory_space<vmem>>
        %dma_wait3A_571 = tpu.memref_squeeze %dma_wait3A_570 : memref<1x256xi32, #tpu.memory_space<vmem>> -> memref<256xi32, #tpu.memory_space<vmem>>
        %dma_wait3A_572 = arith.constant 0 : i32
        %dma_wait3A_573 = tpu.memref_slice %arg3[%dma_wait3A_572] : memref<819200xi32, #tpu.memory_space<hbm>> -> memref<256xi32, #tpu.memory_space<hbm>>
        tpu.wait_dma2 semaphore(%dma_wait3A_568 : memref<!tpu.dma_semaphore, #tpu.memory_space<semaphore_mem>>) src(%dma_wait3A_573 : memref<256xi32, #tpu.memory_space<hbm>>) dst(%dma_wait3A_571 : memref<256xi32, #tpu.memory_space<vmem>>)
        %get3A_574 = arith.constant 0 : i32
        %get3A_575 = arith.index_cast %get3A_574 : i32 to index
        %get3A_576 = arith.constant 0 : index
        %get3A_577 = tpu.vector_load %arg5[%get3A_575, %get3A_576] {strides = array<i32>} : memref<4x256xi32, #tpu.memory_space<vmem>>, vector<1x16xi32>,
        %get3A_578 = vector.shape_cast %get3A_577 : vector<1x16xi32> to vector<16xi32>
        %add3A_579 = arith.constant 1 : i32
        %add3A_580 = vector.broadcast %add3A_579 : i32 to vector<16xi32>
        %add3A_581 = arith.addi %get3A_578, %add3A_580 : vector<16xi32>
        %swap3A_582 = arith.constant 0 : i32
        %swap3A_583 = arith.index_cast %swap3A_582 : i32 to index
        %swap3A_584 = arith.constant 0 : index
        %swap3A_585 = tpu.vector_load %arg5[%swap3A_583, %swap3A_584] {strides = array<i32>} : memref<4x256xi32, #tpu.memory_space<vmem>>, vector<1x16xi32>,
        %swap3A_586 = vector.shape_cast %swap3A_585 : vector<1x16xi32> to vector<16xi32>
        %swap3A_587 = vector.shape_cast %add3A_581 : vector<16xi32> to vector<1x16xi32>
        tpu.vector_store %arg5[%swap3A_583, %swap3A_584], %swap3A_587 {strides = array<i32>} : memref<4x256xi32, #tpu.memory_space<vmem>>, vector<1x16xi32>,
        %get3A_588 = arith.constant 0 : i32
        %get3A_589 = arith.index_cast %get3A_588 : i32 to index
        %get3A_590 = arith.constant 16 : index
        %get3A_591 = tpu.vector_load %arg5[%get3A_589, %get3A_590] {strides = array<i32>} : memref<4x256xi32, #tpu.memory_space<vmem>>, vector<1x16xi32>,
        %get3A_592 = vector.shape_cast %get3A_591 : vector<1x16xi32> to vector<16xi32>
        %add3A_593 = arith.constant 1 : i32
        %add3A_594 = vector.broadcast %add3A_593 : i32 to vector<16xi32>
        %add3A_595 = arith.addi %get3A_592, %add3A_594 : vector<16xi32>
        %swap3A_596 = arith.constant 0 : i32
        %swap3A_597 = arith.index_cast %swap3A_596 : i32 to index
        %swap3A_598 = arith.constant 16 : index
        %swap3A_599 = tpu.vector_load %arg5[%swap3A_597, %swap3A_598] {strides = array<i32>} : memref<4x256xi32, #tpu.memory_space<vmem>>, vector<1x16xi32>,
        %swap3A_600 = vector.shape_cast %swap3A_599 : vector<1x16xi32> to vector<16xi32>
        %swap3A_601 = vector.shape_cast %add3A_595 : vector<16xi32> to vector<1x16xi32>
        tpu.vector_store %arg5[%swap3A_597, %swap3A_598], %swap3A_601 {strides = array<i32>} : memref<4x256xi32, #tpu.memory_space<vmem>>, vector<1x16xi32>,
        %get3A_602 = arith.constant 0 : i32
        %get3A_603 = arith.index_cast %get3A_602 : i32 to index
        %get3A_604 = arith.constant 32 : index
        %get3A_605 = tpu.vector_load %arg5[%get3A_603, %get3A_604] {strides = array<i32>} : memref<4x256xi32, #tpu.memory_space<vmem>>, vector<1x16xi32>,
        %get3A_606 = vector.shape_cast %get3A_605 : vector<1x16xi32> to vector<16xi32>
        %add3A_607 = arith.constant 1 : i32
        %add3A_608 = vector.broadcast %add3A_607 : i32 to vector<16xi32>
        %add3A_609 = arith.addi %get3A_606, %add3A_608 : vector<16xi32>
        %swap3A_610 = arith.constant 0 : i32
        %swap3A_611 = arith.index_cast %swap3A_610 : i32 to index
        %swap3A_612 = arith.constant 32 : index
        %swap3A_613 = tpu.vector_load %arg5[%swap3A_611, %swap3A_612] {strides = array<i32>} : memref<4x256xi32, #tpu.memory_space<vmem>>, vector<1x16xi32>,
        %swap3A_614 = vector.shape_cast %swap3A_613 : vector<1x16xi32> to vector<16xi32>
        %swap3A_615 = vector.shape_cast %add3A_609 : vector<16xi32> to vector<1x16xi32>
        tpu.vector_store %arg5[%swap3A_611, %swap3A_612], %swap3A_615 {strides = array<i32>} : memref<4x256xi32, #tpu.memory_space<vmem>>, vector<1x16xi32>,
        %get3A_616 = arith.constant 0 : i32
        %get3A_617 = arith.index_cast %get3A_616 : i32 to index
        %get3A_618 = arith.constant 48 : index
        %get3A_619 = tpu.vector_load %arg5[%get3A_617, %get3A_618] {strides = array<i32>} : memref<4x256xi32, #tpu.memory_space<vmem>>, vector<1x16xi32>,
        %get3A_620 = vector.shape_cast %get3A_619 : vector<1x16xi32> to vector<16xi32>
        %add3A_621 = arith.constant 1 : i32
        %add3A_622 = vector.broadcast %add3A_621 : i32 to vector<16xi32>
        %add3A_623 = arith.addi %get3A_620, %add3A_622 : vector<16xi32>
        %swap3A_624 = arith.constant 0 : i32
        %swap3A_625 = arith.index_cast %swap3A_624 : i32 to index
        %swap3A_626 = arith.constant 48 : index
        %swap3A_627 = tpu.vector_load %arg5[%swap3A_625, %swap3A_626] {strides = array<i32>} : memref<4x256xi32, #tpu.memory_space<vmem>>, vector<1x16xi32>,
        %swap3A_628 = vector.shape_cast %swap3A_627 : vector<1x16xi32> to vector<16xi32>
        %swap3A_629 = vector.shape_cast %add3A_623 : vector<16xi32> to vector<1x16xi32>
        tpu.vector_store %arg5[%swap3A_625, %swap3A_626], %swap3A_629 {strides = array<i32>} : memref<4x256xi32, #tpu.memory_space<vmem>>, vector<1x16xi32>,
        %get3A_630 = arith.constant 0 : i32
        %get3A_631 = arith.index_cast %get3A_630 : i32 to index
        %get3A_632 = arith.constant 64 : index
        %get3A_633 = tpu.vector_load %arg5[%get3A_631, %get3A_632] {strides = array<i32>} : memref<4x256xi32, #tpu.memory_space<vmem>>, vector<1x16xi32>,
        %get3A_634 = vector.shape_cast %get3A_633 : vector<1x16xi32> to vector<16xi32>
        %add3A_635 = arith.constant 1 : i32
        %add3A_636 = vector.broadcast %add3A_635 : i32 to vector<16xi32>
        %add3A_637 = arith.addi %get3A_634, %add3A_636 : vector<16xi32>
        %swap3A_638 = arith.constant 0 : i32
        %swap3A_639 = arith.index_cast %swap3A_638 : i32 to index
        %swap3A_640 = arith.constant 64 : index
        %swap3A_641 = tpu.vector_load %arg5[%swap3A_639, %swap3A_640] {strides = array<i32>} : memref<4x256xi32, #tpu.memory_space<vmem>>, vector<1x16xi32>,
        %swap3A_642 = vector.shape_cast %swap3A_641 : vector<1x16xi32> to vector<16xi32>
        %swap3A_643 = vector.shape_cast %add3A_637 : vector<16xi32> to vector<1x16xi32>
        tpu.vector_store %arg5[%swap3A_639, %swap3A_640], %swap3A_643 {strides = array<i32>} : memref<4x256xi32, #tpu.memory_space<vmem>>, vector<1x16xi32>,
        %get3A_644 = arith.constant 0 : i32
        %get3A_645 = arith.index_cast %get3A_644 : i32 to index
        %get3A_646 = arith.constant 80 : index
        %get3A_647 = tpu.vector_load %arg5[%get3A_645, %get3A_646] {strides = array<i32>} : memref<4x256xi32, #tpu.memory_space<vmem>>, vector<1x16xi32>,
        %get3A_648 = vector.shape_cast %get3A_647 : vector<1x16xi32> to vector<16xi32>
        %add3A_649 = arith.constant 1 : i32
        %add3A_650 = vector.broadcast %add3A_649 : i32 to vector<16xi32>
        %add3A_651 = arith.addi %get3A_648, %add3A_650 : vector<16xi32>
        %swap3A_652 = arith.constant 0 : i32
        %swap3A_653 = arith.index_cast %swap3A_652 : i32 to index
        %swap3A_654 = arith.constant 80 : index
        %swap3A_655 = tpu.vector_load %arg5[%swap3A_653, %swap3A_654] {strides = array<i32>} : memref<4x256xi32, #tpu.memory_space<vmem>>, vector<1x16xi32>,
        %swap3A_656 = vector.shape_cast %swap3A_655 : vector<1x16xi32> to vector<16xi32>
        %swap3A_657 = vector.shape_cast %add3A_651 : vector<16xi32> to vector<1x16xi32>
        tpu.vector_store %arg5[%swap3A_653, %swap3A_654], %swap3A_657 {strides = array<i32>} : memref<4x256xi32, #tpu.memory_space<vmem>>, vector<1x16xi32>,
        %get3A_658 = arith.constant 0 : i32
        %get3A_659 = arith.index_cast %get3A_658 : i32 to index
        %get3A_660 = arith.constant 96 : index
        %get3A_661 = tpu.vector_load %arg5[%get3A_659, %get3A_660] {strides = array<i32>} : memref<4x256xi32, #tpu.memory_space<vmem>>, vector<1x16xi32>,
        %get3A_662 = vector.shape_cast %get3A_661 : vector<1x16xi32> to vector<16xi32>
        %add3A_663 = arith.constant 1 : i32
        %add3A_664 = vector.broadcast %add3A_663 : i32 to vector<16xi32>
        %add3A_665 = arith.addi %get3A_662, %add3A_664 : vector<16xi32>
        %swap3A_666 = arith.constant 0 : i32
        %swap3A_667 = arith.index_cast %swap3A_666 : i32 to index
        %swap3A_668 = arith.constant 96 : index
        %swap3A_669 = tpu.vector_load %arg5[%swap3A_667, %swap3A_668] {strides = array<i32>} : memref<4x256xi32, #tpu.memory_space<vmem>>, vector<1x16xi32>,
        %swap3A_670 = vector.shape_cast %swap3A_669 : vector<1x16xi32> to vector<16xi32>
        %swap3A_671 = vector.shape_cast %add3A_665 : vector<16xi32> to vector<1x16xi32>
        tpu.vector_store %arg5[%swap3A_667, %swap3A_668], %swap3A_671 {strides = array<i32>} : memref<4x256xi32, #tpu.memory_space<vmem>>, vector<1x16xi32>,
        %get3A_672 = arith.constant 0 : i32
        %get3A_673 = arith.index_cast %get3A_672 : i32 to index
        %get3A_674 = arith.constant 112 : index
        %get3A_675 = tpu.vector_load %arg5[%get3A_673, %get3A_674] {strides = array<i32>} : memref<4x256xi32, #tpu.memory_space<vmem>>, vector<1x16xi32>,
        %get3A_676 = vector.shape_cast %get3A_675 : vector<1x16xi32> to vector<16xi32>
        %add3A_677 = arith.constant 1 : i32
        %add3A_678 = vector.broadcast %add3A_677 : i32 to vector<16xi32>
        %add3A_679 = arith.addi %get3A_676, %add3A_678 : vector<16xi32>
        %swap3A_680 = arith.constant 0 : i32
        %swap3A_681 = arith.index_cast %swap3A_680 : i32 to index
        %swap3A_682 = arith.constant 112 : index
        %swap3A_683 = tpu.vector_load %arg5[%swap3A_681, %swap3A_682] {strides = array<i32>} : memref<4x256xi32, #tpu.memory_space<vmem>>, vector<1x16xi32>,
        %swap3A_684 = vector.shape_cast %swap3A_683 : vector<1x16xi32> to vector<16xi32>
        %swap3A_685 = vector.shape_cast %add3A_679 : vector<16xi32> to vector<1x16xi32>
        tpu.vector_store %arg5[%swap3A_681, %swap3A_682], %swap3A_685 {strides = array<i32>} : memref<4x256xi32, #tpu.memory_space<vmem>>, vector<1x16xi32>,
        %get3A_686 = arith.constant 0 : i32
        %get3A_687 = arith.index_cast %get3A_686 : i32 to index
        %get3A_688 = arith.constant 128 : index
        %get3A_689 = tpu.vector_load %arg5[%get3A_687, %get3A_688] {strides = array<i32>} : memref<4x256xi32, #tpu.memory_space<vmem>>, vector<1x16xi32>,
        %get3A_690 = vector.shape_cast %get3A_689 : vector<1x16xi32> to vector<16xi32>
        %add3A_691 = arith.constant 1 : i32
        %add3A_692 = vector.broadcast %add3A_691 : i32 to vector<16xi32>
        %add3A_693 = arith.addi %get3A_690, %add3A_692 : vector<16xi32>
        %swap3A_694 = arith.constant 0 : i32
        %swap3A_695 = arith.index_cast %swap3A_694 : i32 to index
        %swap3A_696 = arith.constant 128 : index
        %swap3A_697 = tpu.vector_load %arg5[%swap3A_695, %swap3A_696] {strides = array<i32>} : memref<4x256xi32, #tpu.memory_space<vmem>>, vector<1x16xi32>,
        %swap3A_698 = vector.shape_cast %swap3A_697 : vector<1x16xi32> to vector<16xi32>
        %swap3A_699 = vector.shape_cast %add3A_693 : vector<16xi32> to vector<1x16xi32>
        tpu.vector_store %arg5[%swap3A_695, %swap3A_696], %swap3A_699 {strides = array<i32>} : memref<4x256xi32, #tpu.memory_space<vmem>>, vector<1x16xi32>,
        %get3A_700 = arith.constant 0 : i32
        %get3A_701 = arith.index_cast %get3A_700 : i32 to index
        %get3A_702 = arith.constant 144 : index
        %get3A_703 = tpu.vector_load %arg5[%get3A_701, %get3A_702] {strides = array<i32>} : memref<4x256xi32, #tpu.memory_space<vmem>>, vector<1x16xi32>,
        %get3A_704 = vector.shape_cast %get3A_703 : vector<1x16xi32> to vector<16xi32>
        %add3A_705 = arith.constant 1 : i32
        %add3A_706 = vector.broadcast %add3A_705 : i32 to vector<16xi32>
        %add3A_707 = arith.addi %get3A_704, %add3A_706 : vector<16xi32>
        %swap3A_708 = arith.constant 0 : i32
        %swap3A_709 = arith.index_cast %swap3A_708 : i32 to index
        %swap3A_710 = arith.constant 144 : index
        %swap3A_711 = tpu.vector_load %arg5[%swap3A_709, %swap3A_710] {strides = array<i32>} : memref<4x256xi32, #tpu.memory_space<vmem>>, vector<1x16xi32>,
        %swap3A_712 = vector.shape_cast %swap3A_711 : vector<1x16xi32> to vector<16xi32>
        %swap3A_713 = vector.shape_cast %add3A_707 : vector<16xi32> to vector<1x16xi32>
        tpu.vector_store %arg5[%swap3A_709, %swap3A_710], %swap3A_713 {strides = array<i32>} : memref<4x256xi32, #tpu.memory_space<vmem>>, vector<1x16xi32>,
        %get3A_714 = arith.constant 0 : i32
        %get3A_715 = arith.index_cast %get3A_714 : i32 to index
        %get3A_716 = arith.constant 160 : index
        %get3A_717 = tpu.vector_load %arg5[%get3A_715, %get3A_716] {strides = array<i32>} : memref<4x256xi32, #tpu.memory_space<vmem>>, vector<1x16xi32>,
        %get3A_718 = vector.shape_cast %get3A_717 : vector<1x16xi32> to vector<16xi32>
        %add3A_719 = arith.constant 1 : i32
        %add3A_720 = vector.broadcast %add3A_719 : i32 to vector<16xi32>
        %add3A_721 = arith.addi %get3A_718, %add3A_720 : vector<16xi32>
        %swap3A_722 = arith.constant 0 : i32
        %swap3A_723 = arith.index_cast %swap3A_722 : i32 to index
        %swap3A_724 = arith.constant 160 : index
        %swap3A_725 = tpu.vector_load %arg5[%swap3A_723, %swap3A_724] {strides = array<i32>} : memref<4x256xi32, #tpu.memory_space<vmem>>, vector<1x16xi32>,
        %swap3A_726 = vector.shape_cast %swap3A_725 : vector<1x16xi32> to vector<16xi32>
        %swap3A_727 = vector.shape_cast %add3A_721 : vector<16xi32> to vector<1x16xi32>
        tpu.vector_store %arg5[%swap3A_723, %swap3A_724], %swap3A_727 {strides = array<i32>} : memref<4x256xi32, #tpu.memory_space<vmem>>, vector<1x16xi32>,
        %get3A_728 = arith.constant 0 : i32
        %get3A_729 = arith.index_cast %get3A_728 : i32 to index
        %get3A_730 = arith.constant 176 : index
        %get3A_731 = tpu.vector_load %arg5[%get3A_729, %get3A_730] {strides = array<i32>} : memref<4x256xi32, #tpu.memory_space<vmem>>, vector<1x16xi32>,
        %get3A_732 = vector.shape_cast %get3A_731 : vector<1x16xi32> to vector<16xi32>
        %add3A_733 = arith.constant 1 : i32
        %add3A_734 = vector.broadcast %add3A_733 : i32 to vector<16xi32>
        %add3A_735 = arith.addi %get3A_732, %add3A_734 : vector<16xi32>
        %swap3A_736 = arith.constant 0 : i32
        %swap3A_737 = arith.index_cast %swap3A_736 : i32 to index
        %swap3A_738 = arith.constant 176 : index
        %swap3A_739 = tpu.vector_load %arg5[%swap3A_737, %swap3A_738] {strides = array<i32>} : memref<4x256xi32, #tpu.memory_space<vmem>>, vector<1x16xi32>,
        %swap3A_740 = vector.shape_cast %swap3A_739 : vector<1x16xi32> to vector<16xi32>
        %swap3A_741 = vector.shape_cast %add3A_735 : vector<16xi32> to vector<1x16xi32>
        tpu.vector_store %arg5[%swap3A_737, %swap3A_738], %swap3A_741 {strides = array<i32>} : memref<4x256xi32, #tpu.memory_space<vmem>>, vector<1x16xi32>,
        %get3A_742 = arith.constant 0 : i32
        %get3A_743 = arith.index_cast %get3A_742 : i32 to index
        %get3A_744 = arith.constant 192 : index
        %get3A_745 = tpu.vector_load %arg5[%get3A_743, %get3A_744] {strides = array<i32>} : memref<4x256xi32, #tpu.memory_space<vmem>>, vector<1x16xi32>,
        %get3A_746 = vector.shape_cast %get3A_745 : vector<1x16xi32> to vector<16xi32>
        %add3A_747 = arith.constant 1 : i32
        %add3A_748 = vector.broadcast %add3A_747 : i32 to vector<16xi32>
        %add3A_749 = arith.addi %get3A_746, %add3A_748 : vector<16xi32>
        %swap3A_750 = arith.constant 0 : i32
        %swap3A_751 = arith.index_cast %swap3A_750 : i32 to index
        %swap3A_752 = arith.constant 192 : index
        %swap3A_753 = tpu.vector_load %arg5[%swap3A_751, %swap3A_752] {strides = array<i32>} : memref<4x256xi32, #tpu.memory_space<vmem>>, vector<1x16xi32>,
        %swap3A_754 = vector.shape_cast %swap3A_753 : vector<1x16xi32> to vector<16xi32>
        %swap3A_755 = vector.shape_cast %add3A_749 : vector<16xi32> to vector<1x16xi32>
        tpu.vector_store %arg5[%swap3A_751, %swap3A_752], %swap3A_755 {strides = array<i32>} : memref<4x256xi32, #tpu.memory_space<vmem>>, vector<1x16xi32>,
        %get3A_756 = arith.constant 0 : i32
        %get3A_757 = arith.index_cast %get3A_756 : i32 to index
        %get3A_758 = arith.constant 208 : index
        %get3A_759 = tpu.vector_load %arg5[%get3A_757, %get3A_758] {strides = array<i32>} : memref<4x256xi32, #tpu.memory_space<vmem>>, vector<1x16xi32>,
        %get3A_760 = vector.shape_cast %get3A_759 : vector<1x16xi32> to vector<16xi32>
        %add3A_761 = arith.constant 1 : i32
        %add3A_762 = vector.broadcast %add3A_761 : i32 to vector<16xi32>
        %add3A_763 = arith.addi %get3A_760, %add3A_762 : vector<16xi32>
        %swap3A_764 = arith.constant 0 : i32
        %swap3A_765 = arith.index_cast %swap3A_764 : i32 to index
        %swap3A_766 = arith.constant 208 : index
        %swap3A_767 = tpu.vector_load %arg5[%swap3A_765, %swap3A_766] {strides = array<i32>} : memref<4x256xi32, #tpu.memory_space<vmem>>, vector<1x16xi32>,
        %swap3A_768 = vector.shape_cast %swap3A_767 : vector<1x16xi32> to vector<16xi32>
        %swap3A_769 = vector.shape_cast %add3A_763 : vector<16xi32> to vector<1x16xi32>
        tpu.vector_store %arg5[%swap3A_765, %swap3A_766], %swap3A_769 {strides = array<i32>} : memref<4x256xi32, #tpu.memory_space<vmem>>, vector<1x16xi32>,
        %get3A_770 = arith.constant 0 : i32
        %get3A_771 = arith.index_cast %get3A_770 : i32 to index
        %get3A_772 = arith.constant 224 : index
        %get3A_773 = tpu.vector_load %arg5[%get3A_771, %get3A_772] {strides = array<i32>} : memref<4x256xi32, #tpu.memory_space<vmem>>, vector<1x16xi32>,
        %get3A_774 = vector.shape_cast %get3A_773 : vector<1x16xi32> to vector<16xi32>
        %add3A_775 = arith.constant 1 : i32
        %add3A_776 = vector.broadcast %add3A_775 : i32 to vector<16xi32>
        %add3A_777 = arith.addi %get3A_774, %add3A_776 : vector<16xi32>
        %swap3A_778 = arith.constant 0 : i32
        %swap3A_779 = arith.index_cast %swap3A_778 : i32 to index
        %swap3A_780 = arith.constant 224 : index
        %swap3A_781 = tpu.vector_load %arg5[%swap3A_779, %swap3A_780] {strides = array<i32>} : memref<4x256xi32, #tpu.memory_space<vmem>>, vector<1x16xi32>,
        %swap3A_782 = vector.shape_cast %swap3A_781 : vector<1x16xi32> to vector<16xi32>
        %swap3A_783 = vector.shape_cast %add3A_777 : vector<16xi32> to vector<1x16xi32>
        tpu.vector_store %arg5[%swap3A_779, %swap3A_780], %swap3A_783 {strides = array<i32>} : memref<4x256xi32, #tpu.memory_space<vmem>>, vector<1x16xi32>,
        %get3A_784 = arith.constant 0 : i32
        %get3A_785 = arith.index_cast %get3A_784 : i32 to index
        %get3A_786 = arith.constant 240 : index
        %get3A_787 = tpu.vector_load %arg5[%get3A_785, %get3A_786] {strides = array<i32>} : memref<4x256xi32, #tpu.memory_space<vmem>>, vector<1x16xi32>,
        %get3A_788 = vector.shape_cast %get3A_787 : vector<1x16xi32> to vector<16xi32>
        %add3A_789 = arith.constant 1 : i32
        %add3A_790 = vector.broadcast %add3A_789 : i32 to vector<16xi32>
        %add3A_791 = arith.addi %get3A_788, %add3A_790 : vector<16xi32>
        %swap3A_792 = arith.constant 0 : i32
        %swap3A_793 = arith.index_cast %swap3A_792 : i32 to index
        %swap3A_794 = arith.constant 240 : index
        %swap3A_795 = tpu.vector_load %arg5[%swap3A_793, %swap3A_794] {strides = array<i32>} : memref<4x256xi32, #tpu.memory_space<vmem>>, vector<1x16xi32>,
        %swap3A_796 = vector.shape_cast %swap3A_795 : vector<1x16xi32> to vector<16xi32>
        %swap3A_797 = vector.shape_cast %add3A_791 : vector<16xi32> to vector<1x16xi32>
        tpu.vector_store %arg5[%swap3A_793, %swap3A_794], %swap3A_797 {strides = array<i32>} : memref<4x256xi32, #tpu.memory_space<vmem>>, vector<1x16xi32>,
        %dma_start3A_798 = arith.constant 0 : i32
        %dma_start3A_799 = arith.constant 0 : i32
        %dma_start3A_800 = arith.constant 0 : i32
        %dma_start3A_801 = arith.constant 0 : i32
        %dma_start3A_802 = arith.constant 0 : i32
        %dma_start3A_803 = tpu.memref_slice %arg6[%dma_start3A_799, %dma_start3A_801, %dma_start3A_802] : memref<4x256x64xf32, #tpu.memory_space<vmem>> -> memref<1x256x64xf32, #tpu.memory_space<vmem>>
        %dma_start3A_804 = tpu.memref_squeeze %dma_start3A_803 : memref<1x256x64xf32, #tpu.memory_space<vmem>> -> memref<256x64xf32, #tpu.memory_space<vmem>>
        %dma_start3A_805 = arith.constant 0 : i32
        %dma_start3A_806 = tpu.memref_slice %arg5[%dma_start3A_798, %dma_start3A_805] : memref<4x256xi32, #tpu.memory_space<vmem>> -> memref<1x256xi32, #tpu.memory_space<vmem>>
        %dma_start3A_807 = tpu.memref_squeeze %dma_start3A_806 : memref<1x256xi32, #tpu.memory_space<vmem>> -> memref<256xi32, #tpu.memory_space<vmem>>
        %dma_start3A_808 = arith.constant 0 : i32
        %dma_start3A_809 = arith.constant 0 : i32
        %dma_start3A_810 = tpu.memref_slice %arg2[%dma_start3A_808, %dma_start3A_809] : memref<1000000x64xf32, #tpu.memory_space<hbm>> -> memref<1000000x64xf32, #tpu.memory_space<hbm>>
        %dma_start3A_811 = tpu.memref_slice %arg8[%dma_start3A_800] : memref<4x!tpu.dma_semaphore, #tpu.memory_space<semaphore_mem>> -> memref<1x!tpu.dma_semaphore, #tpu.memory_space<semaphore_mem>>
        %dma_start3A_812 = tpu.memref_squeeze %dma_start3A_811 : memref<1x!tpu.dma_semaphore, #tpu.memory_space<semaphore_mem>> -> memref<!tpu.dma_semaphore, #tpu.memory_space<semaphore_mem>>
        tpu.enqueue_indirect_dma source(%dma_start3A_810 : memref<1000000x64xf32, #tpu.memory_space<hbm>>) target(%dma_start3A_804 : memref<256x64xf32, #tpu.memory_space<vmem>>) offsets(%dma_start3A_807 : memref<256xi32, #tpu.memory_space<vmem>>) semaphore(%dma_start3A_812 : memref<!tpu.dma_semaphore, #tpu.memory_space<semaphore_mem>>)
      } else {
      }
      %mul3A_524 = arith.constant 256 : i32
      %mul3A_525 = arith.muli %add3A_509, %mul3A_524 : i32
      %add3A_526 = arith.addi %mul3A_2, %mul3A_525 : i32
      %dma_wait3A_527 = arith.constant 3 : i32
      %dma_wait3A_528 = arith.constant 3 : i32
      %dma_wait3A_529 = arith.constant 3 : i32
      %dma_wait3A_530 = arith.constant 0 : i32
      %dma_wait3A_531 = arith.constant 0 : i32
      %dma_wait3A_532 = tpu.memref_slice %arg6[%dma_wait3A_528, %dma_wait3A_530, %dma_wait3A_531] : memref<4x256x64xf32, #tpu.memory_space<vmem>> -> memref<1x256x64xf32, #tpu.memory_space<vmem>>
      %dma_wait3A_533 = tpu.memref_squeeze %dma_wait3A_532 : memref<1x256x64xf32, #tpu.memory_space<vmem>> -> memref<256x64xf32, #tpu.memory_space<vmem>>
      %dma_wait3A_534 = arith.constant 0 : i32
      %dma_wait3A_535 = tpu.memref_slice %arg5[%dma_wait3A_527, %dma_wait3A_534] : memref<4x256xi32, #tpu.memory_space<vmem>> -> memref<1x256xi32, #tpu.memory_space<vmem>>
      %dma_wait3A_536 = tpu.memref_squeeze %dma_wait3A_535 : memref<1x256xi32, #tpu.memory_space<vmem>> -> memref<256xi32, #tpu.memory_space<vmem>>
      %dma_wait3A_537 = arith.constant 0 : i32
      %dma_wait3A_538 = arith.constant 0 : i32
      %dma_wait3A_539 = tpu.memref_slice %arg2[%dma_wait3A_537, %dma_wait3A_538] : memref<1000000x64xf32, #tpu.memory_space<hbm>> -> memref<1000000x64xf32, #tpu.memory_space<hbm>>
      %dma_wait3A_540 = tpu.memref_slice %arg8[%dma_wait3A_529] : memref<4x!tpu.dma_semaphore, #tpu.memory_space<semaphore_mem>> -> memref<1x!tpu.dma_semaphore, #tpu.memory_space<semaphore_mem>>
      %dma_wait3A_541 = tpu.memref_squeeze %dma_wait3A_540 : memref<1x!tpu.dma_semaphore, #tpu.memory_space<semaphore_mem>> -> memref<!tpu.dma_semaphore, #tpu.memory_space<semaphore_mem>>
      tpu.wait_indirect_dma semaphore(%dma_wait3A_541 : memref<!tpu.dma_semaphore, #tpu.memory_space<semaphore_mem>>) src(%dma_wait3A_539 : memref<1000000x64xf32, #tpu.memory_space<hbm>>) dst(%dma_wait3A_533 : memref<256x64xf32, #tpu.memory_space<vmem>>)
      %dma_start3A_542 = arith.constant 3 : i32
      %dma_start3A_543 = arith.constant 3 : i32
      %dma_start3A_544 = arith.constant 0 : i32
      %dma_start3A_545 = arith.constant 0 : i32
      %dma_start3A_546 = tpu.memref_slice %arg6[%dma_start3A_542, %dma_start3A_544, %dma_start3A_545] : memref<4x256x64xf32, #tpu.memory_space<vmem>> -> memref<1x256x64xf32, #tpu.memory_space<vmem>>
      %dma_start3A_547 = tpu.memref_squeeze %dma_start3A_546 : memref<1x256x64xf32, #tpu.memory_space<vmem>> -> memref<256x64xf32, #tpu.memory_space<vmem>>
      %dma_start3A_548 = arith.constant 0 : i32
      %dma_start3A_549 = tpu.memref_slice %arg4[%add3A_526, %dma_start3A_548] : memref<819200x64xf32, #tpu.memory_space<hbm>> -> memref<256x64xf32, #tpu.memory_space<hbm>>
      %dma_start3A_550 = tpu.memref_slice %arg9[%dma_start3A_543] : memref<4x!tpu.dma_semaphore, #tpu.memory_space<semaphore_mem>> -> memref<1x!tpu.dma_semaphore, #tpu.memory_space<semaphore_mem>>
      %dma_start3A_551 = tpu.memref_squeeze %dma_start3A_550 : memref<1x!tpu.dma_semaphore, #tpu.memory_space<semaphore_mem>> -> memref<!tpu.dma_semaphore, #tpu.memory_space<semaphore_mem>>
      %dma_start3A_552 = arith.constant 0 : i32
      %dma_start3A_553 = tpu.memref_slice %arg4[%add3A_526, %dma_start3A_552] : memref<819200x64xf32, #tpu.memory_space<hbm>> -> memref<256x64xf32, #tpu.memory_space<hbm>>
      %dma_start3A_554 = arith.constant 0 : i32
      %dma_start3A_555 = arith.constant 0 : i32
      %dma_start3A_556 = tpu.memref_slice %arg6[%dma_start3A_542, %dma_start3A_554, %dma_start3A_555] : memref<4x256x64xf32, #tpu.memory_space<vmem>> -> memref<1x256x64xf32, #tpu.memory_space<vmem>>
      %dma_start3A_557 = tpu.memref_squeeze %dma_start3A_556 : memref<1x256x64xf32, #tpu.memory_space<vmem>> -> memref<256x64xf32, #tpu.memory_space<vmem>>
      tpu.enqueue_dma source(%dma_start3A_557 : memref<256x64xf32, #tpu.memory_space<vmem>>) target(%dma_start3A_553 : memref<256x64xf32, #tpu.memory_space<hbm>>) target_semaphore(%dma_start3A_551 : memref<!tpu.dma_semaphore, #tpu.memory_space<semaphore_mem>>)
    }
    %scan3A_283 = arith.constant 25 : i32
    %dma_wait3A_284 = arith.constant 0 : i32
    %dma_wait3A_285 = arith.constant 0 : i32
    %dma_wait3A_286 = arith.constant 0 : i32
    %dma_wait3A_287 = arith.constant 0 : i32
    %dma_wait3A_288 = tpu.memref_slice %arg6[%dma_wait3A_284, %dma_wait3A_286, %dma_wait3A_287] : memref<4x256x64xf32, #tpu.memory_space<vmem>> -> memref<1x256x64xf32, #tpu.memory_space<vmem>>
    %dma_wait3A_289 = tpu.memref_squeeze %dma_wait3A_288 : memref<1x256x64xf32, #tpu.memory_space<vmem>> -> memref<256x64xf32, #tpu.memory_space<vmem>>
    %dma_wait3A_290 = arith.constant 0 : i32
    %dma_wait3A_291 = arith.constant 0 : i32
    %dma_wait3A_292 = tpu.memref_slice %arg4[%dma_wait3A_290, %dma_wait3A_291] : memref<819200x64xf32, #tpu.memory_space<hbm>> -> memref<256x64xf32, #tpu.memory_space<hbm>>
    %dma_wait3A_293 = tpu.memref_slice %arg9[%dma_wait3A_285] : memref<4x!tpu.dma_semaphore, #tpu.memory_space<semaphore_mem>> -> memref<1x!tpu.dma_semaphore, #tpu.memory_space<semaphore_mem>>
    %dma_wait3A_294 = tpu.memref_squeeze %dma_wait3A_293 : memref<1x!tpu.dma_semaphore, #tpu.memory_space<semaphore_mem>> -> memref<!tpu.dma_semaphore, #tpu.memory_space<semaphore_mem>>
    %dma_wait3A_295 = arith.constant 0 : i32
    %dma_wait3A_296 = arith.constant 0 : i32
    %dma_wait3A_297 = tpu.memref_slice %arg4[%dma_wait3A_295, %dma_wait3A_296] : memref<819200x64xf32, #tpu.memory_space<hbm>> -> memref<256x64xf32, #tpu.memory_space<hbm>>
    %dma_wait3A_298 = arith.constant 0 : i32
    %dma_wait3A_299 = arith.constant 0 : i32
    %dma_wait3A_300 = tpu.memref_slice %arg6[%dma_wait3A_284, %dma_wait3A_298, %dma_wait3A_299] : memref<4x256x64xf32, #tpu.memory_space<vmem>> -> memref<1x256x64xf32, #tpu.memory_space<vmem>>
    %dma_wait3A_301 = tpu.memref_squeeze %dma_wait3A_300 : memref<1x256x64xf32, #tpu.memory_space<vmem>> -> memref<256x64xf32, #tpu.memory_space<vmem>>
    tpu.wait_dma2 semaphore(%dma_wait3A_294 : memref<!tpu.dma_semaphore, #tpu.memory_space<semaphore_mem>>) src(%dma_wait3A_301 : memref<256x64xf32, #tpu.memory_space<vmem>>) dst(%dma_wait3A_297 : memref<256x64xf32, #tpu.memory_space<hbm>>)
    %dma_wait3A_302 = arith.constant 1 : i32
    %dma_wait3A_303 = arith.constant 1 : i32
    %dma_wait3A_304 = arith.constant 0 : i32
    %dma_wait3A_305 = arith.constant 0 : i32
    %dma_wait3A_306 = tpu.memref_slice %arg6[%dma_wait3A_302, %dma_wait3A_304, %dma_wait3A_305] : memref<4x256x64xf32, #tpu.memory_space<vmem>> -> memref<1x256x64xf32, #tpu.memory_space<vmem>>
    %dma_wait3A_307 = tpu.memref_squeeze %dma_wait3A_306 : memref<1x256x64xf32, #tpu.memory_space<vmem>> -> memref<256x64xf32, #tpu.memory_space<vmem>>
    %dma_wait3A_308 = arith.constant 0 : i32
    %dma_wait3A_309 = arith.constant 0 : i32
    %dma_wait3A_310 = tpu.memref_slice %arg4[%dma_wait3A_308, %dma_wait3A_309] : memref<819200x64xf32, #tpu.memory_space<hbm>> -> memref<256x64xf32, #tpu.memory_space<hbm>>
    %dma_wait3A_311 = tpu.memref_slice %arg9[%dma_wait3A_303] : memref<4x!tpu.dma_semaphore, #tpu.memory_space<semaphore_mem>> -> memref<1x!tpu.dma_semaphore, #tpu.memory_space<semaphore_mem>>
    %dma_wait3A_312 = tpu.memref_squeeze %dma_wait3A_311 : memref<1x!tpu.dma_semaphore, #tpu.memory_space<semaphore_mem>> -> memref<!tpu.dma_semaphore, #tpu.memory_space<semaphore_mem>>
    %dma_wait3A_313 = arith.constant 0 : i32
    %dma_wait3A_314 = arith.constant 0 : i32
    %dma_wait3A_315 = tpu.memref_slice %arg4[%dma_wait3A_313, %dma_wait3A_314] : memref<819200x64xf32, #tpu.memory_space<hbm>> -> memref<256x64xf32, #tpu.memory_space<hbm>>
    %dma_wait3A_316 = arith.constant 0 : i32
    %dma_wait3A_317 = arith.constant 0 : i32
    %dma_wait3A_318 = tpu.memref_slice %arg6[%dma_wait3A_302, %dma_wait3A_316, %dma_wait3A_317] : memref<4x256x64xf32, #tpu.memory_space<vmem>> -> memref<1x256x64xf32, #tpu.memory_space<vmem>>
    %dma_wait3A_319 = tpu.memref_squeeze %dma_wait3A_318 : memref<1x256x64xf32, #tpu.memory_space<vmem>> -> memref<256x64xf32, #tpu.memory_space<vmem>>
    tpu.wait_dma2 semaphore(%dma_wait3A_312 : memref<!tpu.dma_semaphore, #tpu.memory_space<semaphore_mem>>) src(%dma_wait3A_319 : memref<256x64xf32, #tpu.memory_space<vmem>>) dst(%dma_wait3A_315 : memref<256x64xf32, #tpu.memory_space<hbm>>)
    %dma_wait3A_320 = arith.constant 2 : i32
    %dma_wait3A_321 = arith.constant 2 : i32
    %dma_wait3A_322 = arith.constant 0 : i32
    %dma_wait3A_323 = arith.constant 0 : i32
    %dma_wait3A_324 = tpu.memref_slice %arg6[%dma_wait3A_320, %dma_wait3A_322, %dma_wait3A_323] : memref<4x256x64xf32, #tpu.memory_space<vmem>> -> memref<1x256x64xf32, #tpu.memory_space<vmem>>
    %dma_wait3A_325 = tpu.memref_squeeze %dma_wait3A_324 : memref<1x256x64xf32, #tpu.memory_space<vmem>> -> memref<256x64xf32, #tpu.memory_space<vmem>>
    %dma_wait3A_326 = arith.constant 0 : i32
    %dma_wait3A_327 = arith.constant 0 : i32
    %dma_wait3A_328 = tpu.memref_slice %arg4[%dma_wait3A_326, %dma_wait3A_327] : memref<819200x64xf32, #tpu.memory_space<hbm>> -> memref<256x64xf32, #tpu.memory_space<hbm>>
    %dma_wait3A_329 = tpu.memref_slice %arg9[%dma_wait3A_321] : memref<4x!tpu.dma_semaphore, #tpu.memory_space<semaphore_mem>> -> memref<1x!tpu.dma_semaphore, #tpu.memory_space<semaphore_mem>>
    %dma_wait3A_330 = tpu.memref_squeeze %dma_wait3A_329 : memref<1x!tpu.dma_semaphore, #tpu.memory_space<semaphore_mem>> -> memref<!tpu.dma_semaphore, #tpu.memory_space<semaphore_mem>>
    %dma_wait3A_331 = arith.constant 0 : i32
    %dma_wait3A_332 = arith.constant 0 : i32
    %dma_wait3A_333 = tpu.memref_slice %arg4[%dma_wait3A_331, %dma_wait3A_332] : memref<819200x64xf32, #tpu.memory_space<hbm>> -> memref<256x64xf32, #tpu.memory_space<hbm>>
    %dma_wait3A_334 = arith.constant 0 : i32
    %dma_wait3A_335 = arith.constant 0 : i32
    %dma_wait3A_336 = tpu.memref_slice %arg6[%dma_wait3A_320, %dma_wait3A_334, %dma_wait3A_335] : memref<4x256x64xf32, #tpu.memory_space<vmem>> -> memref<1x256x64xf32, #tpu.memory_space<vmem>>
    %dma_wait3A_337 = tpu.memref_squeeze %dma_wait3A_336 : memref<1x256x64xf32, #tpu.memory_space<vmem>> -> memref<256x64xf32, #tpu.memory_space<vmem>>
    tpu.wait_dma2 semaphore(%dma_wait3A_330 : memref<!tpu.dma_semaphore, #tpu.memory_space<semaphore_mem>>) src(%dma_wait3A_337 : memref<256x64xf32, #tpu.memory_space<vmem>>) dst(%dma_wait3A_333 : memref<256x64xf32, #tpu.memory_space<hbm>>)
    %dma_wait3A_338 = arith.constant 3 : i32
    %dma_wait3A_339 = arith.constant 3 : i32
    %dma_wait3A_340 = arith.constant 0 : i32
    %dma_wait3A_341 = arith.constant 0 : i32
    %dma_wait3A_342 = tpu.memref_slice %arg6[%dma_wait3A_338, %dma_wait3A_340, %dma_wait3A_341] : memref<4x256x64xf32, #tpu.memory_space<vmem>> -> memref<1x256x64xf32, #tpu.memory_space<vmem>>
    %dma_wait3A_343 = tpu.memref_squeeze %dma_wait3A_342 : memref<1x256x64xf32, #tpu.memory_space<vmem>> -> memref<256x64xf32, #tpu.memory_space<vmem>>
    %dma_wait3A_344 = arith.constant 0 : i32
    %dma_wait3A_345 = arith.constant 0 : i32
    %dma_wait3A_346 = tpu.memref_slice %arg4[%dma_wait3A_344, %dma_wait3A_345] : memref<819200x64xf32, #tpu.memory_space<hbm>> -> memref<256x64xf32, #tpu.memory_space<hbm>>
    %dma_wait3A_347 = tpu.memref_slice %arg9[%dma_wait3A_339] : memref<4x!tpu.dma_semaphore, #tpu.memory_space<semaphore_mem>> -> memref<1x!tpu.dma_semaphore, #tpu.memory_space<semaphore_mem>>
    %dma_wait3A_348 = tpu.memref_squeeze %dma_wait3A_347 : memref<1x!tpu.dma_semaphore, #tpu.memory_space<semaphore_mem>> -> memref<!tpu.dma_semaphore, #tpu.memory_space<semaphore_mem>>
    %dma_wait3A_349 = arith.constant 0 : i32
    %dma_wait3A_350 = arith.constant 0 : i32
    %dma_wait3A_351 = tpu.memref_slice %arg4[%dma_wait3A_349, %dma_wait3A_350] : memref<819200x64xf32, #tpu.memory_space<hbm>> -> memref<256x64xf32, #tpu.memory_space<hbm>>
    %dma_wait3A_352 = arith.constant 0 : i32
    %dma_wait3A_353 = arith.constant 0 : i32
    %dma_wait3A_354 = tpu.memref_slice %arg6[%dma_wait3A_338, %dma_wait3A_352, %dma_wait3A_353] : memref<4x256x64xf32, #tpu.memory_space<vmem>> -> memref<1x256x64xf32, #tpu.memory_space<vmem>>
    %dma_wait3A_355 = tpu.memref_squeeze %dma_wait3A_354 : memref<1x256x64xf32, #tpu.memory_space<vmem>> -> memref<256x64xf32, #tpu.memory_space<vmem>>
    tpu.wait_dma2 semaphore(%dma_wait3A_348 : memref<!tpu.dma_semaphore, #tpu.memory_space<semaphore_mem>>) src(%dma_wait3A_355 : memref<256x64xf32, #tpu.memory_space<vmem>>) dst(%dma_wait3A_351 : memref<256x64xf32, #tpu.memory_space<hbm>>)
    return
  }
}

module attributes {stable_mosaic.version = 14 : i64} {
  func.func @body(%arg0: i32, %arg1: i32, %arg2: memref<4096x128xf32, #tpu.memory_space<vmem>>, %arg3: memref<1x64x8192xf32, #tpu.memory_space<vmem>>, %arg4: memref<1x64x8192xf32, #tpu.memory_space<vmem>>) attributes {dimension_semantics = [#tpu.dimension_semantics<arbitrary>, #tpu.dimension_semantics<arbitrary>], iteration_bounds = array<i64: 50, 2>, scalar_prefetch = 0 : i64, scratch_operands = 0 : i64, tpu.core_type = #tpu.core_type<tc>, window_params = [{transform_indices = @transform_0, window_bounds = array<i64: 4096, 128>}, {transform_indices = @transform_1, window_bounds = array<i64: 1, 64, 8192>}, {transform_indices = @transform_2, window_bounds = array<i64: 1, 64, 8192>}]} {
    %get3A = arith.constant 0 : index
    %get3A_0 = arith.constant 0 : index
    %get3A_1 = vector.load %arg2[%get3A, %get3A_0] : memref<4096x128xf32, #tpu.memory_space<vmem>>, vector<256x128xf32>
    %transpose3A = tpu.transpose %get3A_1, [1, 0] : vector<256x128xf32> -> vector<128x256xf32>
    %slice3A = vector.extract_strided_slice %transpose3A {offsets = [0, 0], sizes = [64, 256], strides = [1, 1]} : vector<128x256xf32> to vector<64x256xf32>
    %get3A_2 = arith.constant 0 : index
    %get3A_3 = arith.constant 0 : index
    %get3A_4 = arith.constant 0 : index
    %get3A_5 = vector.load %arg3[%get3A_2, %get3A_3, %get3A_4] : memref<1x64x8192xf32, #tpu.memory_space<vmem>>, vector<1x64x256xf32>
    %get3A_6 = vector.shape_cast %get3A_5 : vector<1x64x256xf32> to vector<64x256xf32>
    %add3A = arith.addf %slice3A, %get3A_6 : vector<64x256xf32>
    %swap3A = arith.constant 0 : index
    %swap3A_7 = arith.constant 0 : index
    %swap3A_8 = arith.constant 0 : index
    %swap3A_9 = vector.load %arg4[%swap3A, %swap3A_7, %swap3A_8] : memref<1x64x8192xf32, #tpu.memory_space<vmem>>, vector<1x64x256xf32>
    %swap3A_10 = vector.shape_cast %swap3A_9 : vector<1x64x256xf32> to vector<64x256xf32>
    %swap3A_11 = vector.shape_cast %add3A : vector<64x256xf32> to vector<1x64x256xf32>
    tpu.vector_store %arg4[%swap3A, %swap3A_7, %swap3A_8], %swap3A_11 {strides = array<i32>} : memref<1x64x8192xf32, #tpu.memory_space<vmem>>, vector<1x64x256xf32>,
    %slice3A_12 = vector.extract_strided_slice %transpose3A {offsets = [64, 0], sizes = [64, 256], strides = [1, 1]} : vector<128x256xf32> to vector<64x256xf32>
    %get3A_13 = arith.constant 0 : index
    %get3A_14 = arith.constant 0 : index
    %get3A_15 = arith.constant 256 : index
    %get3A_16 = vector.load %arg3[%get3A_13, %get3A_14, %get3A_15] : memref<1x64x8192xf32, #tpu.memory_space<vmem>>, vector<1x64x256xf32>
    %get3A_17 = vector.shape_cast %get3A_16 : vector<1x64x256xf32> to vector<64x256xf32>
    %add3A_18 = arith.addf %slice3A_12, %get3A_17 : vector<64x256xf32>
    %swap3A_19 = arith.constant 0 : index
    %swap3A_20 = arith.constant 0 : index
    %swap3A_21 = arith.constant 256 : index
    %swap3A_22 = vector.load %arg4[%swap3A_19, %swap3A_20, %swap3A_21] : memref<1x64x8192xf32, #tpu.memory_space<vmem>>, vector<1x64x256xf32>
    %swap3A_23 = vector.shape_cast %swap3A_22 : vector<1x64x256xf32> to vector<64x256xf32>
    %swap3A_24 = vector.shape_cast %add3A_18 : vector<64x256xf32> to vector<1x64x256xf32>
    tpu.vector_store %arg4[%swap3A_19, %swap3A_20, %swap3A_21], %swap3A_24 {strides = array<i32>} : memref<1x64x8192xf32, #tpu.memory_space<vmem>>, vector<1x64x256xf32>,
    %get3A_25 = arith.constant 256 : index
    %get3A_26 = arith.constant 0 : index
    %get3A_27 = vector.load %arg2[%get3A_25, %get3A_26] : memref<4096x128xf32, #tpu.memory_space<vmem>>, vector<256x128xf32>
    %transpose3A_28 = tpu.transpose %get3A_27, [1, 0] : vector<256x128xf32> -> vector<128x256xf32>
    %slice3A_29 = vector.extract_strided_slice %transpose3A_28 {offsets = [0, 0], sizes = [64, 256], strides = [1, 1]} : vector<128x256xf32> to vector<64x256xf32>
    %get3A_30 = arith.constant 0 : index
    %get3A_31 = arith.constant 0 : index
    %get3A_32 = arith.constant 512 : index
    %get3A_33 = vector.load %arg3[%get3A_30, %get3A_31, %get3A_32] : memref<1x64x8192xf32, #tpu.memory_space<vmem>>, vector<1x64x256xf32>
    %get3A_34 = vector.shape_cast %get3A_33 : vector<1x64x256xf32> to vector<64x256xf32>
    %add3A_35 = arith.addf %slice3A_29, %get3A_34 : vector<64x256xf32>
    %swap3A_36 = arith.constant 0 : index
    %swap3A_37 = arith.constant 0 : index
    %swap3A_38 = arith.constant 512 : index
    %swap3A_39 = vector.load %arg4[%swap3A_36, %swap3A_37, %swap3A_38] : memref<1x64x8192xf32, #tpu.memory_space<vmem>>, vector<1x64x256xf32>
    %swap3A_40 = vector.shape_cast %swap3A_39 : vector<1x64x256xf32> to vector<64x256xf32>
    %swap3A_41 = vector.shape_cast %add3A_35 : vector<64x256xf32> to vector<1x64x256xf32>
    tpu.vector_store %arg4[%swap3A_36, %swap3A_37, %swap3A_38], %swap3A_41 {strides = array<i32>} : memref<1x64x8192xf32, #tpu.memory_space<vmem>>, vector<1x64x256xf32>,
    %slice3A_42 = vector.extract_strided_slice %transpose3A_28 {offsets = [64, 0], sizes = [64, 256], strides = [1, 1]} : vector<128x256xf32> to vector<64x256xf32>
    %get3A_43 = arith.constant 0 : index
    %get3A_44 = arith.constant 0 : index
    %get3A_45 = arith.constant 768 : index
    %get3A_46 = vector.load %arg3[%get3A_43, %get3A_44, %get3A_45] : memref<1x64x8192xf32, #tpu.memory_space<vmem>>, vector<1x64x256xf32>
    %get3A_47 = vector.shape_cast %get3A_46 : vector<1x64x256xf32> to vector<64x256xf32>
    %add3A_48 = arith.addf %slice3A_42, %get3A_47 : vector<64x256xf32>
    %swap3A_49 = arith.constant 0 : index
    %swap3A_50 = arith.constant 0 : index
    %swap3A_51 = arith.constant 768 : index
    %swap3A_52 = vector.load %arg4[%swap3A_49, %swap3A_50, %swap3A_51] : memref<1x64x8192xf32, #tpu.memory_space<vmem>>, vector<1x64x256xf32>
    %swap3A_53 = vector.shape_cast %swap3A_52 : vector<1x64x256xf32> to vector<64x256xf32>
    %swap3A_54 = vector.shape_cast %add3A_48 : vector<64x256xf32> to vector<1x64x256xf32>
    tpu.vector_store %arg4[%swap3A_49, %swap3A_50, %swap3A_51], %swap3A_54 {strides = array<i32>} : memref<1x64x8192xf32, #tpu.memory_space<vmem>>, vector<1x64x256xf32>,
    %get3A_55 = arith.constant 512 : index
    %get3A_56 = arith.constant 0 : index
    %get3A_57 = vector.load %arg2[%get3A_55, %get3A_56] : memref<4096x128xf32, #tpu.memory_space<vmem>>, vector<256x128xf32>
    %transpose3A_58 = tpu.transpose %get3A_57, [1, 0] : vector<256x128xf32> -> vector<128x256xf32>
    %slice3A_59 = vector.extract_strided_slice %transpose3A_58 {offsets = [0, 0], sizes = [64, 256], strides = [1, 1]} : vector<128x256xf32> to vector<64x256xf32>
    %get3A_60 = arith.constant 0 : index
    %get3A_61 = arith.constant 0 : index
    %get3A_62 = arith.constant 1024 : index
    %get3A_63 = vector.load %arg3[%get3A_60, %get3A_61, %get3A_62] : memref<1x64x8192xf32, #tpu.memory_space<vmem>>, vector<1x64x256xf32>
    %get3A_64 = vector.shape_cast %get3A_63 : vector<1x64x256xf32> to vector<64x256xf32>
    %add3A_65 = arith.addf %slice3A_59, %get3A_64 : vector<64x256xf32>
    %swap3A_66 = arith.constant 0 : index
    %swap3A_67 = arith.constant 0 : index
    %swap3A_68 = arith.constant 1024 : index
    %swap3A_69 = vector.load %arg4[%swap3A_66, %swap3A_67, %swap3A_68] : memref<1x64x8192xf32, #tpu.memory_space<vmem>>, vector<1x64x256xf32>
    %swap3A_70 = vector.shape_cast %swap3A_69 : vector<1x64x256xf32> to vector<64x256xf32>
    %swap3A_71 = vector.shape_cast %add3A_65 : vector<64x256xf32> to vector<1x64x256xf32>
    tpu.vector_store %arg4[%swap3A_66, %swap3A_67, %swap3A_68], %swap3A_71 {strides = array<i32>} : memref<1x64x8192xf32, #tpu.memory_space<vmem>>, vector<1x64x256xf32>,
    %slice3A_72 = vector.extract_strided_slice %transpose3A_58 {offsets = [64, 0], sizes = [64, 256], strides = [1, 1]} : vector<128x256xf32> to vector<64x256xf32>
    %get3A_73 = arith.constant 0 : index
    %get3A_74 = arith.constant 0 : index
    %get3A_75 = arith.constant 1280 : index
    %get3A_76 = vector.load %arg3[%get3A_73, %get3A_74, %get3A_75] : memref<1x64x8192xf32, #tpu.memory_space<vmem>>, vector<1x64x256xf32>
    %get3A_77 = vector.shape_cast %get3A_76 : vector<1x64x256xf32> to vector<64x256xf32>
    %add3A_78 = arith.addf %slice3A_72, %get3A_77 : vector<64x256xf32>
    %swap3A_79 = arith.constant 0 : index
    %swap3A_80 = arith.constant 0 : index
    %swap3A_81 = arith.constant 1280 : index
    %swap3A_82 = vector.load %arg4[%swap3A_79, %swap3A_80, %swap3A_81] : memref<1x64x8192xf32, #tpu.memory_space<vmem>>, vector<1x64x256xf32>
    %swap3A_83 = vector.shape_cast %swap3A_82 : vector<1x64x256xf32> to vector<64x256xf32>
    %swap3A_84 = vector.shape_cast %add3A_78 : vector<64x256xf32> to vector<1x64x256xf32>
    tpu.vector_store %arg4[%swap3A_79, %swap3A_80, %swap3A_81], %swap3A_84 {strides = array<i32>} : memref<1x64x8192xf32, #tpu.memory_space<vmem>>, vector<1x64x256xf32>,
    %get3A_85 = arith.constant 768 : index
    %get3A_86 = arith.constant 0 : index
    %get3A_87 = vector.load %arg2[%get3A_85, %get3A_86] : memref<4096x128xf32, #tpu.memory_space<vmem>>, vector<256x128xf32>
    %transpose3A_88 = tpu.transpose %get3A_87, [1, 0] : vector<256x128xf32> -> vector<128x256xf32>
    %slice3A_89 = vector.extract_strided_slice %transpose3A_88 {offsets = [0, 0], sizes = [64, 256], strides = [1, 1]} : vector<128x256xf32> to vector<64x256xf32>
    %get3A_90 = arith.constant 0 : index
    %get3A_91 = arith.constant 0 : index
    %get3A_92 = arith.constant 1536 : index
    %get3A_93 = vector.load %arg3[%get3A_90, %get3A_91, %get3A_92] : memref<1x64x8192xf32, #tpu.memory_space<vmem>>, vector<1x64x256xf32>
    %get3A_94 = vector.shape_cast %get3A_93 : vector<1x64x256xf32> to vector<64x256xf32>
    %add3A_95 = arith.addf %slice3A_89, %get3A_94 : vector<64x256xf32>
    %swap3A_96 = arith.constant 0 : index
    %swap3A_97 = arith.constant 0 : index
    %swap3A_98 = arith.constant 1536 : index
    %swap3A_99 = vector.load %arg4[%swap3A_96, %swap3A_97, %swap3A_98] : memref<1x64x8192xf32, #tpu.memory_space<vmem>>, vector<1x64x256xf32>
    %swap3A_100 = vector.shape_cast %swap3A_99 : vector<1x64x256xf32> to vector<64x256xf32>
    %swap3A_101 = vector.shape_cast %add3A_95 : vector<64x256xf32> to vector<1x64x256xf32>
    tpu.vector_store %arg4[%swap3A_96, %swap3A_97, %swap3A_98], %swap3A_101 {strides = array<i32>} : memref<1x64x8192xf32, #tpu.memory_space<vmem>>, vector<1x64x256xf32>,
    %slice3A_102 = vector.extract_strided_slice %transpose3A_88 {offsets = [64, 0], sizes = [64, 256], strides = [1, 1]} : vector<128x256xf32> to vector<64x256xf32>
    %get3A_103 = arith.constant 0 : index
    %get3A_104 = arith.constant 0 : index
    %get3A_105 = arith.constant 1792 : index
    %get3A_106 = vector.load %arg3[%get3A_103, %get3A_104, %get3A_105] : memref<1x64x8192xf32, #tpu.memory_space<vmem>>, vector<1x64x256xf32>
    %get3A_107 = vector.shape_cast %get3A_106 : vector<1x64x256xf32> to vector<64x256xf32>
    %add3A_108 = arith.addf %slice3A_102, %get3A_107 : vector<64x256xf32>
    %swap3A_109 = arith.constant 0 : index
    %swap3A_110 = arith.constant 0 : index
    %swap3A_111 = arith.constant 1792 : index
    %swap3A_112 = vector.load %arg4[%swap3A_109, %swap3A_110, %swap3A_111] : memref<1x64x8192xf32, #tpu.memory_space<vmem>>, vector<1x64x256xf32>
    %swap3A_113 = vector.shape_cast %swap3A_112 : vector<1x64x256xf32> to vector<64x256xf32>
    %swap3A_114 = vector.shape_cast %add3A_108 : vector<64x256xf32> to vector<1x64x256xf32>
    tpu.vector_store %arg4[%swap3A_109, %swap3A_110, %swap3A_111], %swap3A_114 {strides = array<i32>} : memref<1x64x8192xf32, #tpu.memory_space<vmem>>, vector<1x64x256xf32>,
    %get3A_115 = arith.constant 1024 : index
    %get3A_116 = arith.constant 0 : index
    %get3A_117 = vector.load %arg2[%get3A_115, %get3A_116] : memref<4096x128xf32, #tpu.memory_space<vmem>>, vector<256x128xf32>
    %transpose3A_118 = tpu.transpose %get3A_117, [1, 0] : vector<256x128xf32> -> vector<128x256xf32>
    %slice3A_119 = vector.extract_strided_slice %transpose3A_118 {offsets = [0, 0], sizes = [64, 256], strides = [1, 1]} : vector<128x256xf32> to vector<64x256xf32>
    %get3A_120 = arith.constant 0 : index
    %get3A_121 = arith.constant 0 : index
    %get3A_122 = arith.constant 2048 : index
    %get3A_123 = vector.load %arg3[%get3A_120, %get3A_121, %get3A_122] : memref<1x64x8192xf32, #tpu.memory_space<vmem>>, vector<1x64x256xf32>
    %get3A_124 = vector.shape_cast %get3A_123 : vector<1x64x256xf32> to vector<64x256xf32>
    %add3A_125 = arith.addf %slice3A_119, %get3A_124 : vector<64x256xf32>
    %swap3A_126 = arith.constant 0 : index
    %swap3A_127 = arith.constant 0 : index
    %swap3A_128 = arith.constant 2048 : index
    %swap3A_129 = vector.load %arg4[%swap3A_126, %swap3A_127, %swap3A_128] : memref<1x64x8192xf32, #tpu.memory_space<vmem>>, vector<1x64x256xf32>
    %swap3A_130 = vector.shape_cast %swap3A_129 : vector<1x64x256xf32> to vector<64x256xf32>
    %swap3A_131 = vector.shape_cast %add3A_125 : vector<64x256xf32> to vector<1x64x256xf32>
    tpu.vector_store %arg4[%swap3A_126, %swap3A_127, %swap3A_128], %swap3A_131 {strides = array<i32>} : memref<1x64x8192xf32, #tpu.memory_space<vmem>>, vector<1x64x256xf32>,
    %slice3A_132 = vector.extract_strided_slice %transpose3A_118 {offsets = [64, 0], sizes = [64, 256], strides = [1, 1]} : vector<128x256xf32> to vector<64x256xf32>
    %get3A_133 = arith.constant 0 : index
    %get3A_134 = arith.constant 0 : index
    %get3A_135 = arith.constant 2304 : index
    %get3A_136 = vector.load %arg3[%get3A_133, %get3A_134, %get3A_135] : memref<1x64x8192xf32, #tpu.memory_space<vmem>>, vector<1x64x256xf32>
    %get3A_137 = vector.shape_cast %get3A_136 : vector<1x64x256xf32> to vector<64x256xf32>
    %add3A_138 = arith.addf %slice3A_132, %get3A_137 : vector<64x256xf32>
    %swap3A_139 = arith.constant 0 : index
    %swap3A_140 = arith.constant 0 : index
    %swap3A_141 = arith.constant 2304 : index
    %swap3A_142 = vector.load %arg4[%swap3A_139, %swap3A_140, %swap3A_141] : memref<1x64x8192xf32, #tpu.memory_space<vmem>>, vector<1x64x256xf32>
    %swap3A_143 = vector.shape_cast %swap3A_142 : vector<1x64x256xf32> to vector<64x256xf32>
    %swap3A_144 = vector.shape_cast %add3A_138 : vector<64x256xf32> to vector<1x64x256xf32>
    tpu.vector_store %arg4[%swap3A_139, %swap3A_140, %swap3A_141], %swap3A_144 {strides = array<i32>} : memref<1x64x8192xf32, #tpu.memory_space<vmem>>, vector<1x64x256xf32>,
    %get3A_145 = arith.constant 1280 : index
    %get3A_146 = arith.constant 0 : index
    %get3A_147 = vector.load %arg2[%get3A_145, %get3A_146] : memref<4096x128xf32, #tpu.memory_space<vmem>>, vector<256x128xf32>
    %transpose3A_148 = tpu.transpose %get3A_147, [1, 0] : vector<256x128xf32> -> vector<128x256xf32>
    %slice3A_149 = vector.extract_strided_slice %transpose3A_148 {offsets = [0, 0], sizes = [64, 256], strides = [1, 1]} : vector<128x256xf32> to vector<64x256xf32>
    %get3A_150 = arith.constant 0 : index
    %get3A_151 = arith.constant 0 : index
    %get3A_152 = arith.constant 2560 : index
    %get3A_153 = vector.load %arg3[%get3A_150, %get3A_151, %get3A_152] : memref<1x64x8192xf32, #tpu.memory_space<vmem>>, vector<1x64x256xf32>
    %get3A_154 = vector.shape_cast %get3A_153 : vector<1x64x256xf32> to vector<64x256xf32>
    %add3A_155 = arith.addf %slice3A_149, %get3A_154 : vector<64x256xf32>
    %swap3A_156 = arith.constant 0 : index
    %swap3A_157 = arith.constant 0 : index
    %swap3A_158 = arith.constant 2560 : index
    %swap3A_159 = vector.load %arg4[%swap3A_156, %swap3A_157, %swap3A_158] : memref<1x64x8192xf32, #tpu.memory_space<vmem>>, vector<1x64x256xf32>
    %swap3A_160 = vector.shape_cast %swap3A_159 : vector<1x64x256xf32> to vector<64x256xf32>
    %swap3A_161 = vector.shape_cast %add3A_155 : vector<64x256xf32> to vector<1x64x256xf32>
    tpu.vector_store %arg4[%swap3A_156, %swap3A_157, %swap3A_158], %swap3A_161 {strides = array<i32>} : memref<1x64x8192xf32, #tpu.memory_space<vmem>>, vector<1x64x256xf32>,
    %slice3A_162 = vector.extract_strided_slice %transpose3A_148 {offsets = [64, 0], sizes = [64, 256], strides = [1, 1]} : vector<128x256xf32> to vector<64x256xf32>
    %get3A_163 = arith.constant 0 : index
    %get3A_164 = arith.constant 0 : index
    %get3A_165 = arith.constant 2816 : index
    %get3A_166 = vector.load %arg3[%get3A_163, %get3A_164, %get3A_165] : memref<1x64x8192xf32, #tpu.memory_space<vmem>>, vector<1x64x256xf32>
    %get3A_167 = vector.shape_cast %get3A_166 : vector<1x64x256xf32> to vector<64x256xf32>
    %add3A_168 = arith.addf %slice3A_162, %get3A_167 : vector<64x256xf32>
    %swap3A_169 = arith.constant 0 : index
    %swap3A_170 = arith.constant 0 : index
    %swap3A_171 = arith.constant 2816 : index
    %swap3A_172 = vector.load %arg4[%swap3A_169, %swap3A_170, %swap3A_171] : memref<1x64x8192xf32, #tpu.memory_space<vmem>>, vector<1x64x256xf32>
    %swap3A_173 = vector.shape_cast %swap3A_172 : vector<1x64x256xf32> to vector<64x256xf32>
    %swap3A_174 = vector.shape_cast %add3A_168 : vector<64x256xf32> to vector<1x64x256xf32>
    tpu.vector_store %arg4[%swap3A_169, %swap3A_170, %swap3A_171], %swap3A_174 {strides = array<i32>} : memref<1x64x8192xf32, #tpu.memory_space<vmem>>, vector<1x64x256xf32>,
    %get3A_175 = arith.constant 1536 : index
    %get3A_176 = arith.constant 0 : index
    %get3A_177 = vector.load %arg2[%get3A_175, %get3A_176] : memref<4096x128xf32, #tpu.memory_space<vmem>>, vector<256x128xf32>
    %transpose3A_178 = tpu.transpose %get3A_177, [1, 0] : vector<256x128xf32> -> vector<128x256xf32>
    %slice3A_179 = vector.extract_strided_slice %transpose3A_178 {offsets = [0, 0], sizes = [64, 256], strides = [1, 1]} : vector<128x256xf32> to vector<64x256xf32>
    %get3A_180 = arith.constant 0 : index
    %get3A_181 = arith.constant 0 : index
    %get3A_182 = arith.constant 3072 : index
    %get3A_183 = vector.load %arg3[%get3A_180, %get3A_181, %get3A_182] : memref<1x64x8192xf32, #tpu.memory_space<vmem>>, vector<1x64x256xf32>
    %get3A_184 = vector.shape_cast %get3A_183 : vector<1x64x256xf32> to vector<64x256xf32>
    %add3A_185 = arith.addf %slice3A_179, %get3A_184 : vector<64x256xf32>
    %swap3A_186 = arith.constant 0 : index
    %swap3A_187 = arith.constant 0 : index
    %swap3A_188 = arith.constant 3072 : index
    %swap3A_189 = vector.load %arg4[%swap3A_186, %swap3A_187, %swap3A_188] : memref<1x64x8192xf32, #tpu.memory_space<vmem>>, vector<1x64x256xf32>
    %swap3A_190 = vector.shape_cast %swap3A_189 : vector<1x64x256xf32> to vector<64x256xf32>
    %swap3A_191 = vector.shape_cast %add3A_185 : vector<64x256xf32> to vector<1x64x256xf32>
    tpu.vector_store %arg4[%swap3A_186, %swap3A_187, %swap3A_188], %swap3A_191 {strides = array<i32>} : memref<1x64x8192xf32, #tpu.memory_space<vmem>>, vector<1x64x256xf32>,
    %slice3A_192 = vector.extract_strided_slice %transpose3A_178 {offsets = [64, 0], sizes = [64, 256], strides = [1, 1]} : vector<128x256xf32> to vector<64x256xf32>
    %get3A_193 = arith.constant 0 : index
    %get3A_194 = arith.constant 0 : index
    %get3A_195 = arith.constant 3328 : index
    %get3A_196 = vector.load %arg3[%get3A_193, %get3A_194, %get3A_195] : memref<1x64x8192xf32, #tpu.memory_space<vmem>>, vector<1x64x256xf32>
    %get3A_197 = vector.shape_cast %get3A_196 : vector<1x64x256xf32> to vector<64x256xf32>
    %add3A_198 = arith.addf %slice3A_192, %get3A_197 : vector<64x256xf32>
    %swap3A_199 = arith.constant 0 : index
    %swap3A_200 = arith.constant 0 : index
    %swap3A_201 = arith.constant 3328 : index
    %swap3A_202 = vector.load %arg4[%swap3A_199, %swap3A_200, %swap3A_201] : memref<1x64x8192xf32, #tpu.memory_space<vmem>>, vector<1x64x256xf32>
    %swap3A_203 = vector.shape_cast %swap3A_202 : vector<1x64x256xf32> to vector<64x256xf32>
    %swap3A_204 = vector.shape_cast %add3A_198 : vector<64x256xf32> to vector<1x64x256xf32>
    tpu.vector_store %arg4[%swap3A_199, %swap3A_200, %swap3A_201], %swap3A_204 {strides = array<i32>} : memref<1x64x8192xf32, #tpu.memory_space<vmem>>, vector<1x64x256xf32>,
    %get3A_205 = arith.constant 1792 : index
    %get3A_206 = arith.constant 0 : index
    %get3A_207 = vector.load %arg2[%get3A_205, %get3A_206] : memref<4096x128xf32, #tpu.memory_space<vmem>>, vector<256x128xf32>
    %transpose3A_208 = tpu.transpose %get3A_207, [1, 0] : vector<256x128xf32> -> vector<128x256xf32>
    %slice3A_209 = vector.extract_strided_slice %transpose3A_208 {offsets = [0, 0], sizes = [64, 256], strides = [1, 1]} : vector<128x256xf32> to vector<64x256xf32>
    %get3A_210 = arith.constant 0 : index
    %get3A_211 = arith.constant 0 : index
    %get3A_212 = arith.constant 3584 : index
    %get3A_213 = vector.load %arg3[%get3A_210, %get3A_211, %get3A_212] : memref<1x64x8192xf32, #tpu.memory_space<vmem>>, vector<1x64x256xf32>
    %get3A_214 = vector.shape_cast %get3A_213 : vector<1x64x256xf32> to vector<64x256xf32>
    %add3A_215 = arith.addf %slice3A_209, %get3A_214 : vector<64x256xf32>
    %swap3A_216 = arith.constant 0 : index
    %swap3A_217 = arith.constant 0 : index
    %swap3A_218 = arith.constant 3584 : index
    %swap3A_219 = vector.load %arg4[%swap3A_216, %swap3A_217, %swap3A_218] : memref<1x64x8192xf32, #tpu.memory_space<vmem>>, vector<1x64x256xf32>
    %swap3A_220 = vector.shape_cast %swap3A_219 : vector<1x64x256xf32> to vector<64x256xf32>
    %swap3A_221 = vector.shape_cast %add3A_215 : vector<64x256xf32> to vector<1x64x256xf32>
    tpu.vector_store %arg4[%swap3A_216, %swap3A_217, %swap3A_218], %swap3A_221 {strides = array<i32>} : memref<1x64x8192xf32, #tpu.memory_space<vmem>>, vector<1x64x256xf32>,
    %slice3A_222 = vector.extract_strided_slice %transpose3A_208 {offsets = [64, 0], sizes = [64, 256], strides = [1, 1]} : vector<128x256xf32> to vector<64x256xf32>
    %get3A_223 = arith.constant 0 : index
    %get3A_224 = arith.constant 0 : index
    %get3A_225 = arith.constant 3840 : index
    %get3A_226 = vector.load %arg3[%get3A_223, %get3A_224, %get3A_225] : memref<1x64x8192xf32, #tpu.memory_space<vmem>>, vector<1x64x256xf32>
    %get3A_227 = vector.shape_cast %get3A_226 : vector<1x64x256xf32> to vector<64x256xf32>
    %add3A_228 = arith.addf %slice3A_222, %get3A_227 : vector<64x256xf32>
    %swap3A_229 = arith.constant 0 : index
    %swap3A_230 = arith.constant 0 : index
    %swap3A_231 = arith.constant 3840 : index
    %swap3A_232 = vector.load %arg4[%swap3A_229, %swap3A_230, %swap3A_231] : memref<1x64x8192xf32, #tpu.memory_space<vmem>>, vector<1x64x256xf32>
    %swap3A_233 = vector.shape_cast %swap3A_232 : vector<1x64x256xf32> to vector<64x256xf32>
    %swap3A_234 = vector.shape_cast %add3A_228 : vector<64x256xf32> to vector<1x64x256xf32>
    tpu.vector_store %arg4[%swap3A_229, %swap3A_230, %swap3A_231], %swap3A_234 {strides = array<i32>} : memref<1x64x8192xf32, #tpu.memory_space<vmem>>, vector<1x64x256xf32>,
    %get3A_235 = arith.constant 2048 : index
    %get3A_236 = arith.constant 0 : index
    %get3A_237 = vector.load %arg2[%get3A_235, %get3A_236] : memref<4096x128xf32, #tpu.memory_space<vmem>>, vector<256x128xf32>
    %transpose3A_238 = tpu.transpose %get3A_237, [1, 0] : vector<256x128xf32> -> vector<128x256xf32>
    %slice3A_239 = vector.extract_strided_slice %transpose3A_238 {offsets = [0, 0], sizes = [64, 256], strides = [1, 1]} : vector<128x256xf32> to vector<64x256xf32>
    %get3A_240 = arith.constant 0 : index
    %get3A_241 = arith.constant 0 : index
    %get3A_242 = arith.constant 4096 : index
    %get3A_243 = vector.load %arg3[%get3A_240, %get3A_241, %get3A_242] : memref<1x64x8192xf32, #tpu.memory_space<vmem>>, vector<1x64x256xf32>
    %get3A_244 = vector.shape_cast %get3A_243 : vector<1x64x256xf32> to vector<64x256xf32>
    %add3A_245 = arith.addf %slice3A_239, %get3A_244 : vector<64x256xf32>
    %swap3A_246 = arith.constant 0 : index
    %swap3A_247 = arith.constant 0 : index
    %swap3A_248 = arith.constant 4096 : index
    %swap3A_249 = vector.load %arg4[%swap3A_246, %swap3A_247, %swap3A_248] : memref<1x64x8192xf32, #tpu.memory_space<vmem>>, vector<1x64x256xf32>
    %swap3A_250 = vector.shape_cast %swap3A_249 : vector<1x64x256xf32> to vector<64x256xf32>
    %swap3A_251 = vector.shape_cast %add3A_245 : vector<64x256xf32> to vector<1x64x256xf32>
    tpu.vector_store %arg4[%swap3A_246, %swap3A_247, %swap3A_248], %swap3A_251 {strides = array<i32>} : memref<1x64x8192xf32, #tpu.memory_space<vmem>>, vector<1x64x256xf32>,
    %slice3A_252 = vector.extract_strided_slice %transpose3A_238 {offsets = [64, 0], sizes = [64, 256], strides = [1, 1]} : vector<128x256xf32> to vector<64x256xf32>
    %get3A_253 = arith.constant 0 : index
    %get3A_254 = arith.constant 0 : index
    %get3A_255 = arith.constant 4352 : index
    %get3A_256 = vector.load %arg3[%get3A_253, %get3A_254, %get3A_255] : memref<1x64x8192xf32, #tpu.memory_space<vmem>>, vector<1x64x256xf32>
    %get3A_257 = vector.shape_cast %get3A_256 : vector<1x64x256xf32> to vector<64x256xf32>
    %add3A_258 = arith.addf %slice3A_252, %get3A_257 : vector<64x256xf32>
    %swap3A_259 = arith.constant 0 : index
    %swap3A_260 = arith.constant 0 : index
    %swap3A_261 = arith.constant 4352 : index
    %swap3A_262 = vector.load %arg4[%swap3A_259, %swap3A_260, %swap3A_261] : memref<1x64x8192xf32, #tpu.memory_space<vmem>>, vector<1x64x256xf32>
    %swap3A_263 = vector.shape_cast %swap3A_262 : vector<1x64x256xf32> to vector<64x256xf32>
    %swap3A_264 = vector.shape_cast %add3A_258 : vector<64x256xf32> to vector<1x64x256xf32>
    tpu.vector_store %arg4[%swap3A_259, %swap3A_260, %swap3A_261], %swap3A_264 {strides = array<i32>} : memref<1x64x8192xf32, #tpu.memory_space<vmem>>, vector<1x64x256xf32>,
    %get3A_265 = arith.constant 2304 : index
    %get3A_266 = arith.constant 0 : index
    %get3A_267 = vector.load %arg2[%get3A_265, %get3A_266] : memref<4096x128xf32, #tpu.memory_space<vmem>>, vector<256x128xf32>
    %transpose3A_268 = tpu.transpose %get3A_267, [1, 0] : vector<256x128xf32> -> vector<128x256xf32>
    %slice3A_269 = vector.extract_strided_slice %transpose3A_268 {offsets = [0, 0], sizes = [64, 256], strides = [1, 1]} : vector<128x256xf32> to vector<64x256xf32>
    %get3A_270 = arith.constant 0 : index
    %get3A_271 = arith.constant 0 : index
    %get3A_272 = arith.constant 4608 : index
    %get3A_273 = vector.load %arg3[%get3A_270, %get3A_271, %get3A_272] : memref<1x64x8192xf32, #tpu.memory_space<vmem>>, vector<1x64x256xf32>
    %get3A_274 = vector.shape_cast %get3A_273 : vector<1x64x256xf32> to vector<64x256xf32>
    %add3A_275 = arith.addf %slice3A_269, %get3A_274 : vector<64x256xf32>
    %swap3A_276 = arith.constant 0 : index
    %swap3A_277 = arith.constant 0 : index
    %swap3A_278 = arith.constant 4608 : index
    %swap3A_279 = vector.load %arg4[%swap3A_276, %swap3A_277, %swap3A_278] : memref<1x64x8192xf32, #tpu.memory_space<vmem>>, vector<1x64x256xf32>
    %swap3A_280 = vector.shape_cast %swap3A_279 : vector<1x64x256xf32> to vector<64x256xf32>
    %swap3A_281 = vector.shape_cast %add3A_275 : vector<64x256xf32> to vector<1x64x256xf32>
    tpu.vector_store %arg4[%swap3A_276, %swap3A_277, %swap3A_278], %swap3A_281 {strides = array<i32>} : memref<1x64x8192xf32, #tpu.memory_space<vmem>>, vector<1x64x256xf32>,
    %slice3A_282 = vector.extract_strided_slice %transpose3A_268 {offsets = [64, 0], sizes = [64, 256], strides = [1, 1]} : vector<128x256xf32> to vector<64x256xf32>
    %get3A_283 = arith.constant 0 : index
    %get3A_284 = arith.constant 0 : index
    %get3A_285 = arith.constant 4864 : index
    %get3A_286 = vector.load %arg3[%get3A_283, %get3A_284, %get3A_285] : memref<1x64x8192xf32, #tpu.memory_space<vmem>>, vector<1x64x256xf32>
    %get3A_287 = vector.shape_cast %get3A_286 : vector<1x64x256xf32> to vector<64x256xf32>
    %add3A_288 = arith.addf %slice3A_282, %get3A_287 : vector<64x256xf32>
    %swap3A_289 = arith.constant 0 : index
    %swap3A_290 = arith.constant 0 : index
    %swap3A_291 = arith.constant 4864 : index
    %swap3A_292 = vector.load %arg4[%swap3A_289, %swap3A_290, %swap3A_291] : memref<1x64x8192xf32, #tpu.memory_space<vmem>>, vector<1x64x256xf32>
    %swap3A_293 = vector.shape_cast %swap3A_292 : vector<1x64x256xf32> to vector<64x256xf32>
    %swap3A_294 = vector.shape_cast %add3A_288 : vector<64x256xf32> to vector<1x64x256xf32>
    tpu.vector_store %arg4[%swap3A_289, %swap3A_290, %swap3A_291], %swap3A_294 {strides = array<i32>} : memref<1x64x8192xf32, #tpu.memory_space<vmem>>, vector<1x64x256xf32>,
    %get3A_295 = arith.constant 2560 : index
    %get3A_296 = arith.constant 0 : index
    %get3A_297 = vector.load %arg2[%get3A_295, %get3A_296] : memref<4096x128xf32, #tpu.memory_space<vmem>>, vector<256x128xf32>
    %transpose3A_298 = tpu.transpose %get3A_297, [1, 0] : vector<256x128xf32> -> vector<128x256xf32>
    %slice3A_299 = vector.extract_strided_slice %transpose3A_298 {offsets = [0, 0], sizes = [64, 256], strides = [1, 1]} : vector<128x256xf32> to vector<64x256xf32>
    %get3A_300 = arith.constant 0 : index
    %get3A_301 = arith.constant 0 : index
    %get3A_302 = arith.constant 5120 : index
    %get3A_303 = vector.load %arg3[%get3A_300, %get3A_301, %get3A_302] : memref<1x64x8192xf32, #tpu.memory_space<vmem>>, vector<1x64x256xf32>
    %get3A_304 = vector.shape_cast %get3A_303 : vector<1x64x256xf32> to vector<64x256xf32>
    %add3A_305 = arith.addf %slice3A_299, %get3A_304 : vector<64x256xf32>
    %swap3A_306 = arith.constant 0 : index
    %swap3A_307 = arith.constant 0 : index
    %swap3A_308 = arith.constant 5120 : index
    %swap3A_309 = vector.load %arg4[%swap3A_306, %swap3A_307, %swap3A_308] : memref<1x64x8192xf32, #tpu.memory_space<vmem>>, vector<1x64x256xf32>
    %swap3A_310 = vector.shape_cast %swap3A_309 : vector<1x64x256xf32> to vector<64x256xf32>
    %swap3A_311 = vector.shape_cast %add3A_305 : vector<64x256xf32> to vector<1x64x256xf32>
    tpu.vector_store %arg4[%swap3A_306, %swap3A_307, %swap3A_308], %swap3A_311 {strides = array<i32>} : memref<1x64x8192xf32, #tpu.memory_space<vmem>>, vector<1x64x256xf32>,
    %slice3A_312 = vector.extract_strided_slice %transpose3A_298 {offsets = [64, 0], sizes = [64, 256], strides = [1, 1]} : vector<128x256xf32> to vector<64x256xf32>
    %get3A_313 = arith.constant 0 : index
    %get3A_314 = arith.constant 0 : index
    %get3A_315 = arith.constant 5376 : index
    %get3A_316 = vector.load %arg3[%get3A_313, %get3A_314, %get3A_315] : memref<1x64x8192xf32, #tpu.memory_space<vmem>>, vector<1x64x256xf32>
    %get3A_317 = vector.shape_cast %get3A_316 : vector<1x64x256xf32> to vector<64x256xf32>
    %add3A_318 = arith.addf %slice3A_312, %get3A_317 : vector<64x256xf32>
    %swap3A_319 = arith.constant 0 : index
    %swap3A_320 = arith.constant 0 : index
    %swap3A_321 = arith.constant 5376 : index
    %swap3A_322 = vector.load %arg4[%swap3A_319, %swap3A_320, %swap3A_321] : memref<1x64x8192xf32, #tpu.memory_space<vmem>>, vector<1x64x256xf32>
    %swap3A_323 = vector.shape_cast %swap3A_322 : vector<1x64x256xf32> to vector<64x256xf32>
    %swap3A_324 = vector.shape_cast %add3A_318 : vector<64x256xf32> to vector<1x64x256xf32>
    tpu.vector_store %arg4[%swap3A_319, %swap3A_320, %swap3A_321], %swap3A_324 {strides = array<i32>} : memref<1x64x8192xf32, #tpu.memory_space<vmem>>, vector<1x64x256xf32>,
    %get3A_325 = arith.constant 2816 : index
    %get3A_326 = arith.constant 0 : index
    %get3A_327 = vector.load %arg2[%get3A_325, %get3A_326] : memref<4096x128xf32, #tpu.memory_space<vmem>>, vector<256x128xf32>
    %transpose3A_328 = tpu.transpose %get3A_327, [1, 0] : vector<256x128xf32> -> vector<128x256xf32>
    %slice3A_329 = vector.extract_strided_slice %transpose3A_328 {offsets = [0, 0], sizes = [64, 256], strides = [1, 1]} : vector<128x256xf32> to vector<64x256xf32>
    %get3A_330 = arith.constant 0 : index
    %get3A_331 = arith.constant 0 : index
    %get3A_332 = arith.constant 5632 : index
    %get3A_333 = vector.load %arg3[%get3A_330, %get3A_331, %get3A_332] : memref<1x64x8192xf32, #tpu.memory_space<vmem>>, vector<1x64x256xf32>
    %get3A_334 = vector.shape_cast %get3A_333 : vector<1x64x256xf32> to vector<64x256xf32>
    %add3A_335 = arith.addf %slice3A_329, %get3A_334 : vector<64x256xf32>
    %swap3A_336 = arith.constant 0 : index
    %swap3A_337 = arith.constant 0 : index
    %swap3A_338 = arith.constant 5632 : index
    %swap3A_339 = vector.load %arg4[%swap3A_336, %swap3A_337, %swap3A_338] : memref<1x64x8192xf32, #tpu.memory_space<vmem>>, vector<1x64x256xf32>
    %swap3A_340 = vector.shape_cast %swap3A_339 : vector<1x64x256xf32> to vector<64x256xf32>
    %swap3A_341 = vector.shape_cast %add3A_335 : vector<64x256xf32> to vector<1x64x256xf32>
    tpu.vector_store %arg4[%swap3A_336, %swap3A_337, %swap3A_338], %swap3A_341 {strides = array<i32>} : memref<1x64x8192xf32, #tpu.memory_space<vmem>>, vector<1x64x256xf32>,
    %slice3A_342 = vector.extract_strided_slice %transpose3A_328 {offsets = [64, 0], sizes = [64, 256], strides = [1, 1]} : vector<128x256xf32> to vector<64x256xf32>
    %get3A_343 = arith.constant 0 : index
    %get3A_344 = arith.constant 0 : index
    %get3A_345 = arith.constant 5888 : index
    %get3A_346 = vector.load %arg3[%get3A_343, %get3A_344, %get3A_345] : memref<1x64x8192xf32, #tpu.memory_space<vmem>>, vector<1x64x256xf32>
    %get3A_347 = vector.shape_cast %get3A_346 : vector<1x64x256xf32> to vector<64x256xf32>
    %add3A_348 = arith.addf %slice3A_342, %get3A_347 : vector<64x256xf32>
    %swap3A_349 = arith.constant 0 : index
    %swap3A_350 = arith.constant 0 : index
    %swap3A_351 = arith.constant 5888 : index
    %swap3A_352 = vector.load %arg4[%swap3A_349, %swap3A_350, %swap3A_351] : memref<1x64x8192xf32, #tpu.memory_space<vmem>>, vector<1x64x256xf32>
    %swap3A_353 = vector.shape_cast %swap3A_352 : vector<1x64x256xf32> to vector<64x256xf32>
    %swap3A_354 = vector.shape_cast %add3A_348 : vector<64x256xf32> to vector<1x64x256xf32>
    tpu.vector_store %arg4[%swap3A_349, %swap3A_350, %swap3A_351], %swap3A_354 {strides = array<i32>} : memref<1x64x8192xf32, #tpu.memory_space<vmem>>, vector<1x64x256xf32>,
    %get3A_355 = arith.constant 3072 : index
    %get3A_356 = arith.constant 0 : index
    %get3A_357 = vector.load %arg2[%get3A_355, %get3A_356] : memref<4096x128xf32, #tpu.memory_space<vmem>>, vector<256x128xf32>
    %transpose3A_358 = tpu.transpose %get3A_357, [1, 0] : vector<256x128xf32> -> vector<128x256xf32>
    %slice3A_359 = vector.extract_strided_slice %transpose3A_358 {offsets = [0, 0], sizes = [64, 256], strides = [1, 1]} : vector<128x256xf32> to vector<64x256xf32>
    %get3A_360 = arith.constant 0 : index
    %get3A_361 = arith.constant 0 : index
    %get3A_362 = arith.constant 6144 : index
    %get3A_363 = vector.load %arg3[%get3A_360, %get3A_361, %get3A_362] : memref<1x64x8192xf32, #tpu.memory_space<vmem>>, vector<1x64x256xf32>
    %get3A_364 = vector.shape_cast %get3A_363 : vector<1x64x256xf32> to vector<64x256xf32>
    %add3A_365 = arith.addf %slice3A_359, %get3A_364 : vector<64x256xf32>
    %swap3A_366 = arith.constant 0 : index
    %swap3A_367 = arith.constant 0 : index
    %swap3A_368 = arith.constant 6144 : index
    %swap3A_369 = vector.load %arg4[%swap3A_366, %swap3A_367, %swap3A_368] : memref<1x64x8192xf32, #tpu.memory_space<vmem>>, vector<1x64x256xf32>
    %swap3A_370 = vector.shape_cast %swap3A_369 : vector<1x64x256xf32> to vector<64x256xf32>
    %swap3A_371 = vector.shape_cast %add3A_365 : vector<64x256xf32> to vector<1x64x256xf32>
    tpu.vector_store %arg4[%swap3A_366, %swap3A_367, %swap3A_368], %swap3A_371 {strides = array<i32>} : memref<1x64x8192xf32, #tpu.memory_space<vmem>>, vector<1x64x256xf32>,
    %slice3A_372 = vector.extract_strided_slice %transpose3A_358 {offsets = [64, 0], sizes = [64, 256], strides = [1, 1]} : vector<128x256xf32> to vector<64x256xf32>
    %get3A_373 = arith.constant 0 : index
    %get3A_374 = arith.constant 0 : index
    %get3A_375 = arith.constant 6400 : index
    %get3A_376 = vector.load %arg3[%get3A_373, %get3A_374, %get3A_375] : memref<1x64x8192xf32, #tpu.memory_space<vmem>>, vector<1x64x256xf32>
    %get3A_377 = vector.shape_cast %get3A_376 : vector<1x64x256xf32> to vector<64x256xf32>
    %add3A_378 = arith.addf %slice3A_372, %get3A_377 : vector<64x256xf32>
    %swap3A_379 = arith.constant 0 : index
    %swap3A_380 = arith.constant 0 : index
    %swap3A_381 = arith.constant 6400 : index
    %swap3A_382 = vector.load %arg4[%swap3A_379, %swap3A_380, %swap3A_381] : memref<1x64x8192xf32, #tpu.memory_space<vmem>>, vector<1x64x256xf32>
    %swap3A_383 = vector.shape_cast %swap3A_382 : vector<1x64x256xf32> to vector<64x256xf32>
    %swap3A_384 = vector.shape_cast %add3A_378 : vector<64x256xf32> to vector<1x64x256xf32>
    tpu.vector_store %arg4[%swap3A_379, %swap3A_380, %swap3A_381], %swap3A_384 {strides = array<i32>} : memref<1x64x8192xf32, #tpu.memory_space<vmem>>, vector<1x64x256xf32>,
    %get3A_385 = arith.constant 3328 : index
    %get3A_386 = arith.constant 0 : index
    %get3A_387 = vector.load %arg2[%get3A_385, %get3A_386] : memref<4096x128xf32, #tpu.memory_space<vmem>>, vector<256x128xf32>
    %transpose3A_388 = tpu.transpose %get3A_387, [1, 0] : vector<256x128xf32> -> vector<128x256xf32>
    %slice3A_389 = vector.extract_strided_slice %transpose3A_388 {offsets = [0, 0], sizes = [64, 256], strides = [1, 1]} : vector<128x256xf32> to vector<64x256xf32>
    %get3A_390 = arith.constant 0 : index
    %get3A_391 = arith.constant 0 : index
    %get3A_392 = arith.constant 6656 : index
    %get3A_393 = vector.load %arg3[%get3A_390, %get3A_391, %get3A_392] : memref<1x64x8192xf32, #tpu.memory_space<vmem>>, vector<1x64x256xf32>
    %get3A_394 = vector.shape_cast %get3A_393 : vector<1x64x256xf32> to vector<64x256xf32>
    %add3A_395 = arith.addf %slice3A_389, %get3A_394 : vector<64x256xf32>
    %swap3A_396 = arith.constant 0 : index
    %swap3A_397 = arith.constant 0 : index
    %swap3A_398 = arith.constant 6656 : index
    %swap3A_399 = vector.load %arg4[%swap3A_396, %swap3A_397, %swap3A_398] : memref<1x64x8192xf32, #tpu.memory_space<vmem>>, vector<1x64x256xf32>
    %swap3A_400 = vector.shape_cast %swap3A_399 : vector<1x64x256xf32> to vector<64x256xf32>
    %swap3A_401 = vector.shape_cast %add3A_395 : vector<64x256xf32> to vector<1x64x256xf32>
    tpu.vector_store %arg4[%swap3A_396, %swap3A_397, %swap3A_398], %swap3A_401 {strides = array<i32>} : memref<1x64x8192xf32, #tpu.memory_space<vmem>>, vector<1x64x256xf32>,
    %slice3A_402 = vector.extract_strided_slice %transpose3A_388 {offsets = [64, 0], sizes = [64, 256], strides = [1, 1]} : vector<128x256xf32> to vector<64x256xf32>
    %get3A_403 = arith.constant 0 : index
    %get3A_404 = arith.constant 0 : index
    %get3A_405 = arith.constant 6912 : index
    %get3A_406 = vector.load %arg3[%get3A_403, %get3A_404, %get3A_405] : memref<1x64x8192xf32, #tpu.memory_space<vmem>>, vector<1x64x256xf32>
    %get3A_407 = vector.shape_cast %get3A_406 : vector<1x64x256xf32> to vector<64x256xf32>
    %add3A_408 = arith.addf %slice3A_402, %get3A_407 : vector<64x256xf32>
    %swap3A_409 = arith.constant 0 : index
    %swap3A_410 = arith.constant 0 : index
    %swap3A_411 = arith.constant 6912 : index
    %swap3A_412 = vector.load %arg4[%swap3A_409, %swap3A_410, %swap3A_411] : memref<1x64x8192xf32, #tpu.memory_space<vmem>>, vector<1x64x256xf32>
    %swap3A_413 = vector.shape_cast %swap3A_412 : vector<1x64x256xf32> to vector<64x256xf32>
    %swap3A_414 = vector.shape_cast %add3A_408 : vector<64x256xf32> to vector<1x64x256xf32>
    tpu.vector_store %arg4[%swap3A_409, %swap3A_410, %swap3A_411], %swap3A_414 {strides = array<i32>} : memref<1x64x8192xf32, #tpu.memory_space<vmem>>, vector<1x64x256xf32>,
    %get3A_415 = arith.constant 3584 : index
    %get3A_416 = arith.constant 0 : index
    %get3A_417 = vector.load %arg2[%get3A_415, %get3A_416] : memref<4096x128xf32, #tpu.memory_space<vmem>>, vector<256x128xf32>
    %transpose3A_418 = tpu.transpose %get3A_417, [1, 0] : vector<256x128xf32> -> vector<128x256xf32>
    %slice3A_419 = vector.extract_strided_slice %transpose3A_418 {offsets = [0, 0], sizes = [64, 256], strides = [1, 1]} : vector<128x256xf32> to vector<64x256xf32>
    %get3A_420 = arith.constant 0 : index
    %get3A_421 = arith.constant 0 : index
    %get3A_422 = arith.constant 7168 : index
    %get3A_423 = vector.load %arg3[%get3A_420, %get3A_421, %get3A_422] : memref<1x64x8192xf32, #tpu.memory_space<vmem>>, vector<1x64x256xf32>
    %get3A_424 = vector.shape_cast %get3A_423 : vector<1x64x256xf32> to vector<64x256xf32>
    %add3A_425 = arith.addf %slice3A_419, %get3A_424 : vector<64x256xf32>
    %swap3A_426 = arith.constant 0 : index
    %swap3A_427 = arith.constant 0 : index
    %swap3A_428 = arith.constant 7168 : index
    %swap3A_429 = vector.load %arg4[%swap3A_426, %swap3A_427, %swap3A_428] : memref<1x64x8192xf32, #tpu.memory_space<vmem>>, vector<1x64x256xf32>
    %swap3A_430 = vector.shape_cast %swap3A_429 : vector<1x64x256xf32> to vector<64x256xf32>
    %swap3A_431 = vector.shape_cast %add3A_425 : vector<64x256xf32> to vector<1x64x256xf32>
    tpu.vector_store %arg4[%swap3A_426, %swap3A_427, %swap3A_428], %swap3A_431 {strides = array<i32>} : memref<1x64x8192xf32, #tpu.memory_space<vmem>>, vector<1x64x256xf32>,
    %slice3A_432 = vector.extract_strided_slice %transpose3A_418 {offsets = [64, 0], sizes = [64, 256], strides = [1, 1]} : vector<128x256xf32> to vector<64x256xf32>
    %get3A_433 = arith.constant 0 : index
    %get3A_434 = arith.constant 0 : index
    %get3A_435 = arith.constant 7424 : index
    %get3A_436 = vector.load %arg3[%get3A_433, %get3A_434, %get3A_435] : memref<1x64x8192xf32, #tpu.memory_space<vmem>>, vector<1x64x256xf32>
    %get3A_437 = vector.shape_cast %get3A_436 : vector<1x64x256xf32> to vector<64x256xf32>
    %add3A_438 = arith.addf %slice3A_432, %get3A_437 : vector<64x256xf32>
    %swap3A_439 = arith.constant 0 : index
    %swap3A_440 = arith.constant 0 : index
    %swap3A_441 = arith.constant 7424 : index
    %swap3A_442 = vector.load %arg4[%swap3A_439, %swap3A_440, %swap3A_441] : memref<1x64x8192xf32, #tpu.memory_space<vmem>>, vector<1x64x256xf32>
    %swap3A_443 = vector.shape_cast %swap3A_442 : vector<1x64x256xf32> to vector<64x256xf32>
    %swap3A_444 = vector.shape_cast %add3A_438 : vector<64x256xf32> to vector<1x64x256xf32>
    tpu.vector_store %arg4[%swap3A_439, %swap3A_440, %swap3A_441], %swap3A_444 {strides = array<i32>} : memref<1x64x8192xf32, #tpu.memory_space<vmem>>, vector<1x64x256xf32>,
    %get3A_445 = arith.constant 3840 : index
    %get3A_446 = arith.constant 0 : index
    %get3A_447 = vector.load %arg2[%get3A_445, %get3A_446] : memref<4096x128xf32, #tpu.memory_space<vmem>>, vector<256x128xf32>
    %transpose3A_448 = tpu.transpose %get3A_447, [1, 0] : vector<256x128xf32> -> vector<128x256xf32>
    %slice3A_449 = vector.extract_strided_slice %transpose3A_448 {offsets = [0, 0], sizes = [64, 256], strides = [1, 1]} : vector<128x256xf32> to vector<64x256xf32>
    %get3A_450 = arith.constant 0 : index
    %get3A_451 = arith.constant 0 : index
    %get3A_452 = arith.constant 7680 : index
    %get3A_453 = vector.load %arg3[%get3A_450, %get3A_451, %get3A_452] : memref<1x64x8192xf32, #tpu.memory_space<vmem>>, vector<1x64x256xf32>
    %get3A_454 = vector.shape_cast %get3A_453 : vector<1x64x256xf32> to vector<64x256xf32>
    %add3A_455 = arith.addf %slice3A_449, %get3A_454 : vector<64x256xf32>
    %swap3A_456 = arith.constant 0 : index
    %swap3A_457 = arith.constant 0 : index
    %swap3A_458 = arith.constant 7680 : index
    %swap3A_459 = vector.load %arg4[%swap3A_456, %swap3A_457, %swap3A_458] : memref<1x64x8192xf32, #tpu.memory_space<vmem>>, vector<1x64x256xf32>
    %swap3A_460 = vector.shape_cast %swap3A_459 : vector<1x64x256xf32> to vector<64x256xf32>
    %swap3A_461 = vector.shape_cast %add3A_455 : vector<64x256xf32> to vector<1x64x256xf32>
    tpu.vector_store %arg4[%swap3A_456, %swap3A_457, %swap3A_458], %swap3A_461 {strides = array<i32>} : memref<1x64x8192xf32, #tpu.memory_space<vmem>>, vector<1x64x256xf32>,
    %slice3A_462 = vector.extract_strided_slice %transpose3A_448 {offsets = [64, 0], sizes = [64, 256], strides = [1, 1]} : vector<128x256xf32> to vector<64x256xf32>
    %get3A_463 = arith.constant 0 : index
    %get3A_464 = arith.constant 0 : index
    %get3A_465 = arith.constant 7936 : index
    %get3A_466 = vector.load %arg3[%get3A_463, %get3A_464, %get3A_465] : memref<1x64x8192xf32, #tpu.memory_space<vmem>>, vector<1x64x256xf32>
    %get3A_467 = vector.shape_cast %get3A_466 : vector<1x64x256xf32> to vector<64x256xf32>
    %add3A_468 = arith.addf %slice3A_462, %get3A_467 : vector<64x256xf32>
    %swap3A_469 = arith.constant 0 : index
    %swap3A_470 = arith.constant 0 : index
    %swap3A_471 = arith.constant 7936 : index
    %swap3A_472 = vector.load %arg4[%swap3A_469, %swap3A_470, %swap3A_471] : memref<1x64x8192xf32, #tpu.memory_space<vmem>>, vector<1x64x256xf32>
    %swap3A_473 = vector.shape_cast %swap3A_472 : vector<1x64x256xf32> to vector<64x256xf32>
    %swap3A_474 = vector.shape_cast %add3A_468 : vector<64x256xf32> to vector<1x64x256xf32>
    tpu.vector_store %arg4[%swap3A_469, %swap3A_470, %swap3A_471], %swap3A_474 {strides = array<i32>} : memref<1x64x8192xf32, #tpu.memory_space<vmem>>, vector<1x64x256xf32>,
    return
  }
  func.func @transform_0(%arg0: i32, %arg1: i32) -> (i32, i32) {
    %mul3A = arith.constant 2 : i32
    %mul3A_0 = arith.muli %arg0, %mul3A : i32
    %add3A = arith.addi %mul3A_0, %arg1 : i32
    %c0_i32 = arith.constant 0 : i32
    %c0_i32_1 = arith.constant 0 : i32
    return %add3A, %c0_i32 : i32, i32
  }
  func.func @transform_1(%arg0: i32, %arg1: i32) -> (i32, i32, i32) {
    %c0_i32 = arith.constant 0 : i32
    %c0_i32_0 = arith.constant 0 : i32
    return %arg0, %c0_i32, %arg1 : i32, i32, i32
  }
  func.func @transform_2(%arg0: i32, %arg1: i32) -> (i32, i32, i32) {
    %c0_i32 = arith.constant 0 : i32
    %c0_i32_0 = arith.constant 0 : i32
    return %arg0, %c0_i32, %arg1 : i32, i32, i32
  }
}

</mosaic_0001>

<sc_bundles>
// kernel: kernel.4.cloned.1.call-start
scs
__scs_entry_jumppad:
0x0: {  	(pc) =	sbr.rel $0x88, $3  }
0x1: {  	(tag) =	ssettag $0x0;
	lr =	simm.s32 $0x1  }
0x2: {  	[smem:$0x3F9E] =	sst lr;
	_ =	strace $0xD0000000  }
0x3: {  	_ = 	snop  }
0x4: {  	_ = 	snop  }
0x5: {  	_ = 	snop  }
0x6: {  	_ = 	snop  }
0x7: {  	_ = 	snop  }
__scs_overlays_trampoline_lowered:
0x8: {  	[smem:$0x3FAD] =	sst s0  }
0x9: {  	[smem:$0x3FAE] =	sst s1  }
0xa: {  	[smem:$0x3FAF] =	sst s2  }
0xb: {  	[smem:$0x3FB0] =	sst s3  }
0xc: {  	[smem:$0x3FB1] =	sst s4  }
0xd: {  	[smem:$0x3FB2] =	sst s5  }
0xe: {  	[smem:$0x3FB3] =	sst s6  }
0xf: {  	[smem:$0x3FB4] =	sst s7  }
0x10: {  	[smem:$0x3FB5] =	sst s8  }
0x11: {  	[smem:$0x3FB6] =	sst s9;
	s0 =	simm.s32 @!p0 $0x0  }
0x12: {  	s1 =	sld [smem:$0x3F9C];
	s0 =	simm.s32 @p0 $0x1  }
0x13: {  	[smem:$0x3FB7] =	sst s0;
	s0 =	simm.s32 @!p1 $0x0  }
0x14: {  	s2 =	sld [smem:$0x3F9B];
	s0 =	simm.s32 @p1 $0x1  }
0x15: {  	[smem:$0x3FB8] =	sst s0;
	s0 =	simm.s32 @!p2 $0x0  }
0x16: {  	s3 =	sld [smem:$0x3FDB];
	s0 =	simm.s32 @p2 $0x1  }
0x17: {  	s4 =	simm.s32 $0x1BF5;
	[smem:$0x3FBA] =	sst s0  }
0x18: {  	s0 =	sld [smem:$0x3F9D];
	_ =	swait.ge [sflag:s4], $0x0  }
0x19: {  	s7 =	sld [smem:$0x3F9E]  }
0x1a: {  	s8 =	sadd.s32 $0xFFFFE003, lr  }
0x1b: {  	s9 =	sadd.s32 $0xFFFFFEF7, lr;
	s5 =	simm.s32 $0xFFFFFFFF;
	p2 =	slt.u32 s8, $0xFFFFF086  }
0x1c: {  	p1 =	slt.u32 s9, $0xF7A;
	s5 =	simm.s32 @!p2 $0x0  }
0x1d: {  	s5 =	simm.s32 @p1 $0x1;
	p0 =	seq.s32 s7, s2  }
0x1e: {  	s7 =	smul.u32 @!p0 $0xF7A, s2;
	p2 =	seq.s32 @!p0 s5, $0x0  }
0x1f: {  	s9 =	smul.u32 $0xF7A, s1;
	s8 =	simm.s32 @!p0 $0x1BF5;
	p2 =	por !p2, p0  }
0x20: {  	[sflag:s8] =	ssyncset.s32 @!p0 $0xFFFFF086;
	s6 =	sadd.s32 @!p0 s3, s7;
	s7 =	simm.s32 @!p0 $0x108  }
0x21: {  	s3 =	sadd.s32 s3, s9;
	s6 =	sadd.s32 @!p0 $0x88, s6;
	s7 =	simm.s32 @p2 $0x1082  }
0x22: {  	[simem:s7], [sflag:s8] =	dma.local @!p0 [hbm:s6], $0xF7A  }
0x23: {  	s9 =	sor.u32 $0xD0000000, s2;
	s6 =	simm.s32 $0x108;
	_ =	swait.ge @!p0 [sflag:s8], $0x0  }
0x24: {  	s3 =	sadd.s32 $0x88, s3;
	s6 =	simm.s32 @!p1 $0x1082;
	[sflag:s4] =	ssyncset.s32 $0xFFFFF086  }
0x25: {  	[simem:s6], [sflag:s4] =	dma.local [hbm:s3], $0xF7A  }
0x26: {  	[smem:$0x3F9E] =	sst s1;
	(tag) =	ssettag s2;
	_ =	strace s9  }
0x27: {  	s1 =	sld [smem:$0x3FAE]  }
0x28: {  	s2 =	sld [smem:$0x3FAF]  }
0x29: {  	s4 =	sld [smem:$0x3FB1]  }
0x2a: {  	p0 =	seq.s32 s5, $0x0;
	s5 =	sld [smem:$0x3FB2]  }
0x2b: {  	s6 =	sld [smem:$0x3FB3]  }
0x2c: {  	s7 =	sld [smem:$0x3FB4]  }
0x2d: {  	s3 =	simm.s32 $0x108;
	s8 =	sld [smem:$0x3FB5]  }
0x2e: {  	s3 =	simm.s32 @!p0 $0x1082;
	s9 =	sld [smem:$0x3FB6]  }
0x2f: {  	lr =	sadd.s32 s0, s3;
	s0 =	sld [smem:$0x3FAD]  }
0x30: {  	s3 =	sld [smem:$0x3FB0]  }
0x31: {  	[smem:$0x3FB9] =	sst s10  }
0x32: {  	s10 =	sld [smem:$0x3FB7];
	_ =	sdelay $0x3  }
0x33: {  	p0 =	seq.s32 s10, $0x1;
	s10 =	sld [smem:$0x3FB9];
	_ =	sdelay $0x3  }
0x34: {  	[smem:$0x3FB9] =	sst s10  }
0x35: {  	s10 =	sld [smem:$0x3FB8];
	_ =	sdelay $0x3  }
0x36: {  	p1 =	seq.s32 s10, $0x1;
	s10 =	sld [smem:$0x3FB9];
	_ =	sdelay $0x3  }
0x37: {  	[smem:$0x3FB9] =	sst s10  }
0x38: {  	s10 =	sld [smem:$0x3FBA]  }
0x39: {  	_ = 	snop;
	(pc) =	sbr.ind lr, $3  }
0x3a: {  	_ = 	snop  }
0x3b: {  	_ = 	snop  }
0x3c: {  	p2 =	seq.s32 s10, $0x1;
	s10 =	sld [smem:$0x3FB9]  }
0x3d: {  	_ =	shalt  }
0x3e: {  	_ =	shalt  }
0x3f: {  	_ =	shalt  }
0x40: {  	_ =	shalt  }
0x41: {  	_ =	shalt  }
0x42: {  	_ =	shalt  }
0x43: {  	_ =	shalt  }
0x44: {  	_ =	shalt  }
0x45: {  	_ =	shalt  }
0x46: {  	_ =	shalt  }
0x47: {  	_ =	shalt  }
0x48: {  	_ =	shalt  }
0x49: {  	_ =	shalt  }
0x4a: {  	_ =	shalt  }
0x4b: {  	_ =	shalt  }
0x4c: {  	_ =	shalt  }
0x4d: {  	_ =	shalt  }
0x4e: {  	_ =	shalt  }
0x4f: {  	_ =	shalt  }
0x50: {  	_ =	shalt  }
0x51: {  	_ =	shalt  }
0x52: {  	_ =	shalt  }
0x53: {  	_ =	shalt  }
0x54: {  	_ =	shalt  }
0x55: {  	_ =	shalt  }
0x56: {  	_ =	shalt  }
0x57: {  	_ =	shalt  }
0x58: {  	_ =	shalt  }
0x59: {  	_ =	shalt  }
0x5a: {  	_ =	shalt  }
0x5b: {  	_ =	shalt  }
0x5c: {  	_ =	shalt  }
0x5d: {  	_ =	shalt  }
0x5e: {  	_ =	shalt  }
0x5f: {  	_ =	shalt  }
0x60: {  	_ =	shalt  }
0x61: {  	_ =	shalt  }
0x62: {  	_ =	shalt  }
0x63: {  	_ =	shalt  }
0x64: {  	_ =	shalt  }
0x65: {  	_ =	shalt  }
0x66: {  	_ =	shalt  }
0x67: {  	_ =	shalt  }
0x68: {  	_ =	shalt  }
0x69: {  	_ =	shalt  }
0x6a: {  	_ =	shalt  }
0x6b: {  	_ =	shalt  }
0x6c: {  	_ =	shalt  }
0x6d: {  	_ =	shalt  }
0x6e: {  	_ =	shalt  }
0x6f: {  	_ =	shalt  }
0x70: {  	_ =	shalt  }
0x71: {  	_ =	shalt  }
0x72: {  	_ =	shalt  }
0x73: {  	_ =	shalt  }
0x74: {  	_ =	shalt  }
0x75: {  	_ =	shalt  }
0x76: {  	_ =	shalt  }
0x77: {  	_ =	shalt  }
0x78: {  	_ =	shalt  }
0x79: {  	_ =	shalt  }
0x7a: {  	_ =	shalt  }
0x7b: {  	_ =	shalt  }
0x7c: {  	_ =	shalt  }
0x7d: {  	_ =	shalt  }
0x7e: {  	_ =	shalt  }
0x7f: {  	_ =	shalt  }
0x80: {  	_ =	shalt  }
0x81: {  	_ =	shalt  }
0x82: {  	_ =	shalt  }
0x83: {  	_ =	shalt  }
0x84: {  	_ =	shalt  }
0x85: {  	_ =	shalt  }
0x86: {  	_ =	shalt  }
0x87: {  	_ =	shalt  }
.Lfunc_end0:
.L_simem_size_0:
called_computation_lowered:
.L_overlay_start_0:
0x88: {  	s2 =	sld [smem:$0x3FD9]  }
0x89: {  	s3 =	sld [smem:$0x3FFE];
	_ =	sdelay $0x1  }
0x8a: {  	s1 =	srdreg.scid  }
0x8b: {  	s0 =	sand.u32 $0x1, s1  }
0x8c: {  	s14 =	sshll.u32 s0, $0xA;
	s2 =	sadd.s32 s3, s2  }
0x8d: {  	s2 =	sadd.s32 s2, s14  }
0x8e: {  	[smem:$0x3FC5] =	sst s2  }
0x8f: {  	_ = 	snop  }
0x90: {  	s2 =	sld [smem:$0x3FD0];
	_ =	sdelay $0x2  }
0x91: {  	s15 =	simm.s32 $0xA;
	s4 =	simm.s32 $0x10  }
0x92: {  	[smem:s4], [sflag:s15] =	dma.local [hbm:s2], $0x1  }
0x93: {  	_ =	swait.eq [sflag:s15], $0x1  }
0x94: {  	[sflag:s15] =	ssyncset.done $0x0  }
0x95: {  	[sflag:s15] =	ssyncadd.s32 $0xFFFFFFFF  }
0x96: {  	s16 =	sld [smem:$0x10];
	(tm) =	ssettm $0x1  }
0x97: {  	s17 =	sld [smem:$0x3FFB];
	_ =	sdelay $0x3  }
0x98: {  	_ =	strace s17  }
0x99: {  	s3 =	sld [smem:$0x3FFC];
	_ =	sdelay $0x3  }
0x9a: {  	_ =	strace s3  }
0x9b: {  	s3 =	sld [smem:$0x3FFD];
	_ =	sdelay $0x3  }
0x9c: {  	_ =	strace s3  }
0x9d: {  	_ =	strace $0x8FFFFFFF  }
0x9e: {  	s18 =	sld [smem:$0x3FDB];
	_ =	sdelay $0x1  }
0x9f: {  	s19 =	simm.s32 $_scs_section_size  }
0xa0: {  	s5 =	simm.s32 $_size__tile_overlayer_lowered;
	s6 =	simm.s32 $_tile_overlayer_lowered  }
0xa1: {  	s22 =	simm.s32 $0x1BFF;
	s21 =	sshll.u32 s6, $0x1;
	s3 =	sadd.s32 s19, s18  }
0xa2: {  	s7 =	simm.s32 $0x0;
	s20 =	sshll.u32 s5, $0x1;
	s5 =	sadd.s32 s21, s3  }
0xa3: {  	[timem:s7], [sflag:s22] =	dma.local [hbm:s5], s20  }
0xa4: {  	_ =	swait.ge [sflag:s22], s20  }
0xa5: {  	s4 =	ssub.s32 $0x0, s20;
	[sflag:s22] =	ssyncset.done $0x0  }
0xa6: {  	[sflag:s22] =	ssyncadd.s32 s4;
	_ =	sdelay $0x1  }
0xa7: {  	s23 =	simm.s32 $0x1B8B  }
0xa8: {  	_ =	swait.ge [sflag:s23], $0x1  }
0xa9: {  	[sflag:s23] =	ssyncset.done $0x0  }
0xaa: {  	s25 =	simm.s32 $0x1B8E;
	s24 =	sld [smem:$0x3FFE];
	[sflag:s23] =	ssyncadd.s32 $0xFFFFFFFF  }
0xab: {  	s26 =	simm.s32 $execute0_lowered;
	[smem:$0x3FD2] =	sst s25  }
0xac: {  	s5 =	sshll.u32 s26, $0x1;
	_ =	strace $0x80000046;
	[dreg:$0x1] =	wrdreg $0xFFFFFFFF  }
0xad: {  	s28 =	simm.s32 $_size_execute0_lowered;
	s3 =	sadd.s32 s3, s5;
	[dreg:$0x0] =	wrdreg $0x0  }
0xae: {  	s5 =	sshll.u32 s28, $0x1;
	[dreg:$0x2] =	wrdreg s3  }
0xaf: {  	[dreg:$0x3] =	wrdreg s5  }
0xb0: {  	[dreg:$0x4] =	wrdreg $0xC0  }
0xb1: {  	_ =	task [dreg:s7], $0x5FFFF  }
0xb2: {  	[dreg:$0x1] =	wrdreg $0xFFFFFFFF  }
0xb3: {  	[dreg:$0x0] =	wrdreg $0x60  }
0xb4: {  	[dreg:$0x2] =	wrdreg s24  }
0xb5: {  	[dreg:$0x3] =	wrdreg s16  }
0xb6: {  	[dreg:$0x4] =	wrdreg $0x9  }
0xb7: {  	_ =	task.clear_ibuf [dreg:s7], $0x5FFFF;
	_ =	strace $0x90000046  }
0xb8: {  	s29 =	simm.s32 $0x9;
	_ =	strace $0x80000048  }
0xb9: {  	_ =	swait.ge [sflag:s29], $0x1  }
0xba: {  	[sflag:s29] =	ssyncadd.s32 $0xFFFFFFFF  }
0xbb: {  	_ =	strace $0x90000048  }
0xbc: {  	_ =	sfence  }
0xbd: {  	s30 =	sld [smem:$0x0];
	_ =	sdelay $0x2  }
0xbe: {  	s31 =	sshll.u32 s1, $0xD;
	s1 =	sshrl.u32 s1, $0x2  }
0xbf: {  	s3 =	sand.u32 $0x4000, s31;
	s1 =	sadd.s32 s1, s30  }
0xc0: {  	s0 =	sor.u32 s3, s0;
	s1 =	sshll.u32 s1, $0x11  }
0xc1: {  	s0 =	sor.u32 s1, s0  }
0xc2: {  	s0 =	sadd.s32 $0x8F2B, s0  }
0xc3: {  	[sflag:s0] =	ssyncadd.remote.s32 $0x1  }
0xc4: {  	_ =	sfence.sel $0xFFFF  }
0xc5: {  	[dreg:$0x0] =	wrdreg $0xFFFFFFFF;
	(pc) =	sbr.abs _section_cstart, $3  }
0xc6: {  	[dreg:$0x1] =	wrdreg $0xFFFFFFFF  }
0xc7: {  	_ =	task.clear_ibuf [dreg:s7], $0x2FFFF;
	_ =	strace $0x9FFFFFFF  }
0xc8: {  	(tm) =	ssettm $0x7FFFFFFF  }
0xc9: {  	_ =	shalt  }
tec
execute0_lowered:
.L_overlay_start_1:
0x0: {  	(tag) =	ssettag $0x1  }
0x1: {  	s0 =	rddreg [dreg:$0x0]  }
0x2: {  	s1 =	srdreg.scid;
	s9 =	stileid.u32  }
0x3: {  	s2 =	rddreg [dreg:$0x1];
	s3 =	simm.s32 $0x0;
	s28 =	simm.s32 $0x9  }
0x4: {  	s29 =	simm.s32 $0xA;
	s30 =	simm.s32 $0xB;
	s6 =	smul.u32 $0xC800, s9  }
0x5: {  	s1 =	sand.u32 $0x1, s1;
	s4 =	sshll.u32 s9, $0x1;
	s9 =	smul.u32 $0x320000, s9  }
0x6: {  	s31 =	simm.s32 $0xC;
	[smem:$0x7FF] =	sst s3;
	s7 =	smul.u32 $0x6400, s1  }
0x7: {  	s4 =	sor.u32 s1, s4;
	s8 =	ssub.s32 $0x2, s1;
	s1 =	smul.u32 $0x190000, s1  }
0x8: {  	_ =	strace $0x80000047;
	s5 =	smul.u32 $0x6400, s4;
	s10 =	sshrl.u32 s8, $0x1  }
0x9: {  	s4 =	sadd.s32 $0xF42C00, s0;
	s0 =	sadd.s32 $0x800, s0;
	s8 =	ssub.s32 s8, s10  }
0xa: {  	s11 =	sadd.s32 s7, s6;
	s1 =	sadd.s32 s1, s9;
	s5 =	sshrl.u32 s5, $0x3  }
0xb: {  	s13 =	sadd.s32 $0x500, s11;
	s14 =	smax.u32 s8, $0x1;
	s15 =	sor.u32 $0x4000, s1  }
0xc: {  	s16 =	sadd.s32 $0x400, s11;
	s18 =	sshrl.u32 s1, $0x3;
	s19 =	sor.u32 $0xC000, s1  }
0xd: {  	s1 =	sor.u32 $0x8000, s1;
	s23 =	sor.u32 $0x300, s11;
	s24 =	sor.u32 $0x200, s11  }
0xe: {  	s5 =	sadd.s32 s2, s5;
	[dreg:$0x9] =	wrdreg s14;
	s6 =	sshrl.u32 s13, $0x3  }
0xf: {  	[dreg:$0xb] =	wrdreg s16;
	s17 =	sshrl.u32 s15, $0x3;
	s20 =	sadd.s32 s18, s0  }
0x10: {  	s21 =	sshrl.u32 s19, $0x3;
	s1 =	sshrl.u32 s1, $0x3;
	s26 =	sshrl.u32 s24, $0x3  }
0x11: {  	s13 =	simm.s32 $0x1;
	s14 =	simm.s32 $0x400;
	s15 =	simm.s32 $0x200  }
0x12: {  	s16 =	simm.s32 $0x2;
	s18 =	simm.s32 $0x5;
	[dreg:$0x7] =	wrdreg s5  }
0x13: {  	s19 =	simm.s32 $0x300;
	s12 =	sadd.s32 $0x20, s5;
	[dreg:$0x4] =	wrdreg s20  }
0x14: {  	s24 =	simm.s32 $0xC400;
	s6 =	sadd.s32 s6, s2;
	[dreg:$0x8] =	wrdreg s12  }
0x15: {  	s22 =	sadd.s32 s21, s0;
	s20 =	simm.s32 $0x3;
	[dreg:$0xa] =	wrdreg s6  }
0x16: {  	s21 =	simm.s32 $0x8400;
	s6 =	sadd.s32 s17, s0;
	[dreg:$0x5] =	wrdreg s22  }
0x17: {  	s0 =	sadd.s32 s1, s0;
	s12 =	simm.s32 $0x100;
	s17 =	simm.s32 $0x4400  }
0x18: {  	s22 =	simm.s32 $0x6;
	s1 =	simm.s32 $0x0;
	[dreg:$0x3] =	wrdreg s6  }
0x19: {  	s6 =	sshrl.u32 s23, $0x3;
	[dreg:$0x6] =	wrdreg s0;
	s0 =	sadd.s32 s26, s2  }
0x1a: {  	s23 =	simm.s32 $0x4;
	s25 =	sadd.s32 s6, s2;
	[dreg:$0xd] =	wrdreg s0  }
0x1b: {  	s26 =	simm.s32 $0x8;
	[dreg:$0xc] =	wrdreg s25;
	s25 =	simm.s32 $0x7  }
.LBB2_1:
0x1c: {  	s0 =	rddreg [dreg:$0x7]  }
0x1d: {  	[tilespmem:s3], [sflag:$0x1] =	stream.linear.gather [hbm4b:s0+s3], $0x100, $0x38;
	[tilespmem:$0x10400] =	vst v63  }
0x1e: {  	s11 =	rddreg [dreg:$0x8]  }
0x1f: {  	[tilespmem:s12], [sflag:$0x2] =	stream.linear.gather [hbm4b:s11+s3], $0x100, $0x38;
	[tilespmem:$0x10400] =	vst v63  }
0x20: {  	_ =	swait.ge [sflag:s13], $0x100  }
0x21: {  	[sflag:s13] =	ssyncset.done $0x0  }
0x22: {  	[sflag:s13] =	ssyncadd.s32 $0xFFFFFF00  }
0x23: {  	v0 =	vld [tilespmem:$0x0]  }
0x24: {  	v1 =	vld [tilespmem:$0x10]  }
0x25: {  	v2 =	vld [tilespmem:$0x20]  }
0x26: {  	v3 =	vld [tilespmem:$0x30]  }
0x27: {  	v4 =	vld [tilespmem:$0x40]  }
0x28: {  	v5 =	vld [tilespmem:$0x50];
	v0 =	vadd.s32 $0x1, v0  }
0x29: {  	v40 =	vld [tilespmem:$0x60];
	v39 =	vadd.s32 $0x1, v1;
	[tilespmem:$0x0] =	vst v0  }
0x2a: {  	v42 =	vld [tilespmem:$0x70];
	v41 =	vadd.s32 $0x1, v2;
	[tilespmem:$0x10] =	vst v39  }
0x2b: {  	v44 =	vld [tilespmem:$0x80];
	v43 =	vadd.s32 $0x1, v3;
	[tilespmem:$0x20] =	vst v41  }
0x2c: {  	v46 =	vld [tilespmem:$0x90];
	v45 =	vadd.s32 $0x1, v4;
	[tilespmem:$0x30] =	vst v43  }
0x2d: {  	v48 =	vld [tilespmem:$0xA0];
	v47 =	vadd.s32 $0x1, v5;
	[tilespmem:$0x40] =	vst v45  }
0x2e: {  	v50 =	vld [tilespmem:$0xB0];
	v49 =	vadd.s32 $0x1, v40;
	[tilespmem:$0x50] =	vst v47  }
0x2f: {  	v52 =	vld [tilespmem:$0xC0];
	v51 =	vadd.s32 $0x1, v42;
	[tilespmem:$0x60] =	vst v49  }
0x30: {  	v54 =	vld [tilespmem:$0xD0];
	v53 =	vadd.s32 $0x1, v44;
	[tilespmem:$0x70] =	vst v51  }
0x31: {  	v56 =	vld [tilespmem:$0xE0];
	v55 =	vadd.s32 $0x1, v46;
	[tilespmem:$0x80] =	vst v53  }
0x32: {  	v58 =	vld [tilespmem:$0xF0];
	v57 =	vadd.s32 $0x1, v48;
	[tilespmem:$0x90] =	vst v55  }
0x33: {  	v59 =	vadd.s32 $0x1, v50;
	[tilespmem:$0xA0] =	vst v57  }
0x34: {  	v60 =	vadd.s32 $0x1, v52;
	[tilespmem:$0xB0] =	vst v59  }
0x35: {  	s11 =	rddreg [dreg:$0xd];
	v61 =	vadd.s32 $0x1, v54;
	[tilespmem:$0xC0] =	vst v60  }
0x36: {  	s10 =	rddreg [dreg:$0xc];
	v62 =	vadd.s32 $0x1, v56;
	[tilespmem:$0xD0] =	vst v61  }
0x37: {  	s9 =	rddreg [dreg:$0xb];
	v63 =	vadd.s32 $0x1, v58;
	[tilespmem:$0xE0] =	vst v62  }
0x38: {  	s7 =	simm.s32 $0x0;
	s5 =	rddreg [dreg:$0xa];
	[tilespmem:$0xF0] =	vst v63  }
0x39: {  	[tilespmem:s14], [sflag:$0x5] =	stream.indirect.gather [hbm4b:s4+s12], $0x40, s3, s12, $0xb8;
	[tilespmem:$0x10400] =	vst v63  }
.LBB2_2:
0x3a: {  	p0 =	seq.s32 s7, $0x0  }
0x3b: {  	s8 =	simm.s32 @!p0 $0xB  }
0x3c: {  	_ =	swait.ge @!p0 [sflag:s8], $0x4000  }
0x3d: {  	[sflag:s8] =	ssyncset.done @!p0 $0x0  }
0x3e: {  	[sflag:s8] =	ssyncadd.s32 @!p0 $0xFFFFC000  }
0x3f: {  	[tilespmem:s15], [sflag:$0x3] =	stream.linear.gather [hbm4b:s11+s3], $0x100, $0x38;
	[tilespmem:$0x10400] =	vst v63  }
0x40: {  	_ =	swait.ge [sflag:s16], $0x100  }
0x41: {  	[sflag:s16] =	ssyncset.done $0x0  }
0x42: {  	[sflag:s16] =	ssyncadd.s32 $0xFFFFFF00  }
0x43: {  	v0 =	vld [tilespmem:$0x100]  }
0x44: {  	v1 =	vld [tilespmem:$0x110]  }
0x45: {  	v2 =	vld [tilespmem:$0x120]  }
0x46: {  	v3 =	vld [tilespmem:$0x130]  }
0x47: {  	v4 =	vld [tilespmem:$0x140]  }
0x48: {  	v5 =	vld [tilespmem:$0x150];
	v0 =	vadd.s32 $0x1, v0  }
0x49: {  	v34 =	vld [tilespmem:$0x160];
	v33 =	vadd.s32 $0x1, v1;
	[tilespmem:$0x100] =	vst v0  }
0x4a: {  	v36 =	vld [tilespmem:$0x170];
	v35 =	vadd.s32 $0x1, v2;
	[tilespmem:$0x110] =	vst v33  }
0x4b: {  	v38 =	vld [tilespmem:$0x180];
	v37 =	vadd.s32 $0x1, v3;
	[tilespmem:$0x120] =	vst v35  }
0x4c: {  	v40 =	vld [tilespmem:$0x190];
	v39 =	vadd.s32 $0x1, v4;
	[tilespmem:$0x130] =	vst v37  }
0x4d: {  	v42 =	vld [tilespmem:$0x1A0];
	v41 =	vadd.s32 $0x1, v5;
	[tilespmem:$0x140] =	vst v39  }
0x4e: {  	v44 =	vld [tilespmem:$0x1B0];
	v43 =	vadd.s32 $0x1, v34;
	[tilespmem:$0x150] =	vst v41  }
0x4f: {  	v46 =	vld [tilespmem:$0x1C0];
	v45 =	vadd.s32 $0x1, v36;
	[tilespmem:$0x160] =	vst v43  }
0x50: {  	v48 =	vld [tilespmem:$0x1D0];
	v47 =	vadd.s32 $0x1, v38;
	[tilespmem:$0x170] =	vst v45  }
0x51: {  	v50 =	vld [tilespmem:$0x1E0];
	v49 =	vadd.s32 $0x1, v40;
	[tilespmem:$0x180] =	vst v47  }
0x52: {  	v52 =	vld [tilespmem:$0x1F0];
	v51 =	vadd.s32 $0x1, v42;
	[tilespmem:$0x190] =	vst v49  }
0x53: {  	v53 =	vadd.s32 $0x1, v44;
	[tilespmem:$0x1A0] =	vst v51  }
0x54: {  	v54 =	vadd.s32 $0x1, v46;
	[tilespmem:$0x1B0] =	vst v53  }
0x55: {  	v55 =	vadd.s32 $0x1, v48;
	[tilespmem:$0x1C0] =	vst v54  }
0x56: {  	v56 =	vadd.s32 $0x1, v50;
	[tilespmem:$0x1D0] =	vst v55  }
0x57: {  	v57 =	vadd.s32 $0x1, v52;
	[tilespmem:$0x1E0] =	vst v56  }
0x58: {  	[tilespmem:$0x1F0] =	vst v57  }
0x59: {  	[tilespmem:s17], [sflag:$0x6] =	stream.indirect.gather [hbm4b:s4+s12], $0x40, s12, s12, $0xb8;
	[tilespmem:$0x10400] =	vst v63  }
0x5a: {  	_ =	swait.ge [sflag:s18], $0x4000  }
0x5b: {  	s0 =	rddreg [dreg:$0x4];
	[sflag:s18] =	ssyncset.done $0x0  }
0x5c: {  	[sflag:s18] =	ssyncadd.s32 $0xFFFFC000;
	s8 =	sadd.s32 s7, s0  }
0x5d: {  	[hbm4b:s8+s3] =	stream.linear.scatter [tilespmem:s14], [sflag:$0x9], $0x4000, $0x38;
	[tilespmem:$0x10400] =	vst v63  }
0x5e: {  	s8 =	simm.s32 @!p0 $0xC  }
0x5f: {  	_ =	swait.ge @!p0 [sflag:s8], $0x4000  }
0x60: {  	[sflag:s8] =	ssyncset.done @!p0 $0x0  }
0x61: {  	[sflag:s8] =	ssyncadd.s32 @!p0 $0xFFFFC000  }
0x62: {  	[tilespmem:s19], [sflag:$0x4] =	stream.linear.gather [hbm4b:s10+s3], $0x100, $0x38;
	[tilespmem:$0x10400] =	vst v63  }
0x63: {  	_ =	swait.ge [sflag:s20], $0x100  }
0x64: {  	[sflag:s20] =	ssyncset.done $0x0  }
0x65: {  	[sflag:s20] =	ssyncadd.s32 $0xFFFFFF00  }
0x66: {  	v58 =	vld [tilespmem:$0x200]  }
0x67: {  	v59 =	vld [tilespmem:$0x210]  }
0x68: {  	v60 =	vld [tilespmem:$0x220]  }
0x69: {  	v61 =	vld [tilespmem:$0x230]  }
0x6a: {  	v62 =	vld [tilespmem:$0x240]  }
0x6b: {  	v63 =	vld [tilespmem:$0x250];
	v0 =	vadd.s32 $0x1, v58  }
0x6c: {  	v9 =	vld [tilespmem:$0x260];
	v8 =	vadd.s32 $0x1, v59;
	[tilespmem:$0x200] =	vst v0  }
0x6d: {  	v11 =	vld [tilespmem:$0x270];
	v10 =	vadd.s32 $0x1, v60;
	[tilespmem:$0x210] =	vst v8  }
0x6e: {  	v13 =	vld [tilespmem:$0x280];
	v12 =	vadd.s32 $0x1, v61;
	[tilespmem:$0x220] =	vst v10  }
0x6f: {  	v15 =	vld [tilespmem:$0x290];
	v14 =	vadd.s32 $0x1, v62;
	[tilespmem:$0x230] =	vst v12  }
0x70: {  	v17 =	vld [tilespmem:$0x2A0];
	v16 =	vadd.s32 $0x1, v63;
	[tilespmem:$0x240] =	vst v14  }
0x71: {  	v19 =	vld [tilespmem:$0x2B0];
	v18 =	vadd.s32 $0x1, v9;
	[tilespmem:$0x250] =	vst v16  }
0x72: {  	v21 =	vld [tilespmem:$0x2C0];
	v20 =	vadd.s32 $0x1, v11;
	[tilespmem:$0x260] =	vst v18  }
0x73: {  	v23 =	vld [tilespmem:$0x2D0];
	v22 =	vadd.s32 $0x1, v13;
	[tilespmem:$0x270] =	vst v20  }
0x74: {  	v25 =	vld [tilespmem:$0x2E0];
	v24 =	vadd.s32 $0x1, v15;
	[tilespmem:$0x280] =	vst v22  }
0x75: {  	v27 =	vld [tilespmem:$0x2F0];
	v26 =	vadd.s32 $0x1, v17;
	[tilespmem:$0x290] =	vst v24  }
0x76: {  	v28 =	vadd.s32 $0x1, v19;
	[tilespmem:$0x2A0] =	vst v26  }
0x77: {  	v29 =	vadd.s32 $0x1, v21;
	[tilespmem:$0x2B0] =	vst v28  }
0x78: {  	v30 =	vadd.s32 $0x1, v23;
	[tilespmem:$0x2C0] =	vst v29  }
0x79: {  	v31 =	vadd.s32 $0x1, v25;
	[tilespmem:$0x2D0] =	vst v30  }
0x7a: {  	v32 =	vadd.s32 $0x1, v27;
	[tilespmem:$0x2E0] =	vst v31  }
0x7b: {  	[tilespmem:$0x2F0] =	vst v32  }
0x7c: {  	[tilespmem:s21], [sflag:$0x7] =	stream.indirect.gather [hbm4b:s4+s12], $0x40, s15, s12, $0xb8;
	[tilespmem:$0x10400] =	vst v63  }
0x7d: {  	_ =	swait.ge [sflag:s22], $0x4000  }
0x7e: {  	s6 =	rddreg [dreg:$0x3];
	[sflag:s22] =	ssyncset.done $0x0  }
0x7f: {  	p0 =	seq.s32 s7, $0x30000;
	[sflag:s22] =	ssyncadd.s32 $0xFFFFC000;
	s8 =	sadd.s32 s7, s6  }
0x80: {  	[hbm4b:s8+s3] =	stream.linear.scatter [tilespmem:s17], [sflag:$0xA], $0x4000, $0x38;
	[tilespmem:$0x10400] =	vst v63  }
0x81: {  	s8 =	simm.s32 @!p0 $0x9  }
0x82: {  	_ =	swait.ge @!p0 [sflag:s8], $0x4000  }
0x83: {  	s6 =	sshrl.u32 @!p0 s9, $0x3;
	[sflag:s8] =	ssyncset.done @!p0 $0x0  }
0x84: {  	s6 =	sadd.s32 @!p0 s2, s6;
	[sflag:s8] =	ssyncadd.s32 @!p0 $0xFFFFC000;
	s8 =	simm.s32 @!p0 $0x0  }
0x85: {  	[tilespmem:s8], [sflag:$0x1] =	stream.linear.gather @!p0 [hbm4b:s6+s8], $0x100, $0x38;
	[tilespmem:$0x10400] =	vst v63  }
0x86: {  	_ =	swait.ge [sflag:s23], $0x100  }
0x87: {  	[sflag:s23] =	ssyncset.done $0x0  }
0x88: {  	[sflag:s23] =	ssyncadd.s32 $0xFFFFFF00  }
0x89: {  	v33 =	vld [tilespmem:$0x300]  }
0x8a: {  	v34 =	vld [tilespmem:$0x310]  }
0x8b: {  	v35 =	vld [tilespmem:$0x320]  }
0x8c: {  	v36 =	vld [tilespmem:$0x330]  }
0x8d: {  	v37 =	vld [tilespmem:$0x340]  }
0x8e: {  	v38 =	vld [tilespmem:$0x350];
	v0 =	vadd.s32 $0x1, v33  }
0x8f: {  	v40 =	vld [tilespmem:$0x360];
	v39 =	vadd.s32 $0x1, v34;
	[tilespmem:$0x300] =	vst v0  }
0x90: {  	v42 =	vld [tilespmem:$0x370];
	v41 =	vadd.s32 $0x1, v35;
	[tilespmem:$0x310] =	vst v39  }
0x91: {  	v44 =	vld [tilespmem:$0x380];
	v43 =	vadd.s32 $0x1, v36;
	[tilespmem:$0x320] =	vst v41  }
0x92: {  	v46 =	vld [tilespmem:$0x390];
	v45 =	vadd.s32 $0x1, v37;
	[tilespmem:$0x330] =	vst v43  }
0x93: {  	v48 =	vld [tilespmem:$0x3A0];
	v47 =	vadd.s32 $0x1, v38;
	[tilespmem:$0x340] =	vst v45  }
0x94: {  	v50 =	vld [tilespmem:$0x3B0];
	v49 =	vadd.s32 $0x1, v40;
	[tilespmem:$0x350] =	vst v47  }
0x95: {  	v52 =	vld [tilespmem:$0x3C0];
	v51 =	vadd.s32 $0x1, v42;
	[tilespmem:$0x360] =	vst v49  }
0x96: {  	v54 =	vld [tilespmem:$0x3D0];
	v53 =	vadd.s32 $0x1, v44;
	[tilespmem:$0x370] =	vst v51  }
0x97: {  	v56 =	vld [tilespmem:$0x3E0];
	v55 =	vadd.s32 $0x1, v46;
	[tilespmem:$0x380] =	vst v53  }
0x98: {  	v58 =	vld [tilespmem:$0x3F0];
	v57 =	vadd.s32 $0x1, v48;
	[tilespmem:$0x390] =	vst v55  }
0x99: {  	v59 =	vadd.s32 $0x1, v50;
	[tilespmem:$0x3A0] =	vst v57  }
0x9a: {  	v60 =	vadd.s32 $0x1, v52;
	[tilespmem:$0x3B0] =	vst v59  }
0x9b: {  	v61 =	vadd.s32 $0x1, v54;
	[tilespmem:$0x3C0] =	vst v60  }
0x9c: {  	v62 =	vadd.s32 $0x1, v56;
	[tilespmem:$0x3D0] =	vst v61  }
0x9d: {  	v63 =	vadd.s32 $0x1, v58;
	[tilespmem:$0x3E0] =	vst v62  }
0x9e: {  	[tilespmem:$0x3F0] =	vst v63  }
0x9f: {  	[tilespmem:s24], [sflag:$0x8] =	stream.indirect.gather [hbm4b:s4+s12], $0x40, s19, s12, $0xb8;
	[tilespmem:$0x10400] =	vst v63  }
0xa0: {  	_ =	swait.ge [sflag:s25], $0x4000  }
0xa1: {  	s0 =	rddreg [dreg:$0x6];
	[sflag:s25] =	ssyncset.done $0x0  }
0xa2: {  	[sflag:s25] =	ssyncadd.s32 $0xFFFFC000;
	s6 =	sadd.s32 s7, s0  }
0xa3: {  	[hbm4b:s6+s3] =	stream.linear.scatter [tilespmem:s21], [sflag:$0xB], $0x4000, $0x38;
	[tilespmem:$0x10400] =	vst v63  }
0xa4: {  	s6 =	simm.s32 @!p0 $0xA  }
0xa5: {  	_ =	swait.ge @!p0 [sflag:s6], $0x4000  }
0xa6: {  	[sflag:s6] =	ssyncset.done @!p0 $0x0  }
0xa7: {  	s0 =	simm.s32 @!p0 $0x1;
	[sflag:s6] =	ssyncadd.s32 @!p0 $0xFFFFC000;
	s6 =	simm.s32 @!p0 $0x100  }
0xa8: {  	[tilespmem:s6], [sflag:$0x2] =	stream.linear.gather @!p0 [hbm4b:s5+s8], $0x100, $0x38;
	[tilespmem:$0x10400] =	vst v63  }
0xa9: {  	_ =	swait.ge @!p0 [sflag:s0], $0x100  }
0xaa: {  	[sflag:s0] =	ssyncset.done @!p0 $0x0  }
0xab: {  	[sflag:s0] =	ssyncadd.s32 @!p0 $0xFFFFFF00  }
0xac: {  	v0 =	vld @!p0 [tilespmem:$0x0]  }
0xad: {  	v1 =	vld @!p0 [tilespmem:$0x10]  }
0xae: {  	v2 =	vld @!p0 [tilespmem:$0x20]  }
0xaf: {  	v3 =	vld @!p0 [tilespmem:$0x30]  }
0xb0: {  	v4 =	vld @!p0 [tilespmem:$0x40]  }
0xb1: {  	v5 =	vld @!p0 [tilespmem:$0x50];
	v0 =	vadd.s32 @!p0 $0x1, v0  }
0xb2: {  	[tilespmem:$0x0] =	vst @!p0 v0;
	v0 =	vadd.s32 @!p0 $0x1, v1;
	v1 =	vld @!p0 [tilespmem:$0x60]  }
0xb3: {  	[tilespmem:$0x10] =	vst @!p0 v0;
	v0 =	vadd.s32 @!p0 $0x1, v2;
	v2 =	vld @!p0 [tilespmem:$0x70]  }
0xb4: {  	[tilespmem:$0x20] =	vst @!p0 v0;
	v0 =	vadd.s32 @!p0 $0x1, v3;
	v3 =	vld @!p0 [tilespmem:$0x80]  }
0xb5: {  	[tilespmem:$0x30] =	vst @!p0 v0;
	v0 =	vadd.s32 @!p0 $0x1, v4;
	v4 =	vld @!p0 [tilespmem:$0x90]  }
0xb6: {  	[tilespmem:$0x40] =	vst @!p0 v0;
	v0 =	vadd.s32 @!p0 $0x1, v5;
	v5 =	vld @!p0 [tilespmem:$0xA0]  }
0xb7: {  	[tilespmem:$0x50] =	vst @!p0 v0;
	v0 =	vadd.s32 @!p0 $0x1, v1;
	v1 =	vld @!p0 [tilespmem:$0xB0]  }
0xb8: {  	[tilespmem:$0x60] =	vst @!p0 v0;
	v0 =	vadd.s32 @!p0 $0x1, v2;
	v2 =	vld @!p0 [tilespmem:$0xC0]  }
0xb9: {  	[tilespmem:$0x70] =	vst @!p0 v0;
	v0 =	vadd.s32 @!p0 $0x1, v3;
	v3 =	vld @!p0 [tilespmem:$0xD0]  }
0xba: {  	[tilespmem:$0x80] =	vst @!p0 v0;
	v0 =	vadd.s32 @!p0 $0x1, v4;
	v4 =	vld @!p0 [tilespmem:$0xE0]  }
0xbb: {  	[tilespmem:$0x90] =	vst @!p0 v0;
	v0 =	vadd.s32 @!p0 $0x1, v5;
	v5 =	vld @!p0 [tilespmem:$0xF0]  }
0xbc: {  	[tilespmem:$0xA0] =	vst @!p0 v0;
	v0 =	vadd.s32 @!p0 $0x1, v1  }
0xbd: {  	[tilespmem:$0xB0] =	vst @!p0 v0;
	v0 =	vadd.s32 @!p0 $0x1, v2  }
0xbe: {  	[tilespmem:$0xC0] =	vst @!p0 v0;
	v0 =	vadd.s32 @!p0 $0x1, v3  }
0xbf: {  	[tilespmem:$0xD0] =	vst @!p0 v0;
	v0 =	vadd.s32 @!p0 $0x1, v4  }
0xc0: {  	[tilespmem:$0xE0] =	vst @!p0 v0;
	v0 =	vadd.s32 @!p0 $0x1, v5  }
0xc1: {  	s0 =	simm.s32 @!p0 $0x400;
	[tilespmem:$0xF0] =	vst @!p0 v0  }
0xc2: {  	[tilespmem:s0], [sflag:$0x5] =	stream.indirect.gather @!p0 [hbm4b:s4+s6], $0x40, s8, s6, $0xb8;
	[tilespmem:$0x10400] =	vst v63  }
0xc3: {  	_ =	swait.ge [sflag:s26], $0x4000  }
0xc4: {  	s8 =	rddreg [dreg:$0x5]  }
0xc5: {  	s0 =	sadd.s32 s7, s8;
	s7 =	sadd.s32 $0x2000, s7  }
0xc6: {  	p0 =	sne.s32 s7, $0x32000  }
.Ltmp0:
0xc7: {  	_ = 	snop;
	(pc) =	sbr.rel @p0 .LBB2_2-.Ltmp0, $4  }
0xc8: {  	_ = 	snop  }
0xc9: {  	s11 =	sadd.s32 $0x80, s11;
	s10 =	sadd.s32 $0x80, s10;
	[sflag:s26] =	ssyncset.done $0x0  }
0xca: {  	s9 =	sadd.s32 $0x400, s9;
	s5 =	sadd.s32 $0x80, s5;
	[sflag:s26] =	ssyncadd.s32 $0xFFFFC000  }
0xcb: {  	[hbm4b:s0+s3] =	stream.linear.scatter [tilespmem:s24], [sflag:$0xC], $0x4000, $0x38;
	[tilespmem:$0x10400] =	vst v63  }
0xcc: {  	_ =	swait.ge [sflag:s28], $0x4000  }
0xcd: {  	[sflag:s28] =	ssyncset.done $0x0  }
0xce: {  	[sflag:s28] =	ssyncadd.s32 $0xFFFFC000  }
0xcf: {  	_ =	swait.ge [sflag:s29], $0x4000  }
0xd0: {  	[sflag:s29] =	ssyncset.done $0x0  }
0xd1: {  	[sflag:s29] =	ssyncadd.s32 $0xFFFFC000  }
0xd2: {  	_ =	swait.ge [sflag:s30], $0x4000  }
0xd3: {  	[sflag:s30] =	ssyncset.done $0x0  }
0xd4: {  	[sflag:s30] =	ssyncadd.s32 $0xFFFFC000  }
0xd5: {  	_ =	swait.ge [sflag:s31], $0x4000  }
0xd6: {  	s1 =	sadd.s32 $0x1, s1;
	s0 =	rddreg [dreg:$0x9]  }
0xd7: {  	p0 =	sne.s32 s1, s0  }
.Ltmp1:
0xd8: {  	_ = 	snop;
	(pc) =	sbr.rel @p0 .LBB2_1-.Ltmp1, $3  }
0xd9: {  	_ =	sdelay $0x1  }
0xda: {  	[sflag:s31] =	ssyncset.done $0x0  }
0xdb: {  	[sflag:s31] =	ssyncadd.s32 $0xFFFFC000  }
0xdc: {  	_ =	sfence.sel $0x180000  }
0xdd: {  	[bflag:$0x0] =	sbarrier.arrive $0xFFFF  }
0xde: {  	_ =	strace $0x90000047  }
0xdf: {  	s0 =	stileid.u32;
	[bflag:$0x2] =	sbarrier.arrive $0xFFFF  }
0xe0: {  	p0 =	sne.s32 s0, $0x0;
	s0 =	rddreg [dreg:$0x2]  }
0xe1: {  	s0 =	sadd.s32 @!p0 $0x100000, s0  }
0xe2: {  	[sflag:s0] =	ssyncadd.tile.s32 @!p0 $0x1;
	_ =	shalt  }
.Lfunc_end2:
_tile_overlayer_lowered:
.L_overlay_start_2:
0xe3: {  	(tag) =	ssettag $0x2  }
0xe4: {  	s0 =	rddreg [dreg:$0x0];
	s2 =	stileid.u32  }
0xe5: {  	s1 =	rddreg [dreg:$0x1];
	p0 =	sne.s32 s2, $0x0  }
0xe6: {  	s3 =	rddreg [dreg:$0x2];
	[bflag:$0x3] =	sbarrier.arrive $0xFFFF;
	s2 =	simm.s32 @!p0 $0x1C0D  }
0xe7: {  	[timem:s3], [sflag:s2] =	dma.local @!p0 [hbm:s0], s1  }
0xe8: {  	s0 =	simm.s32 @!p0 $0xD  }
0xe9: {  	_ =	swait.ge @!p0 [sflag:s0], s1  }
0xea: {  	s1 =	ssub.s32 @!p0 $0x0, s1;
	[sflag:s0] =	ssyncset.done @!p0 $0x0  }
0xeb: {  	[sflag:s0] =	ssyncadd.s32 @!p0 s1  }
0xec: {  	[bflag:$0x3] =	sbarrier.arrive $0xFFFF  }
0xed: {  	_ =	shalt  }

</sc_bundles>
